<compile_context>
chip_gen: v7x
topology: tpu7x:2x2x1
jax: 0.10.2.dev20260603
libtpu: 0.0.44.dev20260713+nightly
codegen_flags: <defaults>
</compile_context>

<pallas_src>
import functools

import jax
import jax.numpy as jnp
from jax import lax
from jax.experimental import pallas as pl
from jax.experimental.pallas import tpu as pltpu
from jax.experimental.pallas import tpu_sc as plsc

_S = 128
_BJ = 512
_NPAD = 8



def _sc_compact_body(n, cp_hbm, embf_hbm, compact_hbm, ncp_hbm, counts_hbm,
                     cp_v, idx_v, emb_v, crow_v, stage_v, counts_v,
                     outidx0, outidx1, outidx2, outidx3, sem_s):
    i32 = jnp.int32
    outidx = (outidx0, outidx1, outidx2, outidx3)
    c = lax.axis_index("c")
    s = lax.axis_index("s")
    b = c * 2 + s // 8
    rank = s % 8
    wid32 = c * 16 + s
    chunk = n // 8
    nrow = n + _NPAD

    base_rows = b * n + rank * chunk
    pltpu.sync_copy(cp_hbm.at[pl.ds(base_rows, chunk)], cp_v)
    pltpu.sync_copy(embf_hbm.at[pl.ds(base_rows, chunk)], emb_v)

    lanes = lax.iota(i32, 16)
    off = jnp.int32(0)
    for i in range(chunk // 16):
        cpv = cp_v[pl.ds(i * 16, 16)]
        m = cpv != 0
        li = i * 16 + lanes
        pref = plsc.cumsum(m.astype(i32))
        pos = jnp.where(m, off + pref - 1, chunk)
        plsc.store_scatter(idx_v, [pos], li)
        off = off + pref[15]
    local_cnt = off

    stage_v[...] = jnp.where(lanes == 0, local_cnt, 0)
    pltpu.sync_copy(stage_v, counts_hbm.at[wid32])

    def pack_one(k, _):
        lid = idx_v[pl.ds(k, 16)][0]
        row = plsc.load_gather(emb_v, [jnp.broadcast_to(lid, (16,)), lanes])
        plsc.store_scatter(crow_v, [jnp.broadcast_to(k, (16,)), lanes], row)
        return 0
    lax.fori_loop(0, local_cnt, pack_one, 0)

    plsc.subcore_barrier()
    row0 = c * 16 + (s // 8) * 8
    pltpu.sync_copy(counts_hbm.at[pl.ds(row0, 8)], counts_v)
    base = jnp.int32(0)
    ncp_b = jnp.int32(0)
    for j in range(8):
        cj = counts_v[j][0]
        base = base + jnp.where(j < rank, cj, 0)
        ncp_b = ncp_b + cj

    @pl.when(rank == 0)
    def _():
        stage_v[...] = jnp.where(lanes == 0, ncp_b, 0)
        pltpu.sync_copy(stage_v, ncp_hbm.at[b])

    dump = b * nrow + n
    out0 = b * nrow + base
    scatters = []
    for g in range(chunk // 128):
        for v in range(8):
            o = g * 128 + v * 16
            kvec = o + lanes
            valid = kvec < local_cnt
            outidx[g][pl.ds(v * 16, 16)] = jnp.where(valid, out0 + kvec, dump)
        scatters.append(pltpu.async_copy(
            crow_v.at[pl.ds(g * 128, 128), :],
            compact_hbm.at[outidx[g]], sem_s))
    for cp_desc in scatters:
        cp_desc.wait()


def _sc_compact(cp_flat, emb_flat, B, N, D):
    f32 = jnp.float32
    i32 = jnp.int32
    mesh = plsc.VectorSubcoreMesh(core_axis_name="c", subcore_axis_name="s")
    chunk = N // 8
    return pl.kernel(
        functools.partial(_sc_compact_body, N),
        compiler_params=pltpu.CompilerParams(
            use_tc_tiling_on_sc=False,
            needs_layout_passes=False,
        ),
        out_type=(
            jax.ShapeDtypeStruct((B * (N + _NPAD), D), f32),
            jax.ShapeDtypeStruct((B, 16), i32),
            jax.ShapeDtypeStruct((32, 16), i32),
        ),
        mesh=mesh,
        scratch_types=(
            [
                pltpu.VMEM((chunk,), i32),
                pltpu.VMEM((chunk + 16,), i32),
                pltpu.VMEM((chunk, D), f32),
                pltpu.VMEM((chunk, D), f32),
                pltpu.VMEM((16,), i32),
                pltpu.VMEM((8, 16), i32),
            ]
            + [pltpu.VMEM((128,), i32) for _ in range(4)]
            + [pltpu.SemaphoreType.DMA]
        ),
    )(cp_flat, emb_flat)



def _softplus(x):
    return jnp.maximum(x, 0.0) + jnp.log(1.0 + jnp.exp(-jnp.abs(x)))


def _tc1_body(beta_ref, e_ref, sid_ref, cp_ref, out_ref, *, n):
    b = pl.program_id(0)
    f32 = jnp.float32
    i32 = jnp.int32
    E = e_ref[0]
    bb = beta_ref[0]
    w = cp_ref[0]
    sid = sid_ref[0]

    n_cp = jnp.sum(w)
    n_non = n - n_cp
    pos = jnp.sum(_softplus(-bb) * w) / jnp.maximum(n_cp, 1.0)
    neg_sum = jnp.sum(_softplus(bb) * (1.0 - w))
    neg = jnp.where(n_non > 0, neg_sum / jnp.maximum(n_non, 1.0), 0.0)
    beta_loss = pos + 0.5 * neg

    seg_i = lax.broadcasted_iota(i32, (_S, n), 0)
    ohT = (seg_i == sid).astype(f32)
    cnt = jnp.sum(ohT, axis=1, keepdims=True)
    dn = (((1,), (0,)), ((), ()))
    sum_e = lax.dot_general(ohT, E, dn, preferred_element_type=f32)
    E2 = E * E
    sq_col = jnp.sum(E2, axis=1, keepdims=True)
    sumsq = lax.dot_general(ohT, sq_col, dn, preferred_element_type=f32)

    idx_row = lax.broadcasted_iota(i32, (1, n), 1)
    cand = jnp.where(w > 0, idx_row, n)
    m = jnp.where(ohT > 0, cand, n)
    first_cp = jnp.min(m, axis=1, keepdims=True)
    seg_j = lax.broadcasted_iota(i32, (_S, n), 1)
    ohF = (seg_j == first_cp).astype(f32)
    C = lax.dot_general(ohF, E, dn, preferred_element_type=f32)
    dot_cs = jnp.sum(C * sum_e, axis=1, keepdims=True)
    csq = jnp.sum(C * C, axis=1, keepdims=True)
    inst_mean = (sumsq - 2.0 * dot_cs + cnt * csq) / jnp.maximum(cnt, 1.0)
    use = (cnt > 0) & (first_cp < n)
    attraction = jnp.sum(jnp.where(use, inst_mean, 0.0))

    out_ref[...] = jnp.broadcast_to(beta_loss + attraction, (1, 1, 1))



def _tc2_body(cE_ref, ncp_ref, out_ref, *, n):
    b = pl.program_id(0)
    f32 = jnp.float32
    i32 = jnp.int32
    ncp = ncp_ref[b, 0]
    ncp_f = ncp.astype(f32)
    dn_bt = (((1,), (1,)), ((), ()))
    cE = cE_ref[0]
    out_ref[...] = jnp.zeros((1, 1, 1), f32)
    for jb in range(n // _BJ):
        j0 = jb * _BJ

        @pl.when(j0 < ncp)
        def _(jb=jb, j0=j0):
            Ej = cE[j0:j0 + _BJ, :]
            Ej2 = Ej * Ej
            sqj_col = jnp.sum(Ej2, axis=1, keepdims=True)
            colmask = (j0 + lax.broadcasted_iota(i32, (1, _BJ), 1)) < ncp
            rowmask = (j0 + lax.broadcasted_iota(i32, (_BJ, 1), 0)) < ncp
            sqj_row = lax.dot_general(jnp.ones((1, cE.shape[1]), f32), Ej2,
                                      dn_bt, preferred_element_type=f32)
            Gd = lax.dot_general(Ej, Ej, dn_bt, preferred_element_type=f32)
            argd = 2.0 * Gd - sqj_col - sqj_row
            argd = jnp.where(colmask & rowmask, argd, -1e30)
            acc = jnp.sum(jnp.exp(argd))
            if jb > 0:
                Ei = cE[:j0, :]
                Ei2 = Ei * Ei
                sqi_col = jnp.sum(Ei2, axis=1, keepdims=True)
                G = lax.dot_general(Ei, Ej, dn_bt, preferred_element_type=f32)
                arg = 2.0 * G - sqi_col - sqj_row
                arg = jnp.where(colmask, arg, -1e30)
                acc = acc + 2.0 * jnp.sum(jnp.exp(arg))
            out_ref[...] = out_ref[...] + jnp.broadcast_to(acc, (1, 1, 1))

    rep = out_ref[...][0, 0, 0]
    rep_mean = rep / jnp.maximum(ncp_f * ncp_f, 1.0)
    out_ref[...] = jnp.broadcast_to(
        jnp.where(ncp_f > 1, rep_mean, 0.0), (1, 1, 1))


def kernel(beta, embed, slice_id, is_cp):
    B, N, D = embed.shape
    f32 = jnp.float32
    beta_row = beta[..., 0].astype(f32).reshape(B, 1, N)
    cp_row = is_cp.astype(f32).reshape(B, 1, N)
    sid_row = slice_id.astype(jnp.int32).reshape(B, 1, N)

    cp_flat = is_cp.astype(jnp.int32).reshape(B * N)
    emb2d = embed.reshape(B * N, D)
    compact, ncp_tbl, _counts = _sc_compact(cp_flat, emb2d, B, N, D)
    compact3d = compact.reshape(B, N + _NPAD, D)

    ba = pl.pallas_call(
        functools.partial(_tc1_body, n=N),
        grid=(B,),
        in_specs=[
            pl.BlockSpec((1, 1, N), lambda b: (b, 0, 0)),
            pl.BlockSpec((1, N, D), lambda b: (b, 0, 0)),
            pl.BlockSpec((1, 1, N), lambda b: (b, 0, 0)),
            pl.BlockSpec((1, 1, N), lambda b: (b, 0, 0)),
        ],
        out_specs=pl.BlockSpec((1, 1, 1), lambda b: (b, 0, 0)),
        out_shape=jax.ShapeDtypeStruct((B, 1, 1), f32),
    )(beta_row, embed, sid_row, cp_row)

    rep = pl.pallas_call(
        functools.partial(_tc2_body, n=N),
        grid=(B,),
        in_specs=[
            pl.BlockSpec((1, N + _NPAD, D), lambda b: (b, 0, 0)),
            pl.BlockSpec(memory_space=pltpu.SMEM),
        ],
        out_specs=pl.BlockSpec((1, 1, 1), lambda b: (b, 0, 0)),
        out_shape=jax.ShapeDtypeStruct((B, 1, 1), f32),
    )(compact3d, ncp_tbl)

    ncp_b = ncp_tbl[:, 0].astype(f32)
    active = ncp_b > 0
    contrib = ba[:, 0, 0] + rep[:, 0, 0]
    total = jnp.sum(jnp.where(active, contrib, 0.0))
    count = jnp.sum(active.astype(f32))
    return jnp.where(count > 0, total / jnp.maximum(count, 1.0),
                     jnp.float32(0.0))

# --- scband reference (transcript-rebuilt; emitter-appended) ---
"""Pipeline reference for scband-object-condensation-loss-30236569764496 (READ-ONLY COPY).

The authoritative reference and input builder live on the scoring server;
editing this copy changes nothing except your own understanding.
"""

import jax, jax.numpy as jnp
import numpy as np

ATTR_W = 1.0
REP_W = 1.0
BPOS_W = 1.0
BNEG_W = 0.5


def setup_inputs(seed: int = 0):
    key = jax.random.key(seed)
    kb, ke, ks, kc = jax.random.split(key, 4)
    B, N, D = 4, 4096, 16
    beta = jax.random.normal(kb, (B, N, 1), dtype=jnp.float32)
    embed = jax.random.normal(ke, (B, N, D), dtype=jnp.float32)
    slice_id = jax.random.randint(ks, (B, N), 0, 128)
    is_cp = jax.random.randint(kc, (B, N), 0, 2).astype(bool)
    return {"beta": beta, "embed": embed, "slice_id": slice_id, "is_cp": is_cp}


def _loss(beta, embed, slice_id, is_cp):
    beta_s = beta[..., 0]
    B, N, D = embed.shape
    total = jnp.asarray(0.0, dtype=jnp.float32)
    count = jnp.asarray(0, dtype=jnp.int32)
    for b in range(B):
        sid = slice_id[b]
        cpm = is_cp[b]
        bb = beta_s[b]
        eb = embed[b]
        valid = sid >= 0
        n_valid = valid.sum()
        cpv = cpm & valid
        n_cp = cpv.sum()
        active = (n_valid > 0) & (n_cp > 0)
        cpv_f = cpv.astype(jnp.float32)
        # BCE-with-logits, target=1 -> softplus(-x); target=0 -> softplus(x)
        pos = jnp.sum(jax.nn.softplus(-bb) * cpv_f) / jnp.maximum(n_cp, 1)
        non_cp = ~cpm
        n_non = non_cp.sum()
        neg = jnp.where(
            n_non > 0,
            jnp.sum(jax.nn.softplus(bb) * non_cp.astype(jnp.float32))
            / jnp.maximum(n_non, 1),
            0.0,
        )
        beta_loss = BPOS_W * pos + BNEG_W * neg
        # attraction: per-instance mean squared distance to first CP of that instance
        sid_c = jnp.where(valid, sid, 0)
        valid_f = valid.astype(jnp.float32)
        idx = jnp.arange(N)
        cand = jnp.where(cpv, idx, N)
        first_cp = jax.ops.segment_min(cand, sid_c, num_segments=N)
        has_cp = first_cp < N
        safe_first = jnp.minimum(first_cp, N - 1)
        inst_cp_emb = eb[safe_first]
        ref_emb = inst_cp_emb[sid_c]
        d2h = jnp.sum((eb - ref_emb) ** 2, axis=1)
        seg_sum = jax.ops.segment_sum(d2h * valid_f, sid_c, num_segments=N)
        seg_cnt = jax.ops.segment_sum(valid_f, sid_c, num_segments=N)
        inst_mean = seg_sum / jnp.maximum(seg_cnt, 1.0)
        use = (seg_cnt > 0) & has_cp
        attraction = jnp.sum(jnp.where(use, inst_mean, 0.0)) * ATTR_W
        # repulsion: exp(-d2) over all CP pairs (incl. diagonal, as in torch)
        sq = jnp.sum(eb ** 2, axis=1)
        d2 = sq[:, None] + sq[None, :] - 2.0 * (eb @ eb.T)
        pair_mask = cpv_f[:, None] * cpv_f[None, :]
        n_cp_f = n_cp.astype(jnp.float32)
        rep_mean = jnp.sum(jnp.exp(-d2) * pair_mask) / jnp.maximum(
            n_cp_f * n_cp_f, 1.0
        )
        repulsion = jnp.where(n_cp > 1, rep_mean * REP_W, 0.0)
        contrib = beta_loss + attraction + repulsion
        total = total + jnp.where(active, contrib, 0.0)
        count = count + active.astype(jnp.int32)
    count_f = count.astype(jnp.float32)
    return jnp.where(
        count > 0,
        total / jnp.maximum(count_f, 1.0),
        jnp.asarray(0.0, dtype=jnp.float32),
    )


def reference(beta, embed, slice_id, is_cp):
    return _loss(beta, embed, slice_id, is_cp)

if __name__ == "__main__":
    import jax
    _d = setup_inputs()
    print(jax.jit(kernel)(*tuple(_d.values())))

</pallas_src>

<mosaic_0001>
#map = affine_map<(d0, d1) -> (0)>
#map1 = affine_map<(d0, d1) -> (0, 0)>
module attributes {stable_mosaic.version = 14 : i64} {
  func.func @_sc_compact_body(%arg0: i32, %arg1: i32, %arg2: memref<16384xi32, #tpu.memory_space<hbm>>, %arg3: memref<16384x16xf32, #tpu.memory_space<hbm>>, %arg4: memref<16416x16xf32, #tpu.memory_space<hbm>>, %arg5: memref<4x16xi32, #tpu.memory_space<hbm>>, %arg6: memref<32x16xi32, #tpu.memory_space<hbm>>, %arg7: memref<512xi32, #tpu.memory_space<vmem>>, %arg8: memref<528xi32, #tpu.memory_space<vmem>>, %arg9: memref<512x16xf32, #tpu.memory_space<vmem>>, %arg10: memref<512x16xf32, #tpu.memory_space<vmem>>, %arg11: memref<16xi32, #tpu.memory_space<vmem>>, %arg12: memref<8x16xi32, #tpu.memory_space<vmem>>, %arg13: memref<128xi32, #tpu.memory_space<vmem>>, %arg14: memref<128xi32, #tpu.memory_space<vmem>>, %arg15: memref<128xi32, #tpu.memory_space<vmem>>, %arg16: memref<128xi32, #tpu.memory_space<vmem>>, %arg17: memref<!tpu.dma_semaphore, #tpu.memory_space<semaphore_mem>>) attributes {dimension_semantics = [#tpu.dimension_semantics<core_parallel>, #tpu.dimension_semantics<subcore_parallel>], iteration_bounds = array<i64: 2, 16>, scalar_prefetch = 0 : i64, scratch_operands = 11 : i64, tpu.core_type = #tpu.core_type<sc_vector_subcore>, window_params = [{transform_indices = #map}, {transform_indices = #map1}, {transform_indices = #map1}, {transform_indices = #map1}, {transform_indices = #map1}]} {
    %mul3A = arith.constant 2 : i32
    %mul3A_0 = arith.muli %arg0, %mul3A : i32
    %jit3A = arith.constant 8 : i32
    %div3A = arith.divsi %arg1, %jit3A : i32
    %sign3A = arith.constant 0 : i32
    %sign3A_1 = arith.cmpi sgt, %arg1, %sign3A : i32
    %sign3A_2 = arith.extui %sign3A_1 : i1 to i32
    %sign3A_3 = arith.constant 0 : i32
    %sign3A_4 = arith.cmpi slt, %arg1, %sign3A_3 : i32
    %sign3A_5 = arith.extui %sign3A_4 : i1 to i32
    %sign3A_6 = arith.subi %sign3A_2, %sign3A_5 : i32
    %sign3A_7 = arith.constant 0 : i32
    %sign3A_8 = arith.cmpi sgt, %jit3A, %sign3A_7 : i32
    %sign3A_9 = arith.extui %sign3A_8 : i1 to i32
    %sign3A_10 = arith.constant 0 : i32
    %sign3A_11 = arith.cmpi slt, %jit3A, %sign3A_10 : i32
    %sign3A_12 = arith.extui %sign3A_11 : i1 to i32
    %sign3A_13 = arith.subi %sign3A_9, %sign3A_12 : i32
    %ne3A = arith.cmpi ne, %sign3A_6, %sign3A_13 : i32
    %rem3A = arith.remsi %arg1, %jit3A : i32
    %ne3A_14 = arith.constant 0 : i32
    %ne3A_15 = arith.cmpi ne, %rem3A, %ne3A_14 : i32
    %and3A = arith.andi %ne3A, %ne3A_15 : i1
    %sub3A = arith.constant 1 : i32
    %sub3A_16 = arith.subi %div3A, %sub3A : i32
    %select_n3A = arith.select %and3A, %sub3A_16, %div3A : i32
    %add3A = arith.addi %mul3A_0, %select_n3A : i32
    %jit3A_17 = arith.constant 8 : i32
    %eq3A = arith.constant 0 : i32
    %eq3A_18 = arith.cmpi eq, %jit3A_17, %eq3A : i32
    %jit3A_19 = arith.constant 1 : i32
    %select_n3A_20 = arith.select %eq3A_18, %jit3A_19, %jit3A_17 : i32
    %rem3A_21 = arith.remsi %arg1, %select_n3A_20 : i32
    %ne3A_22 = arith.constant 0 : i32
    %ne3A_23 = arith.cmpi ne, %rem3A_21, %ne3A_22 : i32
    %lt3A = arith.constant 0 : i32
    %lt3A_24 = arith.cmpi slt, %rem3A_21, %lt3A : i32
    %lt3A_25 = arith.constant 0 : i32
    %lt3A_26 = arith.cmpi slt, %select_n3A_20, %lt3A_25 : i32
    %ne3A_27 = arith.xori %lt3A_24, %lt3A_26 : i1
    %and3A_28 = arith.andi %ne3A_27, %ne3A_23 : i1
    %add3A_29 = arith.addi %rem3A_21, %select_n3A_20 : i32
    %select_n3A_30 = arith.select %and3A_28, %add3A_29, %rem3A_21 : i32
    %mul3A_31 = arith.constant 16 : i32
    %mul3A_32 = arith.muli %arg0, %mul3A_31 : i32
    %add3A_33 = arith.addi %mul3A_32, %arg1 : i32
    %mul3A_34 = arith.constant 4096 : i32
    %mul3A_35 = arith.muli %add3A, %mul3A_34 : i32
    %mul3A_36 = arith.constant 512 : i32
    %mul3A_37 = arith.muli %select_n3A_30, %mul3A_36 : i32
    %add3A_38 = arith.addi %mul3A_35, %mul3A_37 : i32
    "tpu.region"() ({
      %run_scoped3A = tpu.sem_alloc : memref<!tpu.dma_semaphore, #tpu.memory_space<semaphore_mem>>
      %dma_start3A_1325 = tpu.memref_slice %arg2[%add3A_38] : memref<16384xi32, #tpu.memory_space<hbm>> -> memref<512xi32, #tpu.memory_space<hbm>>
      %dma_start3A_1326 = tpu.memref_slice %arg2[%add3A_38] : memref<16384xi32, #tpu.memory_space<hbm>> -> memref<512xi32, #tpu.memory_space<hbm>>
      tpu.enqueue_dma source(%dma_start3A_1326 : memref<512xi32, #tpu.memory_space<hbm>>) target(%arg7 : memref<512xi32, #tpu.memory_space<vmem>>) target_semaphore(%run_scoped3A : memref<!tpu.dma_semaphore, #tpu.memory_space<semaphore_mem>>)
      %dma_wait3A_1327 = tpu.memref_slice %arg2[%add3A_38] : memref<16384xi32, #tpu.memory_space<hbm>> -> memref<512xi32, #tpu.memory_space<hbm>>
      %dma_wait3A_1328 = tpu.memref_slice %arg2[%add3A_38] : memref<16384xi32, #tpu.memory_space<hbm>> -> memref<512xi32, #tpu.memory_space<hbm>>
      tpu.wait_dma2 semaphore(%run_scoped3A : memref<!tpu.dma_semaphore, #tpu.memory_space<semaphore_mem>>) src(%dma_wait3A_1328 : memref<512xi32, #tpu.memory_space<hbm>>) dst(%arg7 : memref<512xi32, #tpu.memory_space<vmem>>)
      tpu.yield
    }) : () -> ()
    "tpu.region"() ({
      %run_scoped3A = tpu.sem_alloc : memref<!tpu.dma_semaphore, #tpu.memory_space<semaphore_mem>>
      %dma_start3A_1325 = arith.constant 0 : i32
      %dma_start3A_1326 = tpu.memref_slice %arg3[%add3A_38, %dma_start3A_1325] : memref<16384x16xf32, #tpu.memory_space<hbm>> -> memref<512x16xf32, #tpu.memory_space<hbm>>
      %dma_start3A_1327 = arith.constant 0 : i32
      %dma_start3A_1328 = tpu.memref_slice %arg3[%add3A_38, %dma_start3A_1327] : memref<16384x16xf32, #tpu.memory_space<hbm>> -> memref<512x16xf32, #tpu.memory_space<hbm>>
      tpu.enqueue_dma source(%dma_start3A_1328 : memref<512x16xf32, #tpu.memory_space<hbm>>) target(%arg9 : memref<512x16xf32, #tpu.memory_space<vmem>>) target_semaphore(%run_scoped3A : memref<!tpu.dma_semaphore, #tpu.memory_space<semaphore_mem>>)
      %dma_wait3A_1329 = arith.constant 0 : i32
      %dma_wait3A_1330 = tpu.memref_slice %arg3[%add3A_38, %dma_wait3A_1329] : memref<16384x16xf32, #tpu.memory_space<hbm>> -> memref<512x16xf32, #tpu.memory_space<hbm>>
      %dma_wait3A_1331 = arith.constant 0 : i32
      %dma_wait3A_1332 = tpu.memref_slice %arg3[%add3A_38, %dma_wait3A_1331] : memref<16384x16xf32, #tpu.memory_space<hbm>> -> memref<512x16xf32, #tpu.memory_space<hbm>>
      tpu.wait_dma2 semaphore(%run_scoped3A : memref<!tpu.dma_semaphore, #tpu.memory_space<semaphore_mem>>) src(%dma_wait3A_1332 : memref<512x16xf32, #tpu.memory_space<hbm>>) dst(%arg9 : memref<512x16xf32, #tpu.memory_space<vmem>>)
      tpu.yield
    }) : () -> ()
    %iota3A = tpu.iota {dimensions = array<i32: 0>} : vector<16xi32>
    %get3A = arith.constant 0 : index
    %get3A_39 = tpu.vector_load %arg7[%get3A] {strides = array<i32>} : memref<512xi32, #tpu.memory_space<vmem>>, vector<16xi32>,
    %ne3A_40 = arith.constant 0 : i32
    %ne3A_41 = vector.broadcast %ne3A_40 : i32 to vector<16xi32>
    %ne3A_42 = arith.cmpi ne, %get3A_39, %ne3A_41 : vector<16xi32>
    %add3A_43 = arith.constant 0 : i32
    %add3A_44 = vector.broadcast %add3A_43 : i32 to vector<16xi32>
    %add3A_45 = arith.addi %add3A_44, %iota3A : vector<16xi32>
    %convert_element_type3A = arith.extui %ne3A_42 : vector<16xi1> to vector<16xi32>
    %broadcast_in_dim3A = arith.constant true
    %broadcast_in_dim3A_46 = vector.broadcast %broadcast_in_dim3A : i1 to vector<16xi1>
    %masked_cumsum3A = tpu.scan <sum>, %convert_element_type3A masked %broadcast_in_dim3A_46 : vector<16xi32>, vector<16xi1> -> vector<16xi32>
    %add3A_47 = arith.constant 0 : i32
    %add3A_48 = vector.broadcast %add3A_47 : i32 to vector<16xi32>
    %add3A_49 = arith.addi %add3A_48, %masked_cumsum3A : vector<16xi32>
    %sub3A_50 = arith.constant 1 : i32
    %sub3A_51 = vector.broadcast %sub3A_50 : i32 to vector<16xi32>
    %sub3A_52 = arith.subi %add3A_49, %sub3A_51 : vector<16xi32>
    %jit3A_53 = arith.constant 512 : i32
    %broadcast_in_dim3A_54 = vector.broadcast %jit3A_53 : i32 to vector<16xi32>
    %select_n3A_55 = arith.select %ne3A_42, %sub3A_52, %broadcast_in_dim3A_54 : vector<16xi1>, vector<16xi32>
    tpu.vector_store_idx %arg8[%select_n3A_55], %add3A_45 : memref<528xi32, #tpu.memory_space<vmem>>[vector<16xi32>], vector<16xi32>,
    %slice3A = vector.extract_strided_slice %masked_cumsum3A {offsets = [15], sizes = [1], strides = [1]} : vector<16xi32> to vector<1xi32>
    %squeeze3A = vector.extract %slice3A[0] : i32 from vector<1xi32>
    %add3A_56 = arith.constant 0 : i32
    %add3A_57 = arith.addi %add3A_56, %squeeze3A : i32
    %get3A_58 = arith.constant 16 : index
    %get3A_59 = tpu.vector_load %arg7[%get3A_58] {strides = array<i32>} : memref<512xi32, #tpu.memory_space<vmem>>, vector<16xi32>,
    %ne3A_60 = arith.constant 0 : i32
    %ne3A_61 = vector.broadcast %ne3A_60 : i32 to vector<16xi32>
    %ne3A_62 = arith.cmpi ne, %get3A_59, %ne3A_61 : vector<16xi32>
    %add3A_63 = arith.constant 16 : i32
    %add3A_64 = vector.broadcast %add3A_63 : i32 to vector<16xi32>
    %add3A_65 = arith.addi %add3A_64, %iota3A : vector<16xi32>
    %convert_element_type3A_66 = arith.extui %ne3A_62 : vector<16xi1> to vector<16xi32>
    %broadcast_in_dim3A_67 = arith.constant true
    %broadcast_in_dim3A_68 = vector.broadcast %broadcast_in_dim3A_67 : i1 to vector<16xi1>
    %masked_cumsum3A_69 = tpu.scan <sum>, %convert_element_type3A_66 masked %broadcast_in_dim3A_68 : vector<16xi32>, vector<16xi1> -> vector<16xi32>
    %add3A_70 = vector.broadcast %add3A_57 : i32 to vector<16xi32>
    %add3A_71 = arith.addi %add3A_70, %masked_cumsum3A_69 : vector<16xi32>
    %sub3A_72 = arith.constant 1 : i32
    %sub3A_73 = vector.broadcast %sub3A_72 : i32 to vector<16xi32>
    %sub3A_74 = arith.subi %add3A_71, %sub3A_73 : vector<16xi32>
    %jit3A_75 = arith.constant 512 : i32
    %broadcast_in_dim3A_76 = vector.broadcast %jit3A_75 : i32 to vector<16xi32>
    %select_n3A_77 = arith.select %ne3A_62, %sub3A_74, %broadcast_in_dim3A_76 : vector<16xi1>, vector<16xi32>
    tpu.vector_store_idx %arg8[%select_n3A_77], %add3A_65 : memref<528xi32, #tpu.memory_space<vmem>>[vector<16xi32>], vector<16xi32>,
    %slice3A_78 = vector.extract_strided_slice %masked_cumsum3A_69 {offsets = [15], sizes = [1], strides = [1]} : vector<16xi32> to vector<1xi32>
    %squeeze3A_79 = vector.extract %slice3A_78[0] : i32 from vector<1xi32>
    %add3A_80 = arith.addi %add3A_57, %squeeze3A_79 : i32
    %get3A_81 = arith.constant 32 : index
    %get3A_82 = tpu.vector_load %arg7[%get3A_81] {strides = array<i32>} : memref<512xi32, #tpu.memory_space<vmem>>, vector<16xi32>,
    %ne3A_83 = arith.constant 0 : i32
    %ne3A_84 = vector.broadcast %ne3A_83 : i32 to vector<16xi32>
    %ne3A_85 = arith.cmpi ne, %get3A_82, %ne3A_84 : vector<16xi32>
    %add3A_86 = arith.constant 32 : i32
    %add3A_87 = vector.broadcast %add3A_86 : i32 to vector<16xi32>
    %add3A_88 = arith.addi %add3A_87, %iota3A : vector<16xi32>
    %convert_element_type3A_89 = arith.extui %ne3A_85 : vector<16xi1> to vector<16xi32>
    %broadcast_in_dim3A_90 = arith.constant true
    %broadcast_in_dim3A_91 = vector.broadcast %broadcast_in_dim3A_90 : i1 to vector<16xi1>
    %masked_cumsum3A_92 = tpu.scan <sum>, %convert_element_type3A_89 masked %broadcast_in_dim3A_91 : vector<16xi32>, vector<16xi1> -> vector<16xi32>
    %add3A_93 = vector.broadcast %add3A_80 : i32 to vector<16xi32>
    %add3A_94 = arith.addi %add3A_93, %masked_cumsum3A_92 : vector<16xi32>
    %sub3A_95 = arith.constant 1 : i32
    %sub3A_96 = vector.broadcast %sub3A_95 : i32 to vector<16xi32>
    %sub3A_97 = arith.subi %add3A_94, %sub3A_96 : vector<16xi32>
    %jit3A_98 = arith.constant 512 : i32
    %broadcast_in_dim3A_99 = vector.broadcast %jit3A_98 : i32 to vector<16xi32>
    %select_n3A_100 = arith.select %ne3A_85, %sub3A_97, %broadcast_in_dim3A_99 : vector<16xi1>, vector<16xi32>
    tpu.vector_store_idx %arg8[%select_n3A_100], %add3A_88 : memref<528xi32, #tpu.memory_space<vmem>>[vector<16xi32>], vector<16xi32>,
    %slice3A_101 = vector.extract_strided_slice %masked_cumsum3A_92 {offsets = [15], sizes = [1], strides = [1]} : vector<16xi32> to vector<1xi32>
    %squeeze3A_102 = vector.extract %slice3A_101[0] : i32 from vector<1xi32>
    %add3A_103 = arith.addi %add3A_80, %squeeze3A_102 : i32
    %get3A_104 = arith.constant 48 : index
    %get3A_105 = tpu.vector_load %arg7[%get3A_104] {strides = array<i32>} : memref<512xi32, #tpu.memory_space<vmem>>, vector<16xi32>,
    %ne3A_106 = arith.constant 0 : i32
    %ne3A_107 = vector.broadcast %ne3A_106 : i32 to vector<16xi32>
    %ne3A_108 = arith.cmpi ne, %get3A_105, %ne3A_107 : vector<16xi32>
    %add3A_109 = arith.constant 48 : i32
    %add3A_110 = vector.broadcast %add3A_109 : i32 to vector<16xi32>
    %add3A_111 = arith.addi %add3A_110, %iota3A : vector<16xi32>
    %convert_element_type3A_112 = arith.extui %ne3A_108 : vector<16xi1> to vector<16xi32>
    %broadcast_in_dim3A_113 = arith.constant true
    %broadcast_in_dim3A_114 = vector.broadcast %broadcast_in_dim3A_113 : i1 to vector<16xi1>
    %masked_cumsum3A_115 = tpu.scan <sum>, %convert_element_type3A_112 masked %broadcast_in_dim3A_114 : vector<16xi32>, vector<16xi1> -> vector<16xi32>
    %add3A_116 = vector.broadcast %add3A_103 : i32 to vector<16xi32>
    %add3A_117 = arith.addi %add3A_116, %masked_cumsum3A_115 : vector<16xi32>
    %sub3A_118 = arith.constant 1 : i32
    %sub3A_119 = vector.broadcast %sub3A_118 : i32 to vector<16xi32>
    %sub3A_120 = arith.subi %add3A_117, %sub3A_119 : vector<16xi32>
    %jit3A_121 = arith.constant 512 : i32
    %broadcast_in_dim3A_122 = vector.broadcast %jit3A_121 : i32 to vector<16xi32>
    %select_n3A_123 = arith.select %ne3A_108, %sub3A_120, %broadcast_in_dim3A_122 : vector<16xi1>, vector<16xi32>
    tpu.vector_store_idx %arg8[%select_n3A_123], %add3A_111 : memref<528xi32, #tpu.memory_space<vmem>>[vector<16xi32>], vector<16xi32>,
    %slice3A_124 = vector.extract_strided_slice %masked_cumsum3A_115 {offsets = [15], sizes = [1], strides = [1]} : vector<16xi32> to vector<1xi32>
    %squeeze3A_125 = vector.extract %slice3A_124[0] : i32 from vector<1xi32>
    %add3A_126 = arith.addi %add3A_103, %squeeze3A_125 : i32
    %get3A_127 = arith.constant 64 : index
    %get3A_128 = tpu.vector_load %arg7[%get3A_127] {strides = array<i32>} : memref<512xi32, #tpu.memory_space<vmem>>, vector<16xi32>,
    %ne3A_129 = arith.constant 0 : i32
    %ne3A_130 = vector.broadcast %ne3A_129 : i32 to vector<16xi32>
    %ne3A_131 = arith.cmpi ne, %get3A_128, %ne3A_130 : vector<16xi32>
    %add3A_132 = arith.constant 64 : i32
    %add3A_133 = vector.broadcast %add3A_132 : i32 to vector<16xi32>
    %add3A_134 = arith.addi %add3A_133, %iota3A : vector<16xi32>
    %convert_element_type3A_135 = arith.extui %ne3A_131 : vector<16xi1> to vector<16xi32>
    %broadcast_in_dim3A_136 = arith.constant true
    %broadcast_in_dim3A_137 = vector.broadcast %broadcast_in_dim3A_136 : i1 to vector<16xi1>
    %masked_cumsum3A_138 = tpu.scan <sum>, %convert_element_type3A_135 masked %broadcast_in_dim3A_137 : vector<16xi32>, vector<16xi1> -> vector<16xi32>
    %add3A_139 = vector.broadcast %add3A_126 : i32 to vector<16xi32>
    %add3A_140 = arith.addi %add3A_139, %masked_cumsum3A_138 : vector<16xi32>
    %sub3A_141 = arith.constant 1 : i32
    %sub3A_142 = vector.broadcast %sub3A_141 : i32 to vector<16xi32>
    %sub3A_143 = arith.subi %add3A_140, %sub3A_142 : vector<16xi32>
    %jit3A_144 = arith.constant 512 : i32
    %broadcast_in_dim3A_145 = vector.broadcast %jit3A_144 : i32 to vector<16xi32>
    %select_n3A_146 = arith.select %ne3A_131, %sub3A_143, %broadcast_in_dim3A_145 : vector<16xi1>, vector<16xi32>
    tpu.vector_store_idx %arg8[%select_n3A_146], %add3A_134 : memref<528xi32, #tpu.memory_space<vmem>>[vector<16xi32>], vector<16xi32>,
    %slice3A_147 = vector.extract_strided_slice %masked_cumsum3A_138 {offsets = [15], sizes = [1], strides = [1]} : vector<16xi32> to vector<1xi32>
    %squeeze3A_148 = vector.extract %slice3A_147[0] : i32 from vector<1xi32>
    %add3A_149 = arith.addi %add3A_126, %squeeze3A_148 : i32
    %get3A_150 = arith.constant 80 : index
    %get3A_151 = tpu.vector_load %arg7[%get3A_150] {strides = array<i32>} : memref<512xi32, #tpu.memory_space<vmem>>, vector<16xi32>,
    %ne3A_152 = arith.constant 0 : i32
    %ne3A_153 = vector.broadcast %ne3A_152 : i32 to vector<16xi32>
    %ne3A_154 = arith.cmpi ne, %get3A_151, %ne3A_153 : vector<16xi32>
    %add3A_155 = arith.constant 80 : i32
    %add3A_156 = vector.broadcast %add3A_155 : i32 to vector<16xi32>
    %add3A_157 = arith.addi %add3A_156, %iota3A : vector<16xi32>
    %convert_element_type3A_158 = arith.extui %ne3A_154 : vector<16xi1> to vector<16xi32>
    %broadcast_in_dim3A_159 = arith.constant true
    %broadcast_in_dim3A_160 = vector.broadcast %broadcast_in_dim3A_159 : i1 to vector<16xi1>
    %masked_cumsum3A_161 = tpu.scan <sum>, %convert_element_type3A_158 masked %broadcast_in_dim3A_160 : vector<16xi32>, vector<16xi1> -> vector<16xi32>
    %add3A_162 = vector.broadcast %add3A_149 : i32 to vector<16xi32>
    %add3A_163 = arith.addi %add3A_162, %masked_cumsum3A_161 : vector<16xi32>
    %sub3A_164 = arith.constant 1 : i32
    %sub3A_165 = vector.broadcast %sub3A_164 : i32 to vector<16xi32>
    %sub3A_166 = arith.subi %add3A_163, %sub3A_165 : vector<16xi32>
    %jit3A_167 = arith.constant 512 : i32
    %broadcast_in_dim3A_168 = vector.broadcast %jit3A_167 : i32 to vector<16xi32>
    %select_n3A_169 = arith.select %ne3A_154, %sub3A_166, %broadcast_in_dim3A_168 : vector<16xi1>, vector<16xi32>
    tpu.vector_store_idx %arg8[%select_n3A_169], %add3A_157 : memref<528xi32, #tpu.memory_space<vmem>>[vector<16xi32>], vector<16xi32>,
    %slice3A_170 = vector.extract_strided_slice %masked_cumsum3A_161 {offsets = [15], sizes = [1], strides = [1]} : vector<16xi32> to vector<1xi32>
    %squeeze3A_171 = vector.extract %slice3A_170[0] : i32 from vector<1xi32>
    %add3A_172 = arith.addi %add3A_149, %squeeze3A_171 : i32
    %get3A_173 = arith.constant 96 : index
    %get3A_174 = tpu.vector_load %arg7[%get3A_173] {strides = array<i32>} : memref<512xi32, #tpu.memory_space<vmem>>, vector<16xi32>,
    %ne3A_175 = arith.constant 0 : i32
    %ne3A_176 = vector.broadcast %ne3A_175 : i32 to vector<16xi32>
    %ne3A_177 = arith.cmpi ne, %get3A_174, %ne3A_176 : vector<16xi32>
    %add3A_178 = arith.constant 96 : i32
    %add3A_179 = vector.broadcast %add3A_178 : i32 to vector<16xi32>
    %add3A_180 = arith.addi %add3A_179, %iota3A : vector<16xi32>
    %convert_element_type3A_181 = arith.extui %ne3A_177 : vector<16xi1> to vector<16xi32>
    %broadcast_in_dim3A_182 = arith.constant true
    %broadcast_in_dim3A_183 = vector.broadcast %broadcast_in_dim3A_182 : i1 to vector<16xi1>
    %masked_cumsum3A_184 = tpu.scan <sum>, %convert_element_type3A_181 masked %broadcast_in_dim3A_183 : vector<16xi32>, vector<16xi1> -> vector<16xi32>
    %add3A_185 = vector.broadcast %add3A_172 : i32 to vector<16xi32>
    %add3A_186 = arith.addi %add3A_185, %masked_cumsum3A_184 : vector<16xi32>
    %sub3A_187 = arith.constant 1 : i32
    %sub3A_188 = vector.broadcast %sub3A_187 : i32 to vector<16xi32>
    %sub3A_189 = arith.subi %add3A_186, %sub3A_188 : vector<16xi32>
    %jit3A_190 = arith.constant 512 : i32
    %broadcast_in_dim3A_191 = vector.broadcast %jit3A_190 : i32 to vector<16xi32>
    %select_n3A_192 = arith.select %ne3A_177, %sub3A_189, %broadcast_in_dim3A_191 : vector<16xi1>, vector<16xi32>
    tpu.vector_store_idx %arg8[%select_n3A_192], %add3A_180 : memref<528xi32, #tpu.memory_space<vmem>>[vector<16xi32>], vector<16xi32>,
    %slice3A_193 = vector.extract_strided_slice %masked_cumsum3A_184 {offsets = [15], sizes = [1], strides = [1]} : vector<16xi32> to vector<1xi32>
    %squeeze3A_194 = vector.extract %slice3A_193[0] : i32 from vector<1xi32>
    %add3A_195 = arith.addi %add3A_172, %squeeze3A_194 : i32
    %get3A_196 = arith.constant 112 : index
    %get3A_197 = tpu.vector_load %arg7[%get3A_196] {strides = array<i32>} : memref<512xi32, #tpu.memory_space<vmem>>, vector<16xi32>,
    %ne3A_198 = arith.constant 0 : i32
    %ne3A_199 = vector.broadcast %ne3A_198 : i32 to vector<16xi32>
    %ne3A_200 = arith.cmpi ne, %get3A_197, %ne3A_199 : vector<16xi32>
    %add3A_201 = arith.constant 112 : i32
    %add3A_202 = vector.broadcast %add3A_201 : i32 to vector<16xi32>
    %add3A_203 = arith.addi %add3A_202, %iota3A : vector<16xi32>
    %convert_element_type3A_204 = arith.extui %ne3A_200 : vector<16xi1> to vector<16xi32>
    %broadcast_in_dim3A_205 = arith.constant true
    %broadcast_in_dim3A_206 = vector.broadcast %broadcast_in_dim3A_205 : i1 to vector<16xi1>
    %masked_cumsum3A_207 = tpu.scan <sum>, %convert_element_type3A_204 masked %broadcast_in_dim3A_206 : vector<16xi32>, vector<16xi1> -> vector<16xi32>
    %add3A_208 = vector.broadcast %add3A_195 : i32 to vector<16xi32>
    %add3A_209 = arith.addi %add3A_208, %masked_cumsum3A_207 : vector<16xi32>
    %sub3A_210 = arith.constant 1 : i32
    %sub3A_211 = vector.broadcast %sub3A_210 : i32 to vector<16xi32>
    %sub3A_212 = arith.subi %add3A_209, %sub3A_211 : vector<16xi32>
    %jit3A_213 = arith.constant 512 : i32
    %broadcast_in_dim3A_214 = vector.broadcast %jit3A_213 : i32 to vector<16xi32>
    %select_n3A_215 = arith.select %ne3A_200, %sub3A_212, %broadcast_in_dim3A_214 : vector<16xi1>, vector<16xi32>
    tpu.vector_store_idx %arg8[%select_n3A_215], %add3A_203 : memref<528xi32, #tpu.memory_space<vmem>>[vector<16xi32>], vector<16xi32>,
    %slice3A_216 = vector.extract_strided_slice %masked_cumsum3A_207 {offsets = [15], sizes = [1], strides = [1]} : vector<16xi32> to vector<1xi32>
    %squeeze3A_217 = vector.extract %slice3A_216[0] : i32 from vector<1xi32>
    %add3A_218 = arith.addi %add3A_195, %squeeze3A_217 : i32
    %get3A_219 = arith.constant 128 : index
    %get3A_220 = tpu.vector_load %arg7[%get3A_219] {strides = array<i32>} : memref<512xi32, #tpu.memory_space<vmem>>, vector<16xi32>,
    %ne3A_221 = arith.constant 0 : i32
    %ne3A_222 = vector.broadcast %ne3A_221 : i32 to vector<16xi32>
    %ne3A_223 = arith.cmpi ne, %get3A_220, %ne3A_222 : vector<16xi32>
    %add3A_224 = arith.constant 128 : i32
    %add3A_225 = vector.broadcast %add3A_224 : i32 to vector<16xi32>
    %add3A_226 = arith.addi %add3A_225, %iota3A : vector<16xi32>
    %convert_element_type3A_227 = arith.extui %ne3A_223 : vector<16xi1> to vector<16xi32>
    %broadcast_in_dim3A_228 = arith.constant true
    %broadcast_in_dim3A_229 = vector.broadcast %broadcast_in_dim3A_228 : i1 to vector<16xi1>
    %masked_cumsum3A_230 = tpu.scan <sum>, %convert_element_type3A_227 masked %broadcast_in_dim3A_229 : vector<16xi32>, vector<16xi1> -> vector<16xi32>
    %add3A_231 = vector.broadcast %add3A_218 : i32 to vector<16xi32>
    %add3A_232 = arith.addi %add3A_231, %masked_cumsum3A_230 : vector<16xi32>
    %sub3A_233 = arith.constant 1 : i32
    %sub3A_234 = vector.broadcast %sub3A_233 : i32 to vector<16xi32>
    %sub3A_235 = arith.subi %add3A_232, %sub3A_234 : vector<16xi32>
    %jit3A_236 = arith.constant 512 : i32
    %broadcast_in_dim3A_237 = vector.broadcast %jit3A_236 : i32 to vector<16xi32>
    %select_n3A_238 = arith.select %ne3A_223, %sub3A_235, %broadcast_in_dim3A_237 : vector<16xi1>, vector<16xi32>
    tpu.vector_store_idx %arg8[%select_n3A_238], %add3A_226 : memref<528xi32, #tpu.memory_space<vmem>>[vector<16xi32>], vector<16xi32>,
    %slice3A_239 = vector.extract_strided_slice %masked_cumsum3A_230 {offsets = [15], sizes = [1], strides = [1]} : vector<16xi32> to vector<1xi32>
    %squeeze3A_240 = vector.extract %slice3A_239[0] : i32 from vector<1xi32>
    %add3A_241 = arith.addi %add3A_218, %squeeze3A_240 : i32
    %get3A_242 = arith.constant 144 : index
    %get3A_243 = tpu.vector_load %arg7[%get3A_242] {strides = array<i32>} : memref<512xi32, #tpu.memory_space<vmem>>, vector<16xi32>,
    %ne3A_244 = arith.constant 0 : i32
    %ne3A_245 = vector.broadcast %ne3A_244 : i32 to vector<16xi32>
    %ne3A_246 = arith.cmpi ne, %get3A_243, %ne3A_245 : vector<16xi32>
    %add3A_247 = arith.constant 144 : i32
    %add3A_248 = vector.broadcast %add3A_247 : i32 to vector<16xi32>
    %add3A_249 = arith.addi %add3A_248, %iota3A : vector<16xi32>
    %convert_element_type3A_250 = arith.extui %ne3A_246 : vector<16xi1> to vector<16xi32>
    %broadcast_in_dim3A_251 = arith.constant true
    %broadcast_in_dim3A_252 = vector.broadcast %broadcast_in_dim3A_251 : i1 to vector<16xi1>
    %masked_cumsum3A_253 = tpu.scan <sum>, %convert_element_type3A_250 masked %broadcast_in_dim3A_252 : vector<16xi32>, vector<16xi1> -> vector<16xi32>
    %add3A_254 = vector.broadcast %add3A_241 : i32 to vector<16xi32>
    %add3A_255 = arith.addi %add3A_254, %masked_cumsum3A_253 : vector<16xi32>
    %sub3A_256 = arith.constant 1 : i32
    %sub3A_257 = vector.broadcast %sub3A_256 : i32 to vector<16xi32>
    %sub3A_258 = arith.subi %add3A_255, %sub3A_257 : vector<16xi32>
    %jit3A_259 = arith.constant 512 : i32
    %broadcast_in_dim3A_260 = vector.broadcast %jit3A_259 : i32 to vector<16xi32>
    %select_n3A_261 = arith.select %ne3A_246, %sub3A_258, %broadcast_in_dim3A_260 : vector<16xi1>, vector<16xi32>
    tpu.vector_store_idx %arg8[%select_n3A_261], %add3A_249 : memref<528xi32, #tpu.memory_space<vmem>>[vector<16xi32>], vector<16xi32>,
    %slice3A_262 = vector.extract_strided_slice %masked_cumsum3A_253 {offsets = [15], sizes = [1], strides = [1]} : vector<16xi32> to vector<1xi32>
    %squeeze3A_263 = vector.extract %slice3A_262[0] : i32 from vector<1xi32>
    %add3A_264 = arith.addi %add3A_241, %squeeze3A_263 : i32
    %get3A_265 = arith.constant 160 : index
    %get3A_266 = tpu.vector_load %arg7[%get3A_265] {strides = array<i32>} : memref<512xi32, #tpu.memory_space<vmem>>, vector<16xi32>,
    %ne3A_267 = arith.constant 0 : i32
    %ne3A_268 = vector.broadcast %ne3A_267 : i32 to vector<16xi32>
    %ne3A_269 = arith.cmpi ne, %get3A_266, %ne3A_268 : vector<16xi32>
    %add3A_270 = arith.constant 160 : i32
    %add3A_271 = vector.broadcast %add3A_270 : i32 to vector<16xi32>
    %add3A_272 = arith.addi %add3A_271, %iota3A : vector<16xi32>
    %convert_element_type3A_273 = arith.extui %ne3A_269 : vector<16xi1> to vector<16xi32>
    %broadcast_in_dim3A_274 = arith.constant true
    %broadcast_in_dim3A_275 = vector.broadcast %broadcast_in_dim3A_274 : i1 to vector<16xi1>
    %masked_cumsum3A_276 = tpu.scan <sum>, %convert_element_type3A_273 masked %broadcast_in_dim3A_275 : vector<16xi32>, vector<16xi1> -> vector<16xi32>
    %add3A_277 = vector.broadcast %add3A_264 : i32 to vector<16xi32>
    %add3A_278 = arith.addi %add3A_277, %masked_cumsum3A_276 : vector<16xi32>
    %sub3A_279 = arith.constant 1 : i32
    %sub3A_280 = vector.broadcast %sub3A_279 : i32 to vector<16xi32>
    %sub3A_281 = arith.subi %add3A_278, %sub3A_280 : vector<16xi32>
    %jit3A_282 = arith.constant 512 : i32
    %broadcast_in_dim3A_283 = vector.broadcast %jit3A_282 : i32 to vector<16xi32>
    %select_n3A_284 = arith.select %ne3A_269, %sub3A_281, %broadcast_in_dim3A_283 : vector<16xi1>, vector<16xi32>
    tpu.vector_store_idx %arg8[%select_n3A_284], %add3A_272 : memref<528xi32, #tpu.memory_space<vmem>>[vector<16xi32>], vector<16xi32>,
    %slice3A_285 = vector.extract_strided_slice %masked_cumsum3A_276 {offsets = [15], sizes = [1], strides = [1]} : vector<16xi32> to vector<1xi32>
    %squeeze3A_286 = vector.extract %slice3A_285[0] : i32 from vector<1xi32>
    %add3A_287 = arith.addi %add3A_264, %squeeze3A_286 : i32
    %get3A_288 = arith.constant 176 : index
    %get3A_289 = tpu.vector_load %arg7[%get3A_288] {strides = array<i32>} : memref<512xi32, #tpu.memory_space<vmem>>, vector<16xi32>,
    %ne3A_290 = arith.constant 0 : i32
    %ne3A_291 = vector.broadcast %ne3A_290 : i32 to vector<16xi32>
    %ne3A_292 = arith.cmpi ne, %get3A_289, %ne3A_291 : vector<16xi32>
    %add3A_293 = arith.constant 176 : i32
    %add3A_294 = vector.broadcast %add3A_293 : i32 to vector<16xi32>
    %add3A_295 = arith.addi %add3A_294, %iota3A : vector<16xi32>
    %convert_element_type3A_296 = arith.extui %ne3A_292 : vector<16xi1> to vector<16xi32>
    %broadcast_in_dim3A_297 = arith.constant true
    %broadcast_in_dim3A_298 = vector.broadcast %broadcast_in_dim3A_297 : i1 to vector<16xi1>
    %masked_cumsum3A_299 = tpu.scan <sum>, %convert_element_type3A_296 masked %broadcast_in_dim3A_298 : vector<16xi32>, vector<16xi1> -> vector<16xi32>
    %add3A_300 = vector.broadcast %add3A_287 : i32 to vector<16xi32>
    %add3A_301 = arith.addi %add3A_300, %masked_cumsum3A_299 : vector<16xi32>
    %sub3A_302 = arith.constant 1 : i32
    %sub3A_303 = vector.broadcast %sub3A_302 : i32 to vector<16xi32>
    %sub3A_304 = arith.subi %add3A_301, %sub3A_303 : vector<16xi32>
    %jit3A_305 = arith.constant 512 : i32
    %broadcast_in_dim3A_306 = vector.broadcast %jit3A_305 : i32 to vector<16xi32>
    %select_n3A_307 = arith.select %ne3A_292, %sub3A_304, %broadcast_in_dim3A_306 : vector<16xi1>, vector<16xi32>
    tpu.vector_store_idx %arg8[%select_n3A_307], %add3A_295 : memref<528xi32, #tpu.memory_space<vmem>>[vector<16xi32>], vector<16xi32>,
    %slice3A_308 = vector.extract_strided_slice %masked_cumsum3A_299 {offsets = [15], sizes = [1], strides = [1]} : vector<16xi32> to vector<1xi32>
    %squeeze3A_309 = vector.extract %slice3A_308[0] : i32 from vector<1xi32>
    %add3A_310 = arith.addi %add3A_287, %squeeze3A_309 : i32
    %get3A_311 = arith.constant 192 : index
    %get3A_312 = tpu.vector_load %arg7[%get3A_311] {strides = array<i32>} : memref<512xi32, #tpu.memory_space<vmem>>, vector<16xi32>,
    %ne3A_313 = arith.constant 0 : i32
    %ne3A_314 = vector.broadcast %ne3A_313 : i32 to vector<16xi32>
    %ne3A_315 = arith.cmpi ne, %get3A_312, %ne3A_314 : vector<16xi32>
    %add3A_316 = arith.constant 192 : i32
    %add3A_317 = vector.broadcast %add3A_316 : i32 to vector<16xi32>
    %add3A_318 = arith.addi %add3A_317, %iota3A : vector<16xi32>
    %convert_element_type3A_319 = arith.extui %ne3A_315 : vector<16xi1> to vector<16xi32>
    %broadcast_in_dim3A_320 = arith.constant true
    %broadcast_in_dim3A_321 = vector.broadcast %broadcast_in_dim3A_320 : i1 to vector<16xi1>
    %masked_cumsum3A_322 = tpu.scan <sum>, %convert_element_type3A_319 masked %broadcast_in_dim3A_321 : vector<16xi32>, vector<16xi1> -> vector<16xi32>
    %add3A_323 = vector.broadcast %add3A_310 : i32 to vector<16xi32>
    %add3A_324 = arith.addi %add3A_323, %masked_cumsum3A_322 : vector<16xi32>
    %sub3A_325 = arith.constant 1 : i32
    %sub3A_326 = vector.broadcast %sub3A_325 : i32 to vector<16xi32>
    %sub3A_327 = arith.subi %add3A_324, %sub3A_326 : vector<16xi32>
    %jit3A_328 = arith.constant 512 : i32
    %broadcast_in_dim3A_329 = vector.broadcast %jit3A_328 : i32 to vector<16xi32>
    %select_n3A_330 = arith.select %ne3A_315, %sub3A_327, %broadcast_in_dim3A_329 : vector<16xi1>, vector<16xi32>
    tpu.vector_store_idx %arg8[%select_n3A_330], %add3A_318 : memref<528xi32, #tpu.memory_space<vmem>>[vector<16xi32>], vector<16xi32>,
    %slice3A_331 = vector.extract_strided_slice %masked_cumsum3A_322 {offsets = [15], sizes = [1], strides = [1]} : vector<16xi32> to vector<1xi32>
    %squeeze3A_332 = vector.extract %slice3A_331[0] : i32 from vector<1xi32>
    %add3A_333 = arith.addi %add3A_310, %squeeze3A_332 : i32
    %get3A_334 = arith.constant 208 : index
    %get3A_335 = tpu.vector_load %arg7[%get3A_334] {strides = array<i32>} : memref<512xi32, #tpu.memory_space<vmem>>, vector<16xi32>,
    %ne3A_336 = arith.constant 0 : i32
    %ne3A_337 = vector.broadcast %ne3A_336 : i32 to vector<16xi32>
    %ne3A_338 = arith.cmpi ne, %get3A_335, %ne3A_337 : vector<16xi32>
    %add3A_339 = arith.constant 208 : i32
    %add3A_340 = vector.broadcast %add3A_339 : i32 to vector<16xi32>
    %add3A_341 = arith.addi %add3A_340, %iota3A : vector<16xi32>
    %convert_element_type3A_342 = arith.extui %ne3A_338 : vector<16xi1> to vector<16xi32>
    %broadcast_in_dim3A_343 = arith.constant true
    %broadcast_in_dim3A_344 = vector.broadcast %broadcast_in_dim3A_343 : i1 to vector<16xi1>
    %masked_cumsum3A_345 = tpu.scan <sum>, %convert_element_type3A_342 masked %broadcast_in_dim3A_344 : vector<16xi32>, vector<16xi1> -> vector<16xi32>
    %add3A_346 = vector.broadcast %add3A_333 : i32 to vector<16xi32>
    %add3A_347 = arith.addi %add3A_346, %masked_cumsum3A_345 : vector<16xi32>
    %sub3A_348 = arith.constant 1 : i32
    %sub3A_349 = vector.broadcast %sub3A_348 : i32 to vector<16xi32>
    %sub3A_350 = arith.subi %add3A_347, %sub3A_349 : vector<16xi32>
    %jit3A_351 = arith.constant 512 : i32
    %broadcast_in_dim3A_352 = vector.broadcast %jit3A_351 : i32 to vector<16xi32>
    %select_n3A_353 = arith.select %ne3A_338, %sub3A_350, %broadcast_in_dim3A_352 : vector<16xi1>, vector<16xi32>
    tpu.vector_store_idx %arg8[%select_n3A_353], %add3A_341 : memref<528xi32, #tpu.memory_space<vmem>>[vector<16xi32>], vector<16xi32>,
    %slice3A_354 = vector.extract_strided_slice %masked_cumsum3A_345 {offsets = [15], sizes = [1], strides = [1]} : vector<16xi32> to vector<1xi32>
    %squeeze3A_355 = vector.extract %slice3A_354[0] : i32 from vector<1xi32>
    %add3A_356 = arith.addi %add3A_333, %squeeze3A_355 : i32
    %get3A_357 = arith.constant 224 : index
    %get3A_358 = tpu.vector_load %arg7[%get3A_357] {strides = array<i32>} : memref<512xi32, #tpu.memory_space<vmem>>, vector<16xi32>,
    %ne3A_359 = arith.constant 0 : i32
    %ne3A_360 = vector.broadcast %ne3A_359 : i32 to vector<16xi32>
    %ne3A_361 = arith.cmpi ne, %get3A_358, %ne3A_360 : vector<16xi32>
    %add3A_362 = arith.constant 224 : i32
    %add3A_363 = vector.broadcast %add3A_362 : i32 to vector<16xi32>
    %add3A_364 = arith.addi %add3A_363, %iota3A : vector<16xi32>
    %convert_element_type3A_365 = arith.extui %ne3A_361 : vector<16xi1> to vector<16xi32>
    %broadcast_in_dim3A_366 = arith.constant true
    %broadcast_in_dim3A_367 = vector.broadcast %broadcast_in_dim3A_366 : i1 to vector<16xi1>
    %masked_cumsum3A_368 = tpu.scan <sum>, %convert_element_type3A_365 masked %broadcast_in_dim3A_367 : vector<16xi32>, vector<16xi1> -> vector<16xi32>
    %add3A_369 = vector.broadcast %add3A_356 : i32 to vector<16xi32>
    %add3A_370 = arith.addi %add3A_369, %masked_cumsum3A_368 : vector<16xi32>
    %sub3A_371 = arith.constant 1 : i32
    %sub3A_372 = vector.broadcast %sub3A_371 : i32 to vector<16xi32>
    %sub3A_373 = arith.subi %add3A_370, %sub3A_372 : vector<16xi32>
    %jit3A_374 = arith.constant 512 : i32
    %broadcast_in_dim3A_375 = vector.broadcast %jit3A_374 : i32 to vector<16xi32>
    %select_n3A_376 = arith.select %ne3A_361, %sub3A_373, %broadcast_in_dim3A_375 : vector<16xi1>, vector<16xi32>
    tpu.vector_store_idx %arg8[%select_n3A_376], %add3A_364 : memref<528xi32, #tpu.memory_space<vmem>>[vector<16xi32>], vector<16xi32>,
    %slice3A_377 = vector.extract_strided_slice %masked_cumsum3A_368 {offsets = [15], sizes = [1], strides = [1]} : vector<16xi32> to vector<1xi32>
    %squeeze3A_378 = vector.extract %slice3A_377[0] : i32 from vector<1xi32>
    %add3A_379 = arith.addi %add3A_356, %squeeze3A_378 : i32
    %get3A_380 = arith.constant 240 : index
    %get3A_381 = tpu.vector_load %arg7[%get3A_380] {strides = array<i32>} : memref<512xi32, #tpu.memory_space<vmem>>, vector<16xi32>,
    %ne3A_382 = arith.constant 0 : i32
    %ne3A_383 = vector.broadcast %ne3A_382 : i32 to vector<16xi32>
    %ne3A_384 = arith.cmpi ne, %get3A_381, %ne3A_383 : vector<16xi32>
    %add3A_385 = arith.constant 240 : i32
    %add3A_386 = vector.broadcast %add3A_385 : i32 to vector<16xi32>
    %add3A_387 = arith.addi %add3A_386, %iota3A : vector<16xi32>
    %convert_element_type3A_388 = arith.extui %ne3A_384 : vector<16xi1> to vector<16xi32>
    %broadcast_in_dim3A_389 = arith.constant true
    %broadcast_in_dim3A_390 = vector.broadcast %broadcast_in_dim3A_389 : i1 to vector<16xi1>
    %masked_cumsum3A_391 = tpu.scan <sum>, %convert_element_type3A_388 masked %broadcast_in_dim3A_390 : vector<16xi32>, vector<16xi1> -> vector<16xi32>
    %add3A_392 = vector.broadcast %add3A_379 : i32 to vector<16xi32>
    %add3A_393 = arith.addi %add3A_392, %masked_cumsum3A_391 : vector<16xi32>
    %sub3A_394 = arith.constant 1 : i32
    %sub3A_395 = vector.broadcast %sub3A_394 : i32 to vector<16xi32>
    %sub3A_396 = arith.subi %add3A_393, %sub3A_395 : vector<16xi32>
    %jit3A_397 = arith.constant 512 : i32
    %broadcast_in_dim3A_398 = vector.broadcast %jit3A_397 : i32 to vector<16xi32>
    %select_n3A_399 = arith.select %ne3A_384, %sub3A_396, %broadcast_in_dim3A_398 : vector<16xi1>, vector<16xi32>
    tpu.vector_store_idx %arg8[%select_n3A_399], %add3A_387 : memref<528xi32, #tpu.memory_space<vmem>>[vector<16xi32>], vector<16xi32>,
    %slice3A_400 = vector.extract_strided_slice %masked_cumsum3A_391 {offsets = [15], sizes = [1], strides = [1]} : vector<16xi32> to vector<1xi32>
    %squeeze3A_401 = vector.extract %slice3A_400[0] : i32 from vector<1xi32>
    %add3A_402 = arith.addi %add3A_379, %squeeze3A_401 : i32
    %get3A_403 = arith.constant 256 : index
    %get3A_404 = tpu.vector_load %arg7[%get3A_403] {strides = array<i32>} : memref<512xi32, #tpu.memory_space<vmem>>, vector<16xi32>,
    %ne3A_405 = arith.constant 0 : i32
    %ne3A_406 = vector.broadcast %ne3A_405 : i32 to vector<16xi32>
    %ne3A_407 = arith.cmpi ne, %get3A_404, %ne3A_406 : vector<16xi32>
    %add3A_408 = arith.constant 256 : i32
    %add3A_409 = vector.broadcast %add3A_408 : i32 to vector<16xi32>
    %add3A_410 = arith.addi %add3A_409, %iota3A : vector<16xi32>
    %convert_element_type3A_411 = arith.extui %ne3A_407 : vector<16xi1> to vector<16xi32>
    %broadcast_in_dim3A_412 = arith.constant true
    %broadcast_in_dim3A_413 = vector.broadcast %broadcast_in_dim3A_412 : i1 to vector<16xi1>
    %masked_cumsum3A_414 = tpu.scan <sum>, %convert_element_type3A_411 masked %broadcast_in_dim3A_413 : vector<16xi32>, vector<16xi1> -> vector<16xi32>
    %add3A_415 = vector.broadcast %add3A_402 : i32 to vector<16xi32>
    %add3A_416 = arith.addi %add3A_415, %masked_cumsum3A_414 : vector<16xi32>
    %sub3A_417 = arith.constant 1 : i32
    %sub3A_418 = vector.broadcast %sub3A_417 : i32 to vector<16xi32>
    %sub3A_419 = arith.subi %add3A_416, %sub3A_418 : vector<16xi32>
    %jit3A_420 = arith.constant 512 : i32
    %broadcast_in_dim3A_421 = vector.broadcast %jit3A_420 : i32 to vector<16xi32>
    %select_n3A_422 = arith.select %ne3A_407, %sub3A_419, %broadcast_in_dim3A_421 : vector<16xi1>, vector<16xi32>
    tpu.vector_store_idx %arg8[%select_n3A_422], %add3A_410 : memref<528xi32, #tpu.memory_space<vmem>>[vector<16xi32>], vector<16xi32>,
    %slice3A_423 = vector.extract_strided_slice %masked_cumsum3A_414 {offsets = [15], sizes = [1], strides = [1]} : vector<16xi32> to vector<1xi32>
    %squeeze3A_424 = vector.extract %slice3A_423[0] : i32 from vector<1xi32>
    %add3A_425 = arith.addi %add3A_402, %squeeze3A_424 : i32
    %get3A_426 = arith.constant 272 : index
    %get3A_427 = tpu.vector_load %arg7[%get3A_426] {strides = array<i32>} : memref<512xi32, #tpu.memory_space<vmem>>, vector<16xi32>,
    %ne3A_428 = arith.constant 0 : i32
    %ne3A_429 = vector.broadcast %ne3A_428 : i32 to vector<16xi32>
    %ne3A_430 = arith.cmpi ne, %get3A_427, %ne3A_429 : vector<16xi32>
    %add3A_431 = arith.constant 272 : i32
    %add3A_432 = vector.broadcast %add3A_431 : i32 to vector<16xi32>
    %add3A_433 = arith.addi %add3A_432, %iota3A : vector<16xi32>
    %convert_element_type3A_434 = arith.extui %ne3A_430 : vector<16xi1> to vector<16xi32>
    %broadcast_in_dim3A_435 = arith.constant true
    %broadcast_in_dim3A_436 = vector.broadcast %broadcast_in_dim3A_435 : i1 to vector<16xi1>
    %masked_cumsum3A_437 = tpu.scan <sum>, %convert_element_type3A_434 masked %broadcast_in_dim3A_436 : vector<16xi32>, vector<16xi1> -> vector<16xi32>
    %add3A_438 = vector.broadcast %add3A_425 : i32 to vector<16xi32>
    %add3A_439 = arith.addi %add3A_438, %masked_cumsum3A_437 : vector<16xi32>
    %sub3A_440 = arith.constant 1 : i32
    %sub3A_441 = vector.broadcast %sub3A_440 : i32 to vector<16xi32>
    %sub3A_442 = arith.subi %add3A_439, %sub3A_441 : vector<16xi32>
    %jit3A_443 = arith.constant 512 : i32
    %broadcast_in_dim3A_444 = vector.broadcast %jit3A_443 : i32 to vector<16xi32>
    %select_n3A_445 = arith.select %ne3A_430, %sub3A_442, %broadcast_in_dim3A_444 : vector<16xi1>, vector<16xi32>
    tpu.vector_store_idx %arg8[%select_n3A_445], %add3A_433 : memref<528xi32, #tpu.memory_space<vmem>>[vector<16xi32>], vector<16xi32>,
    %slice3A_446 = vector.extract_strided_slice %masked_cumsum3A_437 {offsets = [15], sizes = [1], strides = [1]} : vector<16xi32> to vector<1xi32>
    %squeeze3A_447 = vector.extract %slice3A_446[0] : i32 from vector<1xi32>
    %add3A_448 = arith.addi %add3A_425, %squeeze3A_447 : i32
    %get3A_449 = arith.constant 288 : index
    %get3A_450 = tpu.vector_load %arg7[%get3A_449] {strides = array<i32>} : memref<512xi32, #tpu.memory_space<vmem>>, vector<16xi32>,
    %ne3A_451 = arith.constant 0 : i32
    %ne3A_452 = vector.broadcast %ne3A_451 : i32 to vector<16xi32>
    %ne3A_453 = arith.cmpi ne, %get3A_450, %ne3A_452 : vector<16xi32>
    %add3A_454 = arith.constant 288 : i32
    %add3A_455 = vector.broadcast %add3A_454 : i32 to vector<16xi32>
    %add3A_456 = arith.addi %add3A_455, %iota3A : vector<16xi32>
    %convert_element_type3A_457 = arith.extui %ne3A_453 : vector<16xi1> to vector<16xi32>
    %broadcast_in_dim3A_458 = arith.constant true
    %broadcast_in_dim3A_459 = vector.broadcast %broadcast_in_dim3A_458 : i1 to vector<16xi1>
    %masked_cumsum3A_460 = tpu.scan <sum>, %convert_element_type3A_457 masked %broadcast_in_dim3A_459 : vector<16xi32>, vector<16xi1> -> vector<16xi32>
    %add3A_461 = vector.broadcast %add3A_448 : i32 to vector<16xi32>
    %add3A_462 = arith.addi %add3A_461, %masked_cumsum3A_460 : vector<16xi32>
    %sub3A_463 = arith.constant 1 : i32
    %sub3A_464 = vector.broadcast %sub3A_463 : i32 to vector<16xi32>
    %sub3A_465 = arith.subi %add3A_462, %sub3A_464 : vector<16xi32>
    %jit3A_466 = arith.constant 512 : i32
    %broadcast_in_dim3A_467 = vector.broadcast %jit3A_466 : i32 to vector<16xi32>
    %select_n3A_468 = arith.select %ne3A_453, %sub3A_465, %broadcast_in_dim3A_467 : vector<16xi1>, vector<16xi32>
    tpu.vector_store_idx %arg8[%select_n3A_468], %add3A_456 : memref<528xi32, #tpu.memory_space<vmem>>[vector<16xi32>], vector<16xi32>,
    %slice3A_469 = vector.extract_strided_slice %masked_cumsum3A_460 {offsets = [15], sizes = [1], strides = [1]} : vector<16xi32> to vector<1xi32>
    %squeeze3A_470 = vector.extract %slice3A_469[0] : i32 from vector<1xi32>
    %add3A_471 = arith.addi %add3A_448, %squeeze3A_470 : i32
    %get3A_472 = arith.constant 304 : index
    %get3A_473 = tpu.vector_load %arg7[%get3A_472] {strides = array<i32>} : memref<512xi32, #tpu.memory_space<vmem>>, vector<16xi32>,
    %ne3A_474 = arith.constant 0 : i32
    %ne3A_475 = vector.broadcast %ne3A_474 : i32 to vector<16xi32>
    %ne3A_476 = arith.cmpi ne, %get3A_473, %ne3A_475 : vector<16xi32>
    %add3A_477 = arith.constant 304 : i32
    %add3A_478 = vector.broadcast %add3A_477 : i32 to vector<16xi32>
    %add3A_479 = arith.addi %add3A_478, %iota3A : vector<16xi32>
    %convert_element_type3A_480 = arith.extui %ne3A_476 : vector<16xi1> to vector<16xi32>
    %broadcast_in_dim3A_481 = arith.constant true
    %broadcast_in_dim3A_482 = vector.broadcast %broadcast_in_dim3A_481 : i1 to vector<16xi1>
    %masked_cumsum3A_483 = tpu.scan <sum>, %convert_element_type3A_480 masked %broadcast_in_dim3A_482 : vector<16xi32>, vector<16xi1> -> vector<16xi32>
    %add3A_484 = vector.broadcast %add3A_471 : i32 to vector<16xi32>
    %add3A_485 = arith.addi %add3A_484, %masked_cumsum3A_483 : vector<16xi32>
    %sub3A_486 = arith.constant 1 : i32
    %sub3A_487 = vector.broadcast %sub3A_486 : i32 to vector<16xi32>
    %sub3A_488 = arith.subi %add3A_485, %sub3A_487 : vector<16xi32>
    %jit3A_489 = arith.constant 512 : i32
    %broadcast_in_dim3A_490 = vector.broadcast %jit3A_489 : i32 to vector<16xi32>
    %select_n3A_491 = arith.select %ne3A_476, %sub3A_488, %broadcast_in_dim3A_490 : vector<16xi1>, vector<16xi32>
    tpu.vector_store_idx %arg8[%select_n3A_491], %add3A_479 : memref<528xi32, #tpu.memory_space<vmem>>[vector<16xi32>], vector<16xi32>,
    %slice3A_492 = vector.extract_strided_slice %masked_cumsum3A_483 {offsets = [15], sizes = [1], strides = [1]} : vector<16xi32> to vector<1xi32>
    %squeeze3A_493 = vector.extract %slice3A_492[0] : i32 from vector<1xi32>
    %add3A_494 = arith.addi %add3A_471, %squeeze3A_493 : i32
    %get3A_495 = arith.constant 320 : index
    %get3A_496 = tpu.vector_load %arg7[%get3A_495] {strides = array<i32>} : memref<512xi32, #tpu.memory_space<vmem>>, vector<16xi32>,
    %ne3A_497 = arith.constant 0 : i32
    %ne3A_498 = vector.broadcast %ne3A_497 : i32 to vector<16xi32>
    %ne3A_499 = arith.cmpi ne, %get3A_496, %ne3A_498 : vector<16xi32>
    %add3A_500 = arith.constant 320 : i32
    %add3A_501 = vector.broadcast %add3A_500 : i32 to vector<16xi32>
    %add3A_502 = arith.addi %add3A_501, %iota3A : vector<16xi32>
    %convert_element_type3A_503 = arith.extui %ne3A_499 : vector<16xi1> to vector<16xi32>
    %broadcast_in_dim3A_504 = arith.constant true
    %broadcast_in_dim3A_505 = vector.broadcast %broadcast_in_dim3A_504 : i1 to vector<16xi1>
    %masked_cumsum3A_506 = tpu.scan <sum>, %convert_element_type3A_503 masked %broadcast_in_dim3A_505 : vector<16xi32>, vector<16xi1> -> vector<16xi32>
    %add3A_507 = vector.broadcast %add3A_494 : i32 to vector<16xi32>
    %add3A_508 = arith.addi %add3A_507, %masked_cumsum3A_506 : vector<16xi32>
    %sub3A_509 = arith.constant 1 : i32
    %sub3A_510 = vector.broadcast %sub3A_509 : i32 to vector<16xi32>
    %sub3A_511 = arith.subi %add3A_508, %sub3A_510 : vector<16xi32>
    %jit3A_512 = arith.constant 512 : i32
    %broadcast_in_dim3A_513 = vector.broadcast %jit3A_512 : i32 to vector<16xi32>
    %select_n3A_514 = arith.select %ne3A_499, %sub3A_511, %broadcast_in_dim3A_513 : vector<16xi1>, vector<16xi32>
    tpu.vector_store_idx %arg8[%select_n3A_514], %add3A_502 : memref<528xi32, #tpu.memory_space<vmem>>[vector<16xi32>], vector<16xi32>,
    %slice3A_515 = vector.extract_strided_slice %masked_cumsum3A_506 {offsets = [15], sizes = [1], strides = [1]} : vector<16xi32> to vector<1xi32>
    %squeeze3A_516 = vector.extract %slice3A_515[0] : i32 from vector<1xi32>
    %add3A_517 = arith.addi %add3A_494, %squeeze3A_516 : i32
    %get3A_518 = arith.constant 336 : index
    %get3A_519 = tpu.vector_load %arg7[%get3A_518] {strides = array<i32>} : memref<512xi32, #tpu.memory_space<vmem>>, vector<16xi32>,
    %ne3A_520 = arith.constant 0 : i32
    %ne3A_521 = vector.broadcast %ne3A_520 : i32 to vector<16xi32>
    %ne3A_522 = arith.cmpi ne, %get3A_519, %ne3A_521 : vector<16xi32>
    %add3A_523 = arith.constant 336 : i32
    %add3A_524 = vector.broadcast %add3A_523 : i32 to vector<16xi32>
    %add3A_525 = arith.addi %add3A_524, %iota3A : vector<16xi32>
    %convert_element_type3A_526 = arith.extui %ne3A_522 : vector<16xi1> to vector<16xi32>
    %broadcast_in_dim3A_527 = arith.constant true
    %broadcast_in_dim3A_528 = vector.broadcast %broadcast_in_dim3A_527 : i1 to vector<16xi1>
    %masked_cumsum3A_529 = tpu.scan <sum>, %convert_element_type3A_526 masked %broadcast_in_dim3A_528 : vector<16xi32>, vector<16xi1> -> vector<16xi32>
    %add3A_530 = vector.broadcast %add3A_517 : i32 to vector<16xi32>
    %add3A_531 = arith.addi %add3A_530, %masked_cumsum3A_529 : vector<16xi32>
    %sub3A_532 = arith.constant 1 : i32
    %sub3A_533 = vector.broadcast %sub3A_532 : i32 to vector<16xi32>
    %sub3A_534 = arith.subi %add3A_531, %sub3A_533 : vector<16xi32>
    %jit3A_535 = arith.constant 512 : i32
    %broadcast_in_dim3A_536 = vector.broadcast %jit3A_535 : i32 to vector<16xi32>
    %select_n3A_537 = arith.select %ne3A_522, %sub3A_534, %broadcast_in_dim3A_536 : vector<16xi1>, vector<16xi32>
    tpu.vector_store_idx %arg8[%select_n3A_537], %add3A_525 : memref<528xi32, #tpu.memory_space<vmem>>[vector<16xi32>], vector<16xi32>,
    %slice3A_538 = vector.extract_strided_slice %masked_cumsum3A_529 {offsets = [15], sizes = [1], strides = [1]} : vector<16xi32> to vector<1xi32>
    %squeeze3A_539 = vector.extract %slice3A_538[0] : i32 from vector<1xi32>
    %add3A_540 = arith.addi %add3A_517, %squeeze3A_539 : i32
    %get3A_541 = arith.constant 352 : index
    %get3A_542 = tpu.vector_load %arg7[%get3A_541] {strides = array<i32>} : memref<512xi32, #tpu.memory_space<vmem>>, vector<16xi32>,
    %ne3A_543 = arith.constant 0 : i32
    %ne3A_544 = vector.broadcast %ne3A_543 : i32 to vector<16xi32>
    %ne3A_545 = arith.cmpi ne, %get3A_542, %ne3A_544 : vector<16xi32>
    %add3A_546 = arith.constant 352 : i32
    %add3A_547 = vector.broadcast %add3A_546 : i32 to vector<16xi32>
    %add3A_548 = arith.addi %add3A_547, %iota3A : vector<16xi32>
    %convert_element_type3A_549 = arith.extui %ne3A_545 : vector<16xi1> to vector<16xi32>
    %broadcast_in_dim3A_550 = arith.constant true
    %broadcast_in_dim3A_551 = vector.broadcast %broadcast_in_dim3A_550 : i1 to vector<16xi1>
    %masked_cumsum3A_552 = tpu.scan <sum>, %convert_element_type3A_549 masked %broadcast_in_dim3A_551 : vector<16xi32>, vector<16xi1> -> vector<16xi32>
    %add3A_553 = vector.broadcast %add3A_540 : i32 to vector<16xi32>
    %add3A_554 = arith.addi %add3A_553, %masked_cumsum3A_552 : vector<16xi32>
    %sub3A_555 = arith.constant 1 : i32
    %sub3A_556 = vector.broadcast %sub3A_555 : i32 to vector<16xi32>
    %sub3A_557 = arith.subi %add3A_554, %sub3A_556 : vector<16xi32>
    %jit3A_558 = arith.constant 512 : i32
    %broadcast_in_dim3A_559 = vector.broadcast %jit3A_558 : i32 to vector<16xi32>
    %select_n3A_560 = arith.select %ne3A_545, %sub3A_557, %broadcast_in_dim3A_559 : vector<16xi1>, vector<16xi32>
    tpu.vector_store_idx %arg8[%select_n3A_560], %add3A_548 : memref<528xi32, #tpu.memory_space<vmem>>[vector<16xi32>], vector<16xi32>,
    %slice3A_561 = vector.extract_strided_slice %masked_cumsum3A_552 {offsets = [15], sizes = [1], strides = [1]} : vector<16xi32> to vector<1xi32>
    %squeeze3A_562 = vector.extract %slice3A_561[0] : i32 from vector<1xi32>
    %add3A_563 = arith.addi %add3A_540, %squeeze3A_562 : i32
    %get3A_564 = arith.constant 368 : index
    %get3A_565 = tpu.vector_load %arg7[%get3A_564] {strides = array<i32>} : memref<512xi32, #tpu.memory_space<vmem>>, vector<16xi32>,
    %ne3A_566 = arith.constant 0 : i32
    %ne3A_567 = vector.broadcast %ne3A_566 : i32 to vector<16xi32>
    %ne3A_568 = arith.cmpi ne, %get3A_565, %ne3A_567 : vector<16xi32>
    %add3A_569 = arith.constant 368 : i32
    %add3A_570 = vector.broadcast %add3A_569 : i32 to vector<16xi32>
    %add3A_571 = arith.addi %add3A_570, %iota3A : vector<16xi32>
    %convert_element_type3A_572 = arith.extui %ne3A_568 : vector<16xi1> to vector<16xi32>
    %broadcast_in_dim3A_573 = arith.constant true
    %broadcast_in_dim3A_574 = vector.broadcast %broadcast_in_dim3A_573 : i1 to vector<16xi1>
    %masked_cumsum3A_575 = tpu.scan <sum>, %convert_element_type3A_572 masked %broadcast_in_dim3A_574 : vector<16xi32>, vector<16xi1> -> vector<16xi32>
    %add3A_576 = vector.broadcast %add3A_563 : i32 to vector<16xi32>
    %add3A_577 = arith.addi %add3A_576, %masked_cumsum3A_575 : vector<16xi32>
    %sub3A_578 = arith.constant 1 : i32
    %sub3A_579 = vector.broadcast %sub3A_578 : i32 to vector<16xi32>
    %sub3A_580 = arith.subi %add3A_577, %sub3A_579 : vector<16xi32>
    %jit3A_581 = arith.constant 512 : i32
    %broadcast_in_dim3A_582 = vector.broadcast %jit3A_581 : i32 to vector<16xi32>
    %select_n3A_583 = arith.select %ne3A_568, %sub3A_580, %broadcast_in_dim3A_582 : vector<16xi1>, vector<16xi32>
    tpu.vector_store_idx %arg8[%select_n3A_583], %add3A_571 : memref<528xi32, #tpu.memory_space<vmem>>[vector<16xi32>], vector<16xi32>,
    %slice3A_584 = vector.extract_strided_slice %masked_cumsum3A_575 {offsets = [15], sizes = [1], strides = [1]} : vector<16xi32> to vector<1xi32>
    %squeeze3A_585 = vector.extract %slice3A_584[0] : i32 from vector<1xi32>
    %add3A_586 = arith.addi %add3A_563, %squeeze3A_585 : i32
    %get3A_587 = arith.constant 384 : index
    %get3A_588 = tpu.vector_load %arg7[%get3A_587] {strides = array<i32>} : memref<512xi32, #tpu.memory_space<vmem>>, vector<16xi32>,
    %ne3A_589 = arith.constant 0 : i32
    %ne3A_590 = vector.broadcast %ne3A_589 : i32 to vector<16xi32>
    %ne3A_591 = arith.cmpi ne, %get3A_588, %ne3A_590 : vector<16xi32>
    %add3A_592 = arith.constant 384 : i32
    %add3A_593 = vector.broadcast %add3A_592 : i32 to vector<16xi32>
    %add3A_594 = arith.addi %add3A_593, %iota3A : vector<16xi32>
    %convert_element_type3A_595 = arith.extui %ne3A_591 : vector<16xi1> to vector<16xi32>
    %broadcast_in_dim3A_596 = arith.constant true
    %broadcast_in_dim3A_597 = vector.broadcast %broadcast_in_dim3A_596 : i1 to vector<16xi1>
    %masked_cumsum3A_598 = tpu.scan <sum>, %convert_element_type3A_595 masked %broadcast_in_dim3A_597 : vector<16xi32>, vector<16xi1> -> vector<16xi32>
    %add3A_599 = vector.broadcast %add3A_586 : i32 to vector<16xi32>
    %add3A_600 = arith.addi %add3A_599, %masked_cumsum3A_598 : vector<16xi32>
    %sub3A_601 = arith.constant 1 : i32
    %sub3A_602 = vector.broadcast %sub3A_601 : i32 to vector<16xi32>
    %sub3A_603 = arith.subi %add3A_600, %sub3A_602 : vector<16xi32>
    %jit3A_604 = arith.constant 512 : i32
    %broadcast_in_dim3A_605 = vector.broadcast %jit3A_604 : i32 to vector<16xi32>
    %select_n3A_606 = arith.select %ne3A_591, %sub3A_603, %broadcast_in_dim3A_605 : vector<16xi1>, vector<16xi32>
    tpu.vector_store_idx %arg8[%select_n3A_606], %add3A_594 : memref<528xi32, #tpu.memory_space<vmem>>[vector<16xi32>], vector<16xi32>,
    %slice3A_607 = vector.extract_strided_slice %masked_cumsum3A_598 {offsets = [15], sizes = [1], strides = [1]} : vector<16xi32> to vector<1xi32>
    %squeeze3A_608 = vector.extract %slice3A_607[0] : i32 from vector<1xi32>
    %add3A_609 = arith.addi %add3A_586, %squeeze3A_608 : i32
    %get3A_610 = arith.constant 400 : index
    %get3A_611 = tpu.vector_load %arg7[%get3A_610] {strides = array<i32>} : memref<512xi32, #tpu.memory_space<vmem>>, vector<16xi32>,
    %ne3A_612 = arith.constant 0 : i32
    %ne3A_613 = vector.broadcast %ne3A_612 : i32 to vector<16xi32>
    %ne3A_614 = arith.cmpi ne, %get3A_611, %ne3A_613 : vector<16xi32>
    %add3A_615 = arith.constant 400 : i32
    %add3A_616 = vector.broadcast %add3A_615 : i32 to vector<16xi32>
    %add3A_617 = arith.addi %add3A_616, %iota3A : vector<16xi32>
    %convert_element_type3A_618 = arith.extui %ne3A_614 : vector<16xi1> to vector<16xi32>
    %broadcast_in_dim3A_619 = arith.constant true
    %broadcast_in_dim3A_620 = vector.broadcast %broadcast_in_dim3A_619 : i1 to vector<16xi1>
    %masked_cumsum3A_621 = tpu.scan <sum>, %convert_element_type3A_618 masked %broadcast_in_dim3A_620 : vector<16xi32>, vector<16xi1> -> vector<16xi32>
    %add3A_622 = vector.broadcast %add3A_609 : i32 to vector<16xi32>
    %add3A_623 = arith.addi %add3A_622, %masked_cumsum3A_621 : vector<16xi32>
    %sub3A_624 = arith.constant 1 : i32
    %sub3A_625 = vector.broadcast %sub3A_624 : i32 to vector<16xi32>
    %sub3A_626 = arith.subi %add3A_623, %sub3A_625 : vector<16xi32>
    %jit3A_627 = arith.constant 512 : i32
    %broadcast_in_dim3A_628 = vector.broadcast %jit3A_627 : i32 to vector<16xi32>
    %select_n3A_629 = arith.select %ne3A_614, %sub3A_626, %broadcast_in_dim3A_628 : vector<16xi1>, vector<16xi32>
    tpu.vector_store_idx %arg8[%select_n3A_629], %add3A_617 : memref<528xi32, #tpu.memory_space<vmem>>[vector<16xi32>], vector<16xi32>,
    %slice3A_630 = vector.extract_strided_slice %masked_cumsum3A_621 {offsets = [15], sizes = [1], strides = [1]} : vector<16xi32> to vector<1xi32>
    %squeeze3A_631 = vector.extract %slice3A_630[0] : i32 from vector<1xi32>
    %add3A_632 = arith.addi %add3A_609, %squeeze3A_631 : i32
    %get3A_633 = arith.constant 416 : index
    %get3A_634 = tpu.vector_load %arg7[%get3A_633] {strides = array<i32>} : memref<512xi32, #tpu.memory_space<vmem>>, vector<16xi32>,
    %ne3A_635 = arith.constant 0 : i32
    %ne3A_636 = vector.broadcast %ne3A_635 : i32 to vector<16xi32>
    %ne3A_637 = arith.cmpi ne, %get3A_634, %ne3A_636 : vector<16xi32>
    %add3A_638 = arith.constant 416 : i32
    %add3A_639 = vector.broadcast %add3A_638 : i32 to vector<16xi32>
    %add3A_640 = arith.addi %add3A_639, %iota3A : vector<16xi32>
    %convert_element_type3A_641 = arith.extui %ne3A_637 : vector<16xi1> to vector<16xi32>
    %broadcast_in_dim3A_642 = arith.constant true
    %broadcast_in_dim3A_643 = vector.broadcast %broadcast_in_dim3A_642 : i1 to vector<16xi1>
    %masked_cumsum3A_644 = tpu.scan <sum>, %convert_element_type3A_641 masked %broadcast_in_dim3A_643 : vector<16xi32>, vector<16xi1> -> vector<16xi32>
    %add3A_645 = vector.broadcast %add3A_632 : i32 to vector<16xi32>
    %add3A_646 = arith.addi %add3A_645, %masked_cumsum3A_644 : vector<16xi32>
    %sub3A_647 = arith.constant 1 : i32
    %sub3A_648 = vector.broadcast %sub3A_647 : i32 to vector<16xi32>
    %sub3A_649 = arith.subi %add3A_646, %sub3A_648 : vector<16xi32>
    %jit3A_650 = arith.constant 512 : i32
    %broadcast_in_dim3A_651 = vector.broadcast %jit3A_650 : i32 to vector<16xi32>
    %select_n3A_652 = arith.select %ne3A_637, %sub3A_649, %broadcast_in_dim3A_651 : vector<16xi1>, vector<16xi32>
    tpu.vector_store_idx %arg8[%select_n3A_652], %add3A_640 : memref<528xi32, #tpu.memory_space<vmem>>[vector<16xi32>], vector<16xi32>,
    %slice3A_653 = vector.extract_strided_slice %masked_cumsum3A_644 {offsets = [15], sizes = [1], strides = [1]} : vector<16xi32> to vector<1xi32>
    %squeeze3A_654 = vector.extract %slice3A_653[0] : i32 from vector<1xi32>
    %add3A_655 = arith.addi %add3A_632, %squeeze3A_654 : i32
    %get3A_656 = arith.constant 432 : index
    %get3A_657 = tpu.vector_load %arg7[%get3A_656] {strides = array<i32>} : memref<512xi32, #tpu.memory_space<vmem>>, vector<16xi32>,
    %ne3A_658 = arith.constant 0 : i32
    %ne3A_659 = vector.broadcast %ne3A_658 : i32 to vector<16xi32>
    %ne3A_660 = arith.cmpi ne, %get3A_657, %ne3A_659 : vector<16xi32>
    %add3A_661 = arith.constant 432 : i32
    %add3A_662 = vector.broadcast %add3A_661 : i32 to vector<16xi32>
    %add3A_663 = arith.addi %add3A_662, %iota3A : vector<16xi32>
    %convert_element_type3A_664 = arith.extui %ne3A_660 : vector<16xi1> to vector<16xi32>
    %broadcast_in_dim3A_665 = arith.constant true
    %broadcast_in_dim3A_666 = vector.broadcast %broadcast_in_dim3A_665 : i1 to vector<16xi1>
    %masked_cumsum3A_667 = tpu.scan <sum>, %convert_element_type3A_664 masked %broadcast_in_dim3A_666 : vector<16xi32>, vector<16xi1> -> vector<16xi32>
    %add3A_668 = vector.broadcast %add3A_655 : i32 to vector<16xi32>
    %add3A_669 = arith.addi %add3A_668, %masked_cumsum3A_667 : vector<16xi32>
    %sub3A_670 = arith.constant 1 : i32
    %sub3A_671 = vector.broadcast %sub3A_670 : i32 to vector<16xi32>
    %sub3A_672 = arith.subi %add3A_669, %sub3A_671 : vector<16xi32>
    %jit3A_673 = arith.constant 512 : i32
    %broadcast_in_dim3A_674 = vector.broadcast %jit3A_673 : i32 to vector<16xi32>
    %select_n3A_675 = arith.select %ne3A_660, %sub3A_672, %broadcast_in_dim3A_674 : vector<16xi1>, vector<16xi32>
    tpu.vector_store_idx %arg8[%select_n3A_675], %add3A_663 : memref<528xi32, #tpu.memory_space<vmem>>[vector<16xi32>], vector<16xi32>,
    %slice3A_676 = vector.extract_strided_slice %masked_cumsum3A_667 {offsets = [15], sizes = [1], strides = [1]} : vector<16xi32> to vector<1xi32>
    %squeeze3A_677 = vector.extract %slice3A_676[0] : i32 from vector<1xi32>
    %add3A_678 = arith.addi %add3A_655, %squeeze3A_677 : i32
    %get3A_679 = arith.constant 448 : index
    %get3A_680 = tpu.vector_load %arg7[%get3A_679] {strides = array<i32>} : memref<512xi32, #tpu.memory_space<vmem>>, vector<16xi32>,
    %ne3A_681 = arith.constant 0 : i32
    %ne3A_682 = vector.broadcast %ne3A_681 : i32 to vector<16xi32>
    %ne3A_683 = arith.cmpi ne, %get3A_680, %ne3A_682 : vector<16xi32>
    %add3A_684 = arith.constant 448 : i32
    %add3A_685 = vector.broadcast %add3A_684 : i32 to vector<16xi32>
    %add3A_686 = arith.addi %add3A_685, %iota3A : vector<16xi32>
    %convert_element_type3A_687 = arith.extui %ne3A_683 : vector<16xi1> to vector<16xi32>
    %broadcast_in_dim3A_688 = arith.constant true
    %broadcast_in_dim3A_689 = vector.broadcast %broadcast_in_dim3A_688 : i1 to vector<16xi1>
    %masked_cumsum3A_690 = tpu.scan <sum>, %convert_element_type3A_687 masked %broadcast_in_dim3A_689 : vector<16xi32>, vector<16xi1> -> vector<16xi32>
    %add3A_691 = vector.broadcast %add3A_678 : i32 to vector<16xi32>
    %add3A_692 = arith.addi %add3A_691, %masked_cumsum3A_690 : vector<16xi32>
    %sub3A_693 = arith.constant 1 : i32
    %sub3A_694 = vector.broadcast %sub3A_693 : i32 to vector<16xi32>
    %sub3A_695 = arith.subi %add3A_692, %sub3A_694 : vector<16xi32>
    %jit3A_696 = arith.constant 512 : i32
    %broadcast_in_dim3A_697 = vector.broadcast %jit3A_696 : i32 to vector<16xi32>
    %select_n3A_698 = arith.select %ne3A_683, %sub3A_695, %broadcast_in_dim3A_697 : vector<16xi1>, vector<16xi32>
    tpu.vector_store_idx %arg8[%select_n3A_698], %add3A_686 : memref<528xi32, #tpu.memory_space<vmem>>[vector<16xi32>], vector<16xi32>,
    %slice3A_699 = vector.extract_strided_slice %masked_cumsum3A_690 {offsets = [15], sizes = [1], strides = [1]} : vector<16xi32> to vector<1xi32>
    %squeeze3A_700 = vector.extract %slice3A_699[0] : i32 from vector<1xi32>
    %add3A_701 = arith.addi %add3A_678, %squeeze3A_700 : i32
    %get3A_702 = arith.constant 464 : index
    %get3A_703 = tpu.vector_load %arg7[%get3A_702] {strides = array<i32>} : memref<512xi32, #tpu.memory_space<vmem>>, vector<16xi32>,
    %ne3A_704 = arith.constant 0 : i32
    %ne3A_705 = vector.broadcast %ne3A_704 : i32 to vector<16xi32>
    %ne3A_706 = arith.cmpi ne, %get3A_703, %ne3A_705 : vector<16xi32>
    %add3A_707 = arith.constant 464 : i32
    %add3A_708 = vector.broadcast %add3A_707 : i32 to vector<16xi32>
    %add3A_709 = arith.addi %add3A_708, %iota3A : vector<16xi32>
    %convert_element_type3A_710 = arith.extui %ne3A_706 : vector<16xi1> to vector<16xi32>
    %broadcast_in_dim3A_711 = arith.constant true
    %broadcast_in_dim3A_712 = vector.broadcast %broadcast_in_dim3A_711 : i1 to vector<16xi1>
    %masked_cumsum3A_713 = tpu.scan <sum>, %convert_element_type3A_710 masked %broadcast_in_dim3A_712 : vector<16xi32>, vector<16xi1> -> vector<16xi32>
    %add3A_714 = vector.broadcast %add3A_701 : i32 to vector<16xi32>
    %add3A_715 = arith.addi %add3A_714, %masked_cumsum3A_713 : vector<16xi32>
    %sub3A_716 = arith.constant 1 : i32
    %sub3A_717 = vector.broadcast %sub3A_716 : i32 to vector<16xi32>
    %sub3A_718 = arith.subi %add3A_715, %sub3A_717 : vector<16xi32>
    %jit3A_719 = arith.constant 512 : i32
    %broadcast_in_dim3A_720 = vector.broadcast %jit3A_719 : i32 to vector<16xi32>
    %select_n3A_721 = arith.select %ne3A_706, %sub3A_718, %broadcast_in_dim3A_720 : vector<16xi1>, vector<16xi32>
    tpu.vector_store_idx %arg8[%select_n3A_721], %add3A_709 : memref<528xi32, #tpu.memory_space<vmem>>[vector<16xi32>], vector<16xi32>,
    %slice3A_722 = vector.extract_strided_slice %masked_cumsum3A_713 {offsets = [15], sizes = [1], strides = [1]} : vector<16xi32> to vector<1xi32>
    %squeeze3A_723 = vector.extract %slice3A_722[0] : i32 from vector<1xi32>
    %add3A_724 = arith.addi %add3A_701, %squeeze3A_723 : i32
    %get3A_725 = arith.constant 480 : index
    %get3A_726 = tpu.vector_load %arg7[%get3A_725] {strides = array<i32>} : memref<512xi32, #tpu.memory_space<vmem>>, vector<16xi32>,
    %ne3A_727 = arith.constant 0 : i32
    %ne3A_728 = vector.broadcast %ne3A_727 : i32 to vector<16xi32>
    %ne3A_729 = arith.cmpi ne, %get3A_726, %ne3A_728 : vector<16xi32>
    %add3A_730 = arith.constant 480 : i32
    %add3A_731 = vector.broadcast %add3A_730 : i32 to vector<16xi32>
    %add3A_732 = arith.addi %add3A_731, %iota3A : vector<16xi32>
    %convert_element_type3A_733 = arith.extui %ne3A_729 : vector<16xi1> to vector<16xi32>
    %broadcast_in_dim3A_734 = arith.constant true
    %broadcast_in_dim3A_735 = vector.broadcast %broadcast_in_dim3A_734 : i1 to vector<16xi1>
    %masked_cumsum3A_736 = tpu.scan <sum>, %convert_element_type3A_733 masked %broadcast_in_dim3A_735 : vector<16xi32>, vector<16xi1> -> vector<16xi32>
    %add3A_737 = vector.broadcast %add3A_724 : i32 to vector<16xi32>
    %add3A_738 = arith.addi %add3A_737, %masked_cumsum3A_736 : vector<16xi32>
    %sub3A_739 = arith.constant 1 : i32
    %sub3A_740 = vector.broadcast %sub3A_739 : i32 to vector<16xi32>
    %sub3A_741 = arith.subi %add3A_738, %sub3A_740 : vector<16xi32>
    %jit3A_742 = arith.constant 512 : i32
    %broadcast_in_dim3A_743 = vector.broadcast %jit3A_742 : i32 to vector<16xi32>
    %select_n3A_744 = arith.select %ne3A_729, %sub3A_741, %broadcast_in_dim3A_743 : vector<16xi1>, vector<16xi32>
    tpu.vector_store_idx %arg8[%select_n3A_744], %add3A_732 : memref<528xi32, #tpu.memory_space<vmem>>[vector<16xi32>], vector<16xi32>,
    %slice3A_745 = vector.extract_strided_slice %masked_cumsum3A_736 {offsets = [15], sizes = [1], strides = [1]} : vector<16xi32> to vector<1xi32>
    %squeeze3A_746 = vector.extract %slice3A_745[0] : i32 from vector<1xi32>
    %add3A_747 = arith.addi %add3A_724, %squeeze3A_746 : i32
    %get3A_748 = arith.constant 496 : index
    %get3A_749 = tpu.vector_load %arg7[%get3A_748] {strides = array<i32>} : memref<512xi32, #tpu.memory_space<vmem>>, vector<16xi32>,
    %ne3A_750 = arith.constant 0 : i32
    %ne3A_751 = vector.broadcast %ne3A_750 : i32 to vector<16xi32>
    %ne3A_752 = arith.cmpi ne, %get3A_749, %ne3A_751 : vector<16xi32>
    %add3A_753 = arith.constant 496 : i32
    %add3A_754 = vector.broadcast %add3A_753 : i32 to vector<16xi32>
    %add3A_755 = arith.addi %add3A_754, %iota3A : vector<16xi32>
    %convert_element_type3A_756 = arith.extui %ne3A_752 : vector<16xi1> to vector<16xi32>
    %broadcast_in_dim3A_757 = arith.constant true
    %broadcast_in_dim3A_758 = vector.broadcast %broadcast_in_dim3A_757 : i1 to vector<16xi1>
    %masked_cumsum3A_759 = tpu.scan <sum>, %convert_element_type3A_756 masked %broadcast_in_dim3A_758 : vector<16xi32>, vector<16xi1> -> vector<16xi32>
    %add3A_760 = vector.broadcast %add3A_747 : i32 to vector<16xi32>
    %add3A_761 = arith.addi %add3A_760, %masked_cumsum3A_759 : vector<16xi32>
    %sub3A_762 = arith.constant 1 : i32
    %sub3A_763 = vector.broadcast %sub3A_762 : i32 to vector<16xi32>
    %sub3A_764 = arith.subi %add3A_761, %sub3A_763 : vector<16xi32>
    %jit3A_765 = arith.constant 512 : i32
    %broadcast_in_dim3A_766 = vector.broadcast %jit3A_765 : i32 to vector<16xi32>
    %select_n3A_767 = arith.select %ne3A_752, %sub3A_764, %broadcast_in_dim3A_766 : vector<16xi1>, vector<16xi32>
    tpu.vector_store_idx %arg8[%select_n3A_767], %add3A_755 : memref<528xi32, #tpu.memory_space<vmem>>[vector<16xi32>], vector<16xi32>,
    %slice3A_768 = vector.extract_strided_slice %masked_cumsum3A_759 {offsets = [15], sizes = [1], strides = [1]} : vector<16xi32> to vector<1xi32>
    %squeeze3A_769 = vector.extract %slice3A_768[0] : i32 from vector<1xi32>
    %add3A_770 = arith.addi %add3A_747, %squeeze3A_769 : i32
    %eq3A_771 = arith.constant 0 : i32
    %eq3A_772 = vector.broadcast %eq3A_771 : i32 to vector<16xi32>
    %eq3A_773 = arith.cmpi eq, %iota3A, %eq3A_772 : vector<16xi32>
    %jit3A_774 = arith.constant 0 : i32
    %broadcast_in_dim3A_775 = vector.broadcast %add3A_770 : i32 to vector<16xi32>
    %broadcast_in_dim3A_776 = vector.broadcast %jit3A_774 : i32 to vector<16xi32>
    %select_n3A_777 = arith.select %eq3A_773, %broadcast_in_dim3A_775, %broadcast_in_dim3A_776 : vector<16xi1>, vector<16xi32>
    %swap3A = arith.constant 0 : index
    %swap3A_778 = tpu.vector_load %arg11[%swap3A] {strides = array<i32>} : memref<16xi32, #tpu.memory_space<vmem>>, vector<16xi32>,
    tpu.vector_store %arg11[%swap3A], %select_n3A_777 {strides = array<i32>} : memref<16xi32, #tpu.memory_space<vmem>>, vector<16xi32>,
    "tpu.region"() ({
      %run_scoped3A = tpu.sem_alloc : memref<!tpu.dma_semaphore, #tpu.memory_space<semaphore_mem>>
      %dma_start3A_1325 = arith.constant 0 : i32
      %dma_start3A_1326 = tpu.memref_slice %arg6[%add3A_33, %dma_start3A_1325] : memref<32x16xi32, #tpu.memory_space<hbm>> -> memref<1x16xi32, #tpu.memory_space<hbm>>
      %dma_start3A_1327 = tpu.memref_squeeze %dma_start3A_1326 : memref<1x16xi32, #tpu.memory_space<hbm>> -> memref<16xi32, #tpu.memory_space<hbm>>
      %dma_start3A_1328 = arith.constant 0 : i32
      %dma_start3A_1329 = tpu.memref_slice %arg6[%add3A_33, %dma_start3A_1328] : memref<32x16xi32, #tpu.memory_space<hbm>> -> memref<1x16xi32, #tpu.memory_space<hbm>>
      %dma_start3A_1330 = tpu.memref_squeeze %dma_start3A_1329 : memref<1x16xi32, #tpu.memory_space<hbm>> -> memref<16xi32, #tpu.memory_space<hbm>>
      tpu.enqueue_dma source(%arg11 : memref<16xi32, #tpu.memory_space<vmem>>) target(%dma_start3A_1330 : memref<16xi32, #tpu.memory_space<hbm>>) target_semaphore(%run_scoped3A : memref<!tpu.dma_semaphore, #tpu.memory_space<semaphore_mem>>)
      %dma_wait3A_1331 = arith.constant 0 : i32
      %dma_wait3A_1332 = tpu.memref_slice %arg6[%add3A_33, %dma_wait3A_1331] : memref<32x16xi32, #tpu.memory_space<hbm>> -> memref<1x16xi32, #tpu.memory_space<hbm>>
      %dma_wait3A_1333 = tpu.memref_squeeze %dma_wait3A_1332 : memref<1x16xi32, #tpu.memory_space<hbm>> -> memref<16xi32, #tpu.memory_space<hbm>>
      %dma_wait3A_1334 = arith.constant 0 : i32
      %dma_wait3A_1335 = tpu.memref_slice %arg6[%add3A_33, %dma_wait3A_1334] : memref<32x16xi32, #tpu.memory_space<hbm>> -> memref<1x16xi32, #tpu.memory_space<hbm>>
      %dma_wait3A_1336 = tpu.memref_squeeze %dma_wait3A_1335 : memref<1x16xi32, #tpu.memory_space<hbm>> -> memref<16xi32, #tpu.memory_space<hbm>>
      tpu.wait_dma2 semaphore(%run_scoped3A : memref<!tpu.dma_semaphore, #tpu.memory_space<semaphore_mem>>) src(%arg11 : memref<16xi32, #tpu.memory_space<vmem>>) dst(%dma_wait3A_1336 : memref<16xi32, #tpu.memory_space<hbm>>)
      tpu.yield
    }) : () -> ()
    %while3A = arith.constant 0 : i32
    %while3A_779 = arith.constant 0 : i32
    %while3A_780 = arith.subi %add3A_770, %while3A : i32
    %while3A_781 = arith.addi %while3A, %while3A_780 : i32
    %while3A_782 = arith.constant 1 : i32
    %while3A_783 = arith.divsi %while3A_780, %while3A_782 : i32
    %while3A_784 = arith.muli %while3A_783, %while3A_782 : i32
    %while3A_785 = arith.addi %while3A, %while3A_784 : i32
    %while3A_786 = arith.constant 1 : i32
    %while3A_787 = scf.for %while3A_1325 = %while3A to %while3A_785 step %while3A_786 iter_args(%while3A_1326 = %while3A_779) -> (i32)  : i32 {
      %get3A_1327 = arith.index_cast %while3A_1325 : i32 to index
      %get3A_1328 = tpu.vector_load %arg8[%get3A_1327] {strides = array<i32>} : memref<528xi32, #tpu.memory_space<vmem>>, vector<16xi32>,
      %slice3A_1329 = vector.extract_strided_slice %get3A_1328 {offsets = [0], sizes = [1], strides = [1]} : vector<16xi32> to vector<1xi32>
      %squeeze3A_1330 = vector.extract %slice3A_1329[0] : i32 from vector<1xi32>
      %broadcast_in_dim3A_1331 = vector.broadcast %squeeze3A_1330 : i32 to vector<16xi32>
      %gather3A = tpu.vector_load_idx %arg9[%broadcast_in_dim3A_1331, %iota3A] : memref<512x16xf32, #tpu.memory_space<vmem>>[vector<16xi32>, vector<16xi32>], vector<16xf32>,
      %broadcast_in_dim3A_1332 = vector.broadcast %while3A_1325 : i32 to vector<16xi32>
      tpu.vector_store_idx %arg10[%broadcast_in_dim3A_1332, %iota3A], %gather3A : memref<512x16xf32, #tpu.memory_space<vmem>>[vector<16xi32>, vector<16xi32>], vector<16xf32>,
      %while3A_1333 = arith.constant 0 : i32
      scf.yield %while3A_1333 : i32
    }
    %while3A_788 = arith.constant 1 : i32
    %while3A_789 = scf.for %while3A_1325 = %while3A_785 to %while3A_781 step %while3A_788 iter_args(%while3A_1326 = %while3A_787) -> (i32)  : i32 {
      %get3A_1327 = arith.index_cast %while3A_1325 : i32 to index
      %get3A_1328 = tpu.vector_load %arg8[%get3A_1327] {strides = array<i32>} : memref<528xi32, #tpu.memory_space<vmem>>, vector<16xi32>,
      %slice3A_1329 = vector.extract_strided_slice %get3A_1328 {offsets = [0], sizes = [1], strides = [1]} : vector<16xi32> to vector<1xi32>
      %squeeze3A_1330 = vector.extract %slice3A_1329[0] : i32 from vector<1xi32>
      %broadcast_in_dim3A_1331 = vector.broadcast %squeeze3A_1330 : i32 to vector<16xi32>
      %gather3A = tpu.vector_load_idx %arg9[%broadcast_in_dim3A_1331, %iota3A] : memref<512x16xf32, #tpu.memory_space<vmem>>[vector<16xi32>, vector<16xi32>], vector<16xf32>,
      %broadcast_in_dim3A_1332 = vector.broadcast %while3A_1325 : i32 to vector<16xi32>
      tpu.vector_store_idx %arg10[%broadcast_in_dim3A_1332, %iota3A], %gather3A : memref<512x16xf32, #tpu.memory_space<vmem>>[vector<16xi32>, vector<16xi32>], vector<16xf32>,
      %while3A_1333 = arith.constant 0 : i32
      scf.yield %while3A_1333 : i32
    }
    %barrier3A = arith.constant 0 : index
    tpu.barrier barrier_id(%barrier3A)
    %mul3A_790 = arith.constant 16 : i32
    %mul3A_791 = arith.muli %arg0, %mul3A_790 : i32
    %jit3A_792 = arith.constant 8 : i32
    %div3A_793 = arith.divsi %arg1, %jit3A_792 : i32
    %sign3A_794 = arith.constant 0 : i32
    %sign3A_795 = arith.cmpi sgt, %arg1, %sign3A_794 : i32
    %sign3A_796 = arith.extui %sign3A_795 : i1 to i32
    %sign3A_797 = arith.constant 0 : i32
    %sign3A_798 = arith.cmpi slt, %arg1, %sign3A_797 : i32
    %sign3A_799 = arith.extui %sign3A_798 : i1 to i32
    %sign3A_800 = arith.subi %sign3A_796, %sign3A_799 : i32
    %sign3A_801 = arith.constant 0 : i32
    %sign3A_802 = arith.cmpi sgt, %jit3A_792, %sign3A_801 : i32
    %sign3A_803 = arith.extui %sign3A_802 : i1 to i32
    %sign3A_804 = arith.constant 0 : i32
    %sign3A_805 = arith.cmpi slt, %jit3A_792, %sign3A_804 : i32
    %sign3A_806 = arith.extui %sign3A_805 : i1 to i32
    %sign3A_807 = arith.subi %sign3A_803, %sign3A_806 : i32
    %ne3A_808 = arith.cmpi ne, %sign3A_800, %sign3A_807 : i32
    %rem3A_809 = arith.remsi %arg1, %jit3A_792 : i32
    %ne3A_810 = arith.constant 0 : i32
    %ne3A_811 = arith.cmpi ne, %rem3A_809, %ne3A_810 : i32
    %and3A_812 = arith.andi %ne3A_808, %ne3A_811 : i1
    %sub3A_813 = arith.constant 1 : i32
    %sub3A_814 = arith.subi %div3A_793, %sub3A_813 : i32
    %select_n3A_815 = arith.select %and3A_812, %sub3A_814, %div3A_793 : i32
    %mul3A_816 = arith.constant 8 : i32
    %mul3A_817 = arith.muli %select_n3A_815, %mul3A_816 : i32
    %add3A_818 = arith.addi %mul3A_791, %mul3A_817 : i32
    "tpu.region"() ({
      %run_scoped3A = tpu.sem_alloc : memref<!tpu.dma_semaphore, #tpu.memory_space<semaphore_mem>>
      %dma_start3A_1325 = arith.constant 0 : i32
      %dma_start3A_1326 = tpu.memref_slice %arg6[%add3A_818, %dma_start3A_1325] : memref<32x16xi32, #tpu.memory_space<hbm>> -> memref<8x16xi32, #tpu.memory_space<hbm>>
      %dma_start3A_1327 = arith.constant 0 : i32
      %dma_start3A_1328 = tpu.memref_slice %arg6[%add3A_818, %dma_start3A_1327] : memref<32x16xi32, #tpu.memory_space<hbm>> -> memref<8x16xi32, #tpu.memory_space<hbm>>
      tpu.enqueue_dma source(%dma_start3A_1328 : memref<8x16xi32, #tpu.memory_space<hbm>>) target(%arg12 : memref<8x16xi32, #tpu.memory_space<vmem>>) target_semaphore(%run_scoped3A : memref<!tpu.dma_semaphore, #tpu.memory_space<semaphore_mem>>)
      %dma_wait3A_1329 = arith.constant 0 : i32
      %dma_wait3A_1330 = tpu.memref_slice %arg6[%add3A_818, %dma_wait3A_1329] : memref<32x16xi32, #tpu.memory_space<hbm>> -> memref<8x16xi32, #tpu.memory_space<hbm>>
      %dma_wait3A_1331 = arith.constant 0 : i32
      %dma_wait3A_1332 = tpu.memref_slice %arg6[%add3A_818, %dma_wait3A_1331] : memref<32x16xi32, #tpu.memory_space<hbm>> -> memref<8x16xi32, #tpu.memory_space<hbm>>
      tpu.wait_dma2 semaphore(%run_scoped3A : memref<!tpu.dma_semaphore, #tpu.memory_space<semaphore_mem>>) src(%dma_wait3A_1332 : memref<8x16xi32, #tpu.memory_space<hbm>>) dst(%arg12 : memref<8x16xi32, #tpu.memory_space<vmem>>)
      tpu.yield
    }) : () -> ()
    %get3A_819 = arith.constant 0 : i32
    %get3A_820 = arith.index_cast %get3A_819 : i32 to index
    %get3A_821 = arith.constant 0 : index
    %get3A_822 = tpu.vector_load %arg12[%get3A_820, %get3A_821] {strides = array<i32>} : memref<8x16xi32, #tpu.memory_space<vmem>>, vector<16xi32>,
    %slice3A_823 = vector.extract_strided_slice %get3A_822 {offsets = [0], sizes = [1], strides = [1]} : vector<16xi32> to vector<1xi32>
    %squeeze3A_824 = vector.extract %slice3A_823[0] : i32 from vector<1xi32>
    %gt3A = arith.constant 0 : i32
    %gt3A_825 = arith.cmpi sgt, %select_n3A_30, %gt3A : i32
    %jit3A_826 = arith.constant 0 : i32
    %select_n3A_827 = arith.select %gt3A_825, %squeeze3A_824, %jit3A_826 : i32
    %add3A_828 = arith.constant 0 : i32
    %add3A_829 = arith.addi %add3A_828, %select_n3A_827 : i32
    %add3A_830 = arith.constant 0 : i32
    %add3A_831 = arith.addi %add3A_830, %squeeze3A_824 : i32
    %get3A_832 = arith.constant 1 : i32
    %get3A_833 = arith.index_cast %get3A_832 : i32 to index
    %get3A_834 = arith.constant 0 : index
    %get3A_835 = tpu.vector_load %arg12[%get3A_833, %get3A_834] {strides = array<i32>} : memref<8x16xi32, #tpu.memory_space<vmem>>, vector<16xi32>,
    %slice3A_836 = vector.extract_strided_slice %get3A_835 {offsets = [0], sizes = [1], strides = [1]} : vector<16xi32> to vector<1xi32>
    %squeeze3A_837 = vector.extract %slice3A_836[0] : i32 from vector<1xi32>
    %gt3A_838 = arith.constant 1 : i32
    %gt3A_839 = arith.cmpi sgt, %select_n3A_30, %gt3A_838 : i32
    %jit3A_840 = arith.constant 0 : i32
    %select_n3A_841 = arith.select %gt3A_839, %squeeze3A_837, %jit3A_840 : i32
    %add3A_842 = arith.addi %add3A_829, %select_n3A_841 : i32
    %add3A_843 = arith.addi %add3A_831, %squeeze3A_837 : i32
    %get3A_844 = arith.constant 2 : i32
    %get3A_845 = arith.index_cast %get3A_844 : i32 to index
    %get3A_846 = arith.constant 0 : index
    %get3A_847 = tpu.vector_load %arg12[%get3A_845, %get3A_846] {strides = array<i32>} : memref<8x16xi32, #tpu.memory_space<vmem>>, vector<16xi32>,
    %slice3A_848 = vector.extract_strided_slice %get3A_847 {offsets = [0], sizes = [1], strides = [1]} : vector<16xi32> to vector<1xi32>
    %squeeze3A_849 = vector.extract %slice3A_848[0] : i32 from vector<1xi32>
    %gt3A_850 = arith.constant 2 : i32
    %gt3A_851 = arith.cmpi sgt, %select_n3A_30, %gt3A_850 : i32
    %jit3A_852 = arith.constant 0 : i32
    %select_n3A_853 = arith.select %gt3A_851, %squeeze3A_849, %jit3A_852 : i32
    %add3A_854 = arith.addi %add3A_842, %select_n3A_853 : i32
    %add3A_855 = arith.addi %add3A_843, %squeeze3A_849 : i32
    %get3A_856 = arith.constant 3 : i32
    %get3A_857 = arith.index_cast %get3A_856 : i32 to index
    %get3A_858 = arith.constant 0 : index
    %get3A_859 = tpu.vector_load %arg12[%get3A_857, %get3A_858] {strides = array<i32>} : memref<8x16xi32, #tpu.memory_space<vmem>>, vector<16xi32>,
    %slice3A_860 = vector.extract_strided_slice %get3A_859 {offsets = [0], sizes = [1], strides = [1]} : vector<16xi32> to vector<1xi32>
    %squeeze3A_861 = vector.extract %slice3A_860[0] : i32 from vector<1xi32>
    %gt3A_862 = arith.constant 3 : i32
    %gt3A_863 = arith.cmpi sgt, %select_n3A_30, %gt3A_862 : i32
    %jit3A_864 = arith.constant 0 : i32
    %select_n3A_865 = arith.select %gt3A_863, %squeeze3A_861, %jit3A_864 : i32
    %add3A_866 = arith.addi %add3A_854, %select_n3A_865 : i32
    %add3A_867 = arith.addi %add3A_855, %squeeze3A_861 : i32
    %get3A_868 = arith.constant 4 : i32
    %get3A_869 = arith.index_cast %get3A_868 : i32 to index
    %get3A_870 = arith.constant 0 : index
    %get3A_871 = tpu.vector_load %arg12[%get3A_869, %get3A_870] {strides = array<i32>} : memref<8x16xi32, #tpu.memory_space<vmem>>, vector<16xi32>,
    %slice3A_872 = vector.extract_strided_slice %get3A_871 {offsets = [0], sizes = [1], strides = [1]} : vector<16xi32> to vector<1xi32>
    %squeeze3A_873 = vector.extract %slice3A_872[0] : i32 from vector<1xi32>
    %gt3A_874 = arith.constant 4 : i32
    %gt3A_875 = arith.cmpi sgt, %select_n3A_30, %gt3A_874 : i32
    %jit3A_876 = arith.constant 0 : i32
    %select_n3A_877 = arith.select %gt3A_875, %squeeze3A_873, %jit3A_876 : i32
    %add3A_878 = arith.addi %add3A_866, %select_n3A_877 : i32
    %add3A_879 = arith.addi %add3A_867, %squeeze3A_873 : i32
    %get3A_880 = arith.constant 5 : i32
    %get3A_881 = arith.index_cast %get3A_880 : i32 to index
    %get3A_882 = arith.constant 0 : index
    %get3A_883 = tpu.vector_load %arg12[%get3A_881, %get3A_882] {strides = array<i32>} : memref<8x16xi32, #tpu.memory_space<vmem>>, vector<16xi32>,
    %slice3A_884 = vector.extract_strided_slice %get3A_883 {offsets = [0], sizes = [1], strides = [1]} : vector<16xi32> to vector<1xi32>
    %squeeze3A_885 = vector.extract %slice3A_884[0] : i32 from vector<1xi32>
    %gt3A_886 = arith.constant 5 : i32
    %gt3A_887 = arith.cmpi sgt, %select_n3A_30, %gt3A_886 : i32
    %jit3A_888 = arith.constant 0 : i32
    %select_n3A_889 = arith.select %gt3A_887, %squeeze3A_885, %jit3A_888 : i32
    %add3A_890 = arith.addi %add3A_878, %select_n3A_889 : i32
    %add3A_891 = arith.addi %add3A_879, %squeeze3A_885 : i32
    %get3A_892 = arith.constant 6 : i32
    %get3A_893 = arith.index_cast %get3A_892 : i32 to index
    %get3A_894 = arith.constant 0 : index
    %get3A_895 = tpu.vector_load %arg12[%get3A_893, %get3A_894] {strides = array<i32>} : memref<8x16xi32, #tpu.memory_space<vmem>>, vector<16xi32>,
    %slice3A_896 = vector.extract_strided_slice %get3A_895 {offsets = [0], sizes = [1], strides = [1]} : vector<16xi32> to vector<1xi32>
    %squeeze3A_897 = vector.extract %slice3A_896[0] : i32 from vector<1xi32>
    %gt3A_898 = arith.constant 6 : i32
    %gt3A_899 = arith.cmpi sgt, %select_n3A_30, %gt3A_898 : i32
    %jit3A_900 = arith.constant 0 : i32
    %select_n3A_901 = arith.select %gt3A_899, %squeeze3A_897, %jit3A_900 : i32
    %add3A_902 = arith.addi %add3A_890, %select_n3A_901 : i32
    %add3A_903 = arith.addi %add3A_891, %squeeze3A_897 : i32
    %get3A_904 = arith.constant 7 : i32
    %get3A_905 = arith.index_cast %get3A_904 : i32 to index
    %get3A_906 = arith.constant 0 : index
    %get3A_907 = tpu.vector_load %arg12[%get3A_905, %get3A_906] {strides = array<i32>} : memref<8x16xi32, #tpu.memory_space<vmem>>, vector<16xi32>,
    %slice3A_908 = vector.extract_strided_slice %get3A_907 {offsets = [0], sizes = [1], strides = [1]} : vector<16xi32> to vector<1xi32>
    %squeeze3A_909 = vector.extract %slice3A_908[0] : i32 from vector<1xi32>
    %gt3A_910 = arith.constant 7 : i32
    %gt3A_911 = arith.cmpi sgt, %select_n3A_30, %gt3A_910 : i32
    %jit3A_912 = arith.constant 0 : i32
    %select_n3A_913 = arith.select %gt3A_911, %squeeze3A_909, %jit3A_912 : i32
    %add3A_914 = arith.addi %add3A_902, %select_n3A_913 : i32
    %add3A_915 = arith.addi %add3A_903, %squeeze3A_909 : i32
    %eq3A_916 = arith.constant 0 : i32
    %eq3A_917 = arith.cmpi eq, %select_n3A_30, %eq3A_916 : i32
    %convert_element_type3A_918 = arith.extui %eq3A_917 : i1 to i32
    %cond3A = arith.constant 0 : i32
    %cond3A_919 = arith.cmpi ne, %convert_element_type3A_918, %cond3A : i32
    scf.if %cond3A_919 {
      %eq3A_1325 = arith.constant 0 : i32
      %eq3A_1326 = vector.broadcast %eq3A_1325 : i32 to vector<16xi32>
      %eq3A_1327 = arith.cmpi eq, %iota3A, %eq3A_1326 : vector<16xi32>
      %jit3A_1328 = arith.constant 0 : i32
      %broadcast_in_dim3A_1329 = vector.broadcast %add3A_915 : i32 to vector<16xi32>
      %broadcast_in_dim3A_1330 = vector.broadcast %jit3A_1328 : i32 to vector<16xi32>
      %select_n3A_1331 = arith.select %eq3A_1327, %broadcast_in_dim3A_1329, %broadcast_in_dim3A_1330 : vector<16xi1>, vector<16xi32>
      %swap3A_1332 = arith.constant 0 : index
      %swap3A_1333 = tpu.vector_load %arg11[%swap3A_1332] {strides = array<i32>} : memref<16xi32, #tpu.memory_space<vmem>>, vector<16xi32>,
      tpu.vector_store %arg11[%swap3A_1332], %select_n3A_1331 {strides = array<i32>} : memref<16xi32, #tpu.memory_space<vmem>>, vector<16xi32>,
      "tpu.region"() ({
        %run_scoped3A = tpu.sem_alloc : memref<!tpu.dma_semaphore, #tpu.memory_space<semaphore_mem>>
        %dma_start3A_1334 = arith.constant 0 : i32
        %dma_start3A_1335 = tpu.memref_slice %arg5[%add3A, %dma_start3A_1334] : memref<4x16xi32, #tpu.memory_space<hbm>> -> memref<1x16xi32, #tpu.memory_space<hbm>>
        %dma_start3A_1336 = tpu.memref_squeeze %dma_start3A_1335 : memref<1x16xi32, #tpu.memory_space<hbm>> -> memref<16xi32, #tpu.memory_space<hbm>>
        %dma_start3A_1337 = arith.constant 0 : i32
        %dma_start3A_1338 = tpu.memref_slice %arg5[%add3A, %dma_start3A_1337] : memref<4x16xi32, #tpu.memory_space<hbm>> -> memref<1x16xi32, #tpu.memory_space<hbm>>
        %dma_start3A_1339 = tpu.memref_squeeze %dma_start3A_1338 : memref<1x16xi32, #tpu.memory_space<hbm>> -> memref<16xi32, #tpu.memory_space<hbm>>
        tpu.enqueue_dma source(%arg11 : memref<16xi32, #tpu.memory_space<vmem>>) target(%dma_start3A_1339 : memref<16xi32, #tpu.memory_space<hbm>>) target_semaphore(%run_scoped3A : memref<!tpu.dma_semaphore, #tpu.memory_space<semaphore_mem>>)
        %dma_wait3A_1340 = arith.constant 0 : i32
        %dma_wait3A_1341 = tpu.memref_slice %arg5[%add3A, %dma_wait3A_1340] : memref<4x16xi32, #tpu.memory_space<hbm>> -> memref<1x16xi32, #tpu.memory_space<hbm>>
        %dma_wait3A_1342 = tpu.memref_squeeze %dma_wait3A_1341 : memref<1x16xi32, #tpu.memory_space<hbm>> -> memref<16xi32, #tpu.memory_space<hbm>>
        %dma_wait3A_1343 = arith.constant 0 : i32
        %dma_wait3A_1344 = tpu.memref_slice %arg5[%add3A, %dma_wait3A_1343] : memref<4x16xi32, #tpu.memory_space<hbm>> -> memref<1x16xi32, #tpu.memory_space<hbm>>
        %dma_wait3A_1345 = tpu.memref_squeeze %dma_wait3A_1344 : memref<1x16xi32, #tpu.memory_space<hbm>> -> memref<16xi32, #tpu.memory_space<hbm>>
        tpu.wait_dma2 semaphore(%run_scoped3A : memref<!tpu.dma_semaphore, #tpu.memory_space<semaphore_mem>>) src(%arg11 : memref<16xi32, #tpu.memory_space<vmem>>) dst(%dma_wait3A_1345 : memref<16xi32, #tpu.memory_space<hbm>>)
        tpu.yield
      }) : () -> ()
    } else {
    }
    %mul3A_920 = arith.constant 4104 : i32
    %mul3A_921 = arith.muli %add3A, %mul3A_920 : i32
    %add3A_922 = arith.constant 4096 : i32
    %add3A_923 = arith.addi %mul3A_921, %add3A_922 : i32
    %mul3A_924 = arith.constant 4104 : i32
    %mul3A_925 = arith.muli %add3A, %mul3A_924 : i32
    %add3A_926 = arith.addi %mul3A_925, %add3A_914 : i32
    %add3A_927 = arith.constant 0 : i32
    %add3A_928 = vector.broadcast %add3A_927 : i32 to vector<16xi32>
    %add3A_929 = arith.addi %add3A_928, %iota3A : vector<16xi32>
    %lt3A_930 = vector.broadcast %add3A_770 : i32 to vector<16xi32>
    %lt3A_931 = arith.cmpi slt, %add3A_929, %lt3A_930 : vector<16xi32>
    %add3A_932 = vector.broadcast %add3A_926 : i32 to vector<16xi32>
    %add3A_933 = arith.addi %add3A_932, %add3A_929 : vector<16xi32>
    %broadcast_in_dim3A_934 = vector.broadcast %add3A_923 : i32 to vector<16xi32>
    %select_n3A_935 = arith.select %lt3A_931, %add3A_933, %broadcast_in_dim3A_934 : vector<16xi1>, vector<16xi32>
    %swap3A_936 = arith.constant 0 : index
    %swap3A_937 = tpu.vector_load %arg13[%swap3A_936] {strides = array<i32>} : memref<128xi32, #tpu.memory_space<vmem>>, vector<16xi32>,
    tpu.vector_store %arg13[%swap3A_936], %select_n3A_935 {strides = array<i32>} : memref<128xi32, #tpu.memory_space<vmem>>, vector<16xi32>,
    %add3A_938 = arith.constant 16 : i32
    %add3A_939 = vector.broadcast %add3A_938 : i32 to vector<16xi32>
    %add3A_940 = arith.addi %add3A_939, %iota3A : vector<16xi32>
    %lt3A_941 = vector.broadcast %add3A_770 : i32 to vector<16xi32>
    %lt3A_942 = arith.cmpi slt, %add3A_940, %lt3A_941 : vector<16xi32>
    %add3A_943 = vector.broadcast %add3A_926 : i32 to vector<16xi32>
    %add3A_944 = arith.addi %add3A_943, %add3A_940 : vector<16xi32>
    %broadcast_in_dim3A_945 = vector.broadcast %add3A_923 : i32 to vector<16xi32>
    %select_n3A_946 = arith.select %lt3A_942, %add3A_944, %broadcast_in_dim3A_945 : vector<16xi1>, vector<16xi32>
    %swap3A_947 = arith.constant 16 : index
    %swap3A_948 = tpu.vector_load %arg13[%swap3A_947] {strides = array<i32>} : memref<128xi32, #tpu.memory_space<vmem>>, vector<16xi32>,
    tpu.vector_store %arg13[%swap3A_947], %select_n3A_946 {strides = array<i32>} : memref<128xi32, #tpu.memory_space<vmem>>, vector<16xi32>,
    %add3A_949 = arith.constant 32 : i32
    %add3A_950 = vector.broadcast %add3A_949 : i32 to vector<16xi32>
    %add3A_951 = arith.addi %add3A_950, %iota3A : vector<16xi32>
    %lt3A_952 = vector.broadcast %add3A_770 : i32 to vector<16xi32>
    %lt3A_953 = arith.cmpi slt, %add3A_951, %lt3A_952 : vector<16xi32>
    %add3A_954 = vector.broadcast %add3A_926 : i32 to vector<16xi32>
    %add3A_955 = arith.addi %add3A_954, %add3A_951 : vector<16xi32>
    %broadcast_in_dim3A_956 = vector.broadcast %add3A_923 : i32 to vector<16xi32>
    %select_n3A_957 = arith.select %lt3A_953, %add3A_955, %broadcast_in_dim3A_956 : vector<16xi1>, vector<16xi32>
    %swap3A_958 = arith.constant 32 : index
    %swap3A_959 = tpu.vector_load %arg13[%swap3A_958] {strides = array<i32>} : memref<128xi32, #tpu.memory_space<vmem>>, vector<16xi32>,
    tpu.vector_store %arg13[%swap3A_958], %select_n3A_957 {strides = array<i32>} : memref<128xi32, #tpu.memory_space<vmem>>, vector<16xi32>,
    %add3A_960 = arith.constant 48 : i32
    %add3A_961 = vector.broadcast %add3A_960 : i32 to vector<16xi32>
    %add3A_962 = arith.addi %add3A_961, %iota3A : vector<16xi32>
    %lt3A_963 = vector.broadcast %add3A_770 : i32 to vector<16xi32>
    %lt3A_964 = arith.cmpi slt, %add3A_962, %lt3A_963 : vector<16xi32>
    %add3A_965 = vector.broadcast %add3A_926 : i32 to vector<16xi32>
    %add3A_966 = arith.addi %add3A_965, %add3A_962 : vector<16xi32>
    %broadcast_in_dim3A_967 = vector.broadcast %add3A_923 : i32 to vector<16xi32>
    %select_n3A_968 = arith.select %lt3A_964, %add3A_966, %broadcast_in_dim3A_967 : vector<16xi1>, vector<16xi32>
    %swap3A_969 = arith.constant 48 : index
    %swap3A_970 = tpu.vector_load %arg13[%swap3A_969] {strides = array<i32>} : memref<128xi32, #tpu.memory_space<vmem>>, vector<16xi32>,
    tpu.vector_store %arg13[%swap3A_969], %select_n3A_968 {strides = array<i32>} : memref<128xi32, #tpu.memory_space<vmem>>, vector<16xi32>,
    %add3A_971 = arith.constant 64 : i32
    %add3A_972 = vector.broadcast %add3A_971 : i32 to vector<16xi32>
    %add3A_973 = arith.addi %add3A_972, %iota3A : vector<16xi32>
    %lt3A_974 = vector.broadcast %add3A_770 : i32 to vector<16xi32>
    %lt3A_975 = arith.cmpi slt, %add3A_973, %lt3A_974 : vector<16xi32>
    %add3A_976 = vector.broadcast %add3A_926 : i32 to vector<16xi32>
    %add3A_977 = arith.addi %add3A_976, %add3A_973 : vector<16xi32>
    %broadcast_in_dim3A_978 = vector.broadcast %add3A_923 : i32 to vector<16xi32>
    %select_n3A_979 = arith.select %lt3A_975, %add3A_977, %broadcast_in_dim3A_978 : vector<16xi1>, vector<16xi32>
    %swap3A_980 = arith.constant 64 : index
    %swap3A_981 = tpu.vector_load %arg13[%swap3A_980] {strides = array<i32>} : memref<128xi32, #tpu.memory_space<vmem>>, vector<16xi32>,
    tpu.vector_store %arg13[%swap3A_980], %select_n3A_979 {strides = array<i32>} : memref<128xi32, #tpu.memory_space<vmem>>, vector<16xi32>,
    %add3A_982 = arith.constant 80 : i32
    %add3A_983 = vector.broadcast %add3A_982 : i32 to vector<16xi32>
    %add3A_984 = arith.addi %add3A_983, %iota3A : vector<16xi32>
    %lt3A_985 = vector.broadcast %add3A_770 : i32 to vector<16xi32>
    %lt3A_986 = arith.cmpi slt, %add3A_984, %lt3A_985 : vector<16xi32>
    %add3A_987 = vector.broadcast %add3A_926 : i32 to vector<16xi32>
    %add3A_988 = arith.addi %add3A_987, %add3A_984 : vector<16xi32>
    %broadcast_in_dim3A_989 = vector.broadcast %add3A_923 : i32 to vector<16xi32>
    %select_n3A_990 = arith.select %lt3A_986, %add3A_988, %broadcast_in_dim3A_989 : vector<16xi1>, vector<16xi32>
    %swap3A_991 = arith.constant 80 : index
    %swap3A_992 = tpu.vector_load %arg13[%swap3A_991] {strides = array<i32>} : memref<128xi32, #tpu.memory_space<vmem>>, vector<16xi32>,
    tpu.vector_store %arg13[%swap3A_991], %select_n3A_990 {strides = array<i32>} : memref<128xi32, #tpu.memory_space<vmem>>, vector<16xi32>,
    %add3A_993 = arith.constant 96 : i32
    %add3A_994 = vector.broadcast %add3A_993 : i32 to vector<16xi32>
    %add3A_995 = arith.addi %add3A_994, %iota3A : vector<16xi32>
    %lt3A_996 = vector.broadcast %add3A_770 : i32 to vector<16xi32>
    %lt3A_997 = arith.cmpi slt, %add3A_995, %lt3A_996 : vector<16xi32>
    %add3A_998 = vector.broadcast %add3A_926 : i32 to vector<16xi32>
    %add3A_999 = arith.addi %add3A_998, %add3A_995 : vector<16xi32>
    %broadcast_in_dim3A_1000 = vector.broadcast %add3A_923 : i32 to vector<16xi32>
    %select_n3A_1001 = arith.select %lt3A_997, %add3A_999, %broadcast_in_dim3A_1000 : vector<16xi1>, vector<16xi32>
    %swap3A_1002 = arith.constant 96 : index
    %swap3A_1003 = tpu.vector_load %arg13[%swap3A_1002] {strides = array<i32>} : memref<128xi32, #tpu.memory_space<vmem>>, vector<16xi32>,
    tpu.vector_store %arg13[%swap3A_1002], %select_n3A_1001 {strides = array<i32>} : memref<128xi32, #tpu.memory_space<vmem>>, vector<16xi32>,
    %add3A_1004 = arith.constant 112 : i32
    %add3A_1005 = vector.broadcast %add3A_1004 : i32 to vector<16xi32>
    %add3A_1006 = arith.addi %add3A_1005, %iota3A : vector<16xi32>
    %lt3A_1007 = vector.broadcast %add3A_770 : i32 to vector<16xi32>
    %lt3A_1008 = arith.cmpi slt, %add3A_1006, %lt3A_1007 : vector<16xi32>
    %add3A_1009 = vector.broadcast %add3A_926 : i32 to vector<16xi32>
    %add3A_1010 = arith.addi %add3A_1009, %add3A_1006 : vector<16xi32>
    %broadcast_in_dim3A_1011 = vector.broadcast %add3A_923 : i32 to vector<16xi32>
    %select_n3A_1012 = arith.select %lt3A_1008, %add3A_1010, %broadcast_in_dim3A_1011 : vector<16xi1>, vector<16xi32>
    %swap3A_1013 = arith.constant 112 : index
    %swap3A_1014 = tpu.vector_load %arg13[%swap3A_1013] {strides = array<i32>} : memref<128xi32, #tpu.memory_space<vmem>>, vector<16xi32>,
    tpu.vector_store %arg13[%swap3A_1013], %select_n3A_1012 {strides = array<i32>} : memref<128xi32, #tpu.memory_space<vmem>>, vector<16xi32>,
    %dma_start3A = arith.constant 0 : i32
    %dma_start3A_1015 = arith.constant 0 : i32
    %dma_start3A_1016 = tpu.memref_slice %arg10[%dma_start3A, %dma_start3A_1015] : memref<512x16xf32, #tpu.memory_space<vmem>> -> memref<128x16xf32, #tpu.memory_space<vmem>>
    %dma_start3A_1017 = arith.constant 0 : i32
    %dma_start3A_1018 = arith.constant 0 : i32
    %dma_start3A_1019 = tpu.memref_slice %arg4[%dma_start3A_1017, %dma_start3A_1018] : memref<16416x16xf32, #tpu.memory_space<hbm>> -> memref<16416x16xf32, #tpu.memory_space<hbm>>
    tpu.enqueue_indirect_dma source(%dma_start3A_1016 : memref<128x16xf32, #tpu.memory_space<vmem>>) target(%dma_start3A_1019 : memref<16416x16xf32, #tpu.memory_space<hbm>>) offsets(%arg13 : memref<128xi32, #tpu.memory_space<vmem>>) semaphore(%arg17 : memref<!tpu.dma_semaphore, #tpu.memory_space<semaphore_mem>>)
    %add3A_1020 = arith.constant 128 : i32
    %add3A_1021 = vector.broadcast %add3A_1020 : i32 to vector<16xi32>
    %add3A_1022 = arith.addi %add3A_1021, %iota3A : vector<16xi32>
    %lt3A_1023 = vector.broadcast %add3A_770 : i32 to vector<16xi32>
    %lt3A_1024 = arith.cmpi slt, %add3A_1022, %lt3A_1023 : vector<16xi32>
    %add3A_1025 = vector.broadcast %add3A_926 : i32 to vector<16xi32>
    %add3A_1026 = arith.addi %add3A_1025, %add3A_1022 : vector<16xi32>
    %broadcast_in_dim3A_1027 = vector.broadcast %add3A_923 : i32 to vector<16xi32>
    %select_n3A_1028 = arith.select %lt3A_1024, %add3A_1026, %broadcast_in_dim3A_1027 : vector<16xi1>, vector<16xi32>
    %swap3A_1029 = arith.constant 0 : index
    %swap3A_1030 = tpu.vector_load %arg14[%swap3A_1029] {strides = array<i32>} : memref<128xi32, #tpu.memory_space<vmem>>, vector<16xi32>,
    tpu.vector_store %arg14[%swap3A_1029], %select_n3A_1028 {strides = array<i32>} : memref<128xi32, #tpu.memory_space<vmem>>, vector<16xi32>,
    %add3A_1031 = arith.constant 144 : i32
    %add3A_1032 = vector.broadcast %add3A_1031 : i32 to vector<16xi32>
    %add3A_1033 = arith.addi %add3A_1032, %iota3A : vector<16xi32>
    %lt3A_1034 = vector.broadcast %add3A_770 : i32 to vector<16xi32>
    %lt3A_1035 = arith.cmpi slt, %add3A_1033, %lt3A_1034 : vector<16xi32>
    %add3A_1036 = vector.broadcast %add3A_926 : i32 to vector<16xi32>
    %add3A_1037 = arith.addi %add3A_1036, %add3A_1033 : vector<16xi32>
    %broadcast_in_dim3A_1038 = vector.broadcast %add3A_923 : i32 to vector<16xi32>
    %select_n3A_1039 = arith.select %lt3A_1035, %add3A_1037, %broadcast_in_dim3A_1038 : vector<16xi1>, vector<16xi32>
    %swap3A_1040 = arith.constant 16 : index
    %swap3A_1041 = tpu.vector_load %arg14[%swap3A_1040] {strides = array<i32>} : memref<128xi32, #tpu.memory_space<vmem>>, vector<16xi32>,
    tpu.vector_store %arg14[%swap3A_1040], %select_n3A_1039 {strides = array<i32>} : memref<128xi32, #tpu.memory_space<vmem>>, vector<16xi32>,
    %add3A_1042 = arith.constant 160 : i32
    %add3A_1043 = vector.broadcast %add3A_1042 : i32 to vector<16xi32>
    %add3A_1044 = arith.addi %add3A_1043, %iota3A : vector<16xi32>
    %lt3A_1045 = vector.broadcast %add3A_770 : i32 to vector<16xi32>
    %lt3A_1046 = arith.cmpi slt, %add3A_1044, %lt3A_1045 : vector<16xi32>
    %add3A_1047 = vector.broadcast %add3A_926 : i32 to vector<16xi32>
    %add3A_1048 = arith.addi %add3A_1047, %add3A_1044 : vector<16xi32>
    %broadcast_in_dim3A_1049 = vector.broadcast %add3A_923 : i32 to vector<16xi32>
    %select_n3A_1050 = arith.select %lt3A_1046, %add3A_1048, %broadcast_in_dim3A_1049 : vector<16xi1>, vector<16xi32>
    %swap3A_1051 = arith.constant 32 : index
    %swap3A_1052 = tpu.vector_load %arg14[%swap3A_1051] {strides = array<i32>} : memref<128xi32, #tpu.memory_space<vmem>>, vector<16xi32>,
    tpu.vector_store %arg14[%swap3A_1051], %select_n3A_1050 {strides = array<i32>} : memref<128xi32, #tpu.memory_space<vmem>>, vector<16xi32>,
    %add3A_1053 = arith.constant 176 : i32
    %add3A_1054 = vector.broadcast %add3A_1053 : i32 to vector<16xi32>
    %add3A_1055 = arith.addi %add3A_1054, %iota3A : vector<16xi32>
    %lt3A_1056 = vector.broadcast %add3A_770 : i32 to vector<16xi32>
    %lt3A_1057 = arith.cmpi slt, %add3A_1055, %lt3A_1056 : vector<16xi32>
    %add3A_1058 = vector.broadcast %add3A_926 : i32 to vector<16xi32>
    %add3A_1059 = arith.addi %add3A_1058, %add3A_1055 : vector<16xi32>
    %broadcast_in_dim3A_1060 = vector.broadcast %add3A_923 : i32 to vector<16xi32>
    %select_n3A_1061 = arith.select %lt3A_1057, %add3A_1059, %broadcast_in_dim3A_1060 : vector<16xi1>, vector<16xi32>
    %swap3A_1062 = arith.constant 48 : index
    %swap3A_1063 = tpu.vector_load %arg14[%swap3A_1062] {strides = array<i32>} : memref<128xi32, #tpu.memory_space<vmem>>, vector<16xi32>,
    tpu.vector_store %arg14[%swap3A_1062], %select_n3A_1061 {strides = array<i32>} : memref<128xi32, #tpu.memory_space<vmem>>, vector<16xi32>,
    %add3A_1064 = arith.constant 192 : i32
    %add3A_1065 = vector.broadcast %add3A_1064 : i32 to vector<16xi32>
    %add3A_1066 = arith.addi %add3A_1065, %iota3A : vector<16xi32>
    %lt3A_1067 = vector.broadcast %add3A_770 : i32 to vector<16xi32>
    %lt3A_1068 = arith.cmpi slt, %add3A_1066, %lt3A_1067 : vector<16xi32>
    %add3A_1069 = vector.broadcast %add3A_926 : i32 to vector<16xi32>
    %add3A_1070 = arith.addi %add3A_1069, %add3A_1066 : vector<16xi32>
    %broadcast_in_dim3A_1071 = vector.broadcast %add3A_923 : i32 to vector<16xi32>
    %select_n3A_1072 = arith.select %lt3A_1068, %add3A_1070, %broadcast_in_dim3A_1071 : vector<16xi1>, vector<16xi32>
    %swap3A_1073 = arith.constant 64 : index
    %swap3A_1074 = tpu.vector_load %arg14[%swap3A_1073] {strides = array<i32>} : memref<128xi32, #tpu.memory_space<vmem>>, vector<16xi32>,
    tpu.vector_store %arg14[%swap3A_1073], %select_n3A_1072 {strides = array<i32>} : memref<128xi32, #tpu.memory_space<vmem>>, vector<16xi32>,
    %add3A_1075 = arith.constant 208 : i32
    %add3A_1076 = vector.broadcast %add3A_1075 : i32 to vector<16xi32>
    %add3A_1077 = arith.addi %add3A_1076, %iota3A : vector<16xi32>
    %lt3A_1078 = vector.broadcast %add3A_770 : i32 to vector<16xi32>
    %lt3A_1079 = arith.cmpi slt, %add3A_1077, %lt3A_1078 : vector<16xi32>
    %add3A_1080 = vector.broadcast %add3A_926 : i32 to vector<16xi32>
    %add3A_1081 = arith.addi %add3A_1080, %add3A_1077 : vector<16xi32>
    %broadcast_in_dim3A_1082 = vector.broadcast %add3A_923 : i32 to vector<16xi32>
    %select_n3A_1083 = arith.select %lt3A_1079, %add3A_1081, %broadcast_in_dim3A_1082 : vector<16xi1>, vector<16xi32>
    %swap3A_1084 = arith.constant 80 : index
    %swap3A_1085 = tpu.vector_load %arg14[%swap3A_1084] {strides = array<i32>} : memref<128xi32, #tpu.memory_space<vmem>>, vector<16xi32>,
    tpu.vector_store %arg14[%swap3A_1084], %select_n3A_1083 {strides = array<i32>} : memref<128xi32, #tpu.memory_space<vmem>>, vector<16xi32>,
    %add3A_1086 = arith.constant 224 : i32
    %add3A_1087 = vector.broadcast %add3A_1086 : i32 to vector<16xi32>
    %add3A_1088 = arith.addi %add3A_1087, %iota3A : vector<16xi32>
    %lt3A_1089 = vector.broadcast %add3A_770 : i32 to vector<16xi32>
    %lt3A_1090 = arith.cmpi slt, %add3A_1088, %lt3A_1089 : vector<16xi32>
    %add3A_1091 = vector.broadcast %add3A_926 : i32 to vector<16xi32>
    %add3A_1092 = arith.addi %add3A_1091, %add3A_1088 : vector<16xi32>
    %broadcast_in_dim3A_1093 = vector.broadcast %add3A_923 : i32 to vector<16xi32>
    %select_n3A_1094 = arith.select %lt3A_1090, %add3A_1092, %broadcast_in_dim3A_1093 : vector<16xi1>, vector<16xi32>
    %swap3A_1095 = arith.constant 96 : index
    %swap3A_1096 = tpu.vector_load %arg14[%swap3A_1095] {strides = array<i32>} : memref<128xi32, #tpu.memory_space<vmem>>, vector<16xi32>,
    tpu.vector_store %arg14[%swap3A_1095], %select_n3A_1094 {strides = array<i32>} : memref<128xi32, #tpu.memory_space<vmem>>, vector<16xi32>,
    %add3A_1097 = arith.constant 240 : i32
    %add3A_1098 = vector.broadcast %add3A_1097 : i32 to vector<16xi32>
    %add3A_1099 = arith.addi %add3A_1098, %iota3A : vector<16xi32>
    %lt3A_1100 = vector.broadcast %add3A_770 : i32 to vector<16xi32>
    %lt3A_1101 = arith.cmpi slt, %add3A_1099, %lt3A_1100 : vector<16xi32>
    %add3A_1102 = vector.broadcast %add3A_926 : i32 to vector<16xi32>
    %add3A_1103 = arith.addi %add3A_1102, %add3A_1099 : vector<16xi32>
    %broadcast_in_dim3A_1104 = vector.broadcast %add3A_923 : i32 to vector<16xi32>
    %select_n3A_1105 = arith.select %lt3A_1101, %add3A_1103, %broadcast_in_dim3A_1104 : vector<16xi1>, vector<16xi32>
    %swap3A_1106 = arith.constant 112 : index
    %swap3A_1107 = tpu.vector_load %arg14[%swap3A_1106] {strides = array<i32>} : memref<128xi32, #tpu.memory_space<vmem>>, vector<16xi32>,
    tpu.vector_store %arg14[%swap3A_1106], %select_n3A_1105 {strides = array<i32>} : memref<128xi32, #tpu.memory_space<vmem>>, vector<16xi32>,
    %dma_start3A_1108 = arith.constant 128 : i32
    %dma_start3A_1109 = arith.constant 0 : i32
    %dma_start3A_1110 = tpu.memref_slice %arg10[%dma_start3A_1108, %dma_start3A_1109] : memref<512x16xf32, #tpu.memory_space<vmem>> -> memref<128x16xf32, #tpu.memory_space<vmem>>
    %dma_start3A_1111 = arith.constant 0 : i32
    %dma_start3A_1112 = arith.constant 0 : i32
    %dma_start3A_1113 = tpu.memref_slice %arg4[%dma_start3A_1111, %dma_start3A_1112] : memref<16416x16xf32, #tpu.memory_space<hbm>> -> memref<16416x16xf32, #tpu.memory_space<hbm>>
    tpu.enqueue_indirect_dma source(%dma_start3A_1110 : memref<128x16xf32, #tpu.memory_space<vmem>>) target(%dma_start3A_1113 : memref<16416x16xf32, #tpu.memory_space<hbm>>) offsets(%arg14 : memref<128xi32, #tpu.memory_space<vmem>>) semaphore(%arg17 : memref<!tpu.dma_semaphore, #tpu.memory_space<semaphore_mem>>)
    %add3A_1114 = arith.constant 256 : i32
    %add3A_1115 = vector.broadcast %add3A_1114 : i32 to vector<16xi32>
    %add3A_1116 = arith.addi %add3A_1115, %iota3A : vector<16xi32>
    %lt3A_1117 = vector.broadcast %add3A_770 : i32 to vector<16xi32>
    %lt3A_1118 = arith.cmpi slt, %add3A_1116, %lt3A_1117 : vector<16xi32>
    %add3A_1119 = vector.broadcast %add3A_926 : i32 to vector<16xi32>
    %add3A_1120 = arith.addi %add3A_1119, %add3A_1116 : vector<16xi32>
    %broadcast_in_dim3A_1121 = vector.broadcast %add3A_923 : i32 to vector<16xi32>
    %select_n3A_1122 = arith.select %lt3A_1118, %add3A_1120, %broadcast_in_dim3A_1121 : vector<16xi1>, vector<16xi32>
    %swap3A_1123 = arith.constant 0 : index
    %swap3A_1124 = tpu.vector_load %arg15[%swap3A_1123] {strides = array<i32>} : memref<128xi32, #tpu.memory_space<vmem>>, vector<16xi32>,
    tpu.vector_store %arg15[%swap3A_1123], %select_n3A_1122 {strides = array<i32>} : memref<128xi32, #tpu.memory_space<vmem>>, vector<16xi32>,
    %add3A_1125 = arith.constant 272 : i32
    %add3A_1126 = vector.broadcast %add3A_1125 : i32 to vector<16xi32>
    %add3A_1127 = arith.addi %add3A_1126, %iota3A : vector<16xi32>
    %lt3A_1128 = vector.broadcast %add3A_770 : i32 to vector<16xi32>
    %lt3A_1129 = arith.cmpi slt, %add3A_1127, %lt3A_1128 : vector<16xi32>
    %add3A_1130 = vector.broadcast %add3A_926 : i32 to vector<16xi32>
    %add3A_1131 = arith.addi %add3A_1130, %add3A_1127 : vector<16xi32>
    %broadcast_in_dim3A_1132 = vector.broadcast %add3A_923 : i32 to vector<16xi32>
    %select_n3A_1133 = arith.select %lt3A_1129, %add3A_1131, %broadcast_in_dim3A_1132 : vector<16xi1>, vector<16xi32>
    %swap3A_1134 = arith.constant 16 : index
    %swap3A_1135 = tpu.vector_load %arg15[%swap3A_1134] {strides = array<i32>} : memref<128xi32, #tpu.memory_space<vmem>>, vector<16xi32>,
    tpu.vector_store %arg15[%swap3A_1134], %select_n3A_1133 {strides = array<i32>} : memref<128xi32, #tpu.memory_space<vmem>>, vector<16xi32>,
    %add3A_1136 = arith.constant 288 : i32
    %add3A_1137 = vector.broadcast %add3A_1136 : i32 to vector<16xi32>
    %add3A_1138 = arith.addi %add3A_1137, %iota3A : vector<16xi32>
    %lt3A_1139 = vector.broadcast %add3A_770 : i32 to vector<16xi32>
    %lt3A_1140 = arith.cmpi slt, %add3A_1138, %lt3A_1139 : vector<16xi32>
    %add3A_1141 = vector.broadcast %add3A_926 : i32 to vector<16xi32>
    %add3A_1142 = arith.addi %add3A_1141, %add3A_1138 : vector<16xi32>
    %broadcast_in_dim3A_1143 = vector.broadcast %add3A_923 : i32 to vector<16xi32>
    %select_n3A_1144 = arith.select %lt3A_1140, %add3A_1142, %broadcast_in_dim3A_1143 : vector<16xi1>, vector<16xi32>
    %swap3A_1145 = arith.constant 32 : index
    %swap3A_1146 = tpu.vector_load %arg15[%swap3A_1145] {strides = array<i32>} : memref<128xi32, #tpu.memory_space<vmem>>, vector<16xi32>,
    tpu.vector_store %arg15[%swap3A_1145], %select_n3A_1144 {strides = array<i32>} : memref<128xi32, #tpu.memory_space<vmem>>, vector<16xi32>,
    %add3A_1147 = arith.constant 304 : i32
    %add3A_1148 = vector.broadcast %add3A_1147 : i32 to vector<16xi32>
    %add3A_1149 = arith.addi %add3A_1148, %iota3A : vector<16xi32>
    %lt3A_1150 = vector.broadcast %add3A_770 : i32 to vector<16xi32>
    %lt3A_1151 = arith.cmpi slt, %add3A_1149, %lt3A_1150 : vector<16xi32>
    %add3A_1152 = vector.broadcast %add3A_926 : i32 to vector<16xi32>
    %add3A_1153 = arith.addi %add3A_1152, %add3A_1149 : vector<16xi32>
    %broadcast_in_dim3A_1154 = vector.broadcast %add3A_923 : i32 to vector<16xi32>
    %select_n3A_1155 = arith.select %lt3A_1151, %add3A_1153, %broadcast_in_dim3A_1154 : vector<16xi1>, vector<16xi32>
    %swap3A_1156 = arith.constant 48 : index
    %swap3A_1157 = tpu.vector_load %arg15[%swap3A_1156] {strides = array<i32>} : memref<128xi32, #tpu.memory_space<vmem>>, vector<16xi32>,
    tpu.vector_store %arg15[%swap3A_1156], %select_n3A_1155 {strides = array<i32>} : memref<128xi32, #tpu.memory_space<vmem>>, vector<16xi32>,
    %add3A_1158 = arith.constant 320 : i32
    %add3A_1159 = vector.broadcast %add3A_1158 : i32 to vector<16xi32>
    %add3A_1160 = arith.addi %add3A_1159, %iota3A : vector<16xi32>
    %lt3A_1161 = vector.broadcast %add3A_770 : i32 to vector<16xi32>
    %lt3A_1162 = arith.cmpi slt, %add3A_1160, %lt3A_1161 : vector<16xi32>
    %add3A_1163 = vector.broadcast %add3A_926 : i32 to vector<16xi32>
    %add3A_1164 = arith.addi %add3A_1163, %add3A_1160 : vector<16xi32>
    %broadcast_in_dim3A_1165 = vector.broadcast %add3A_923 : i32 to vector<16xi32>
    %select_n3A_1166 = arith.select %lt3A_1162, %add3A_1164, %broadcast_in_dim3A_1165 : vector<16xi1>, vector<16xi32>
    %swap3A_1167 = arith.constant 64 : index
    %swap3A_1168 = tpu.vector_load %arg15[%swap3A_1167] {strides = array<i32>} : memref<128xi32, #tpu.memory_space<vmem>>, vector<16xi32>,
    tpu.vector_store %arg15[%swap3A_1167], %select_n3A_1166 {strides = array<i32>} : memref<128xi32, #tpu.memory_space<vmem>>, vector<16xi32>,
    %add3A_1169 = arith.constant 336 : i32
    %add3A_1170 = vector.broadcast %add3A_1169 : i32 to vector<16xi32>
    %add3A_1171 = arith.addi %add3A_1170, %iota3A : vector<16xi32>
    %lt3A_1172 = vector.broadcast %add3A_770 : i32 to vector<16xi32>
    %lt3A_1173 = arith.cmpi slt, %add3A_1171, %lt3A_1172 : vector<16xi32>
    %add3A_1174 = vector.broadcast %add3A_926 : i32 to vector<16xi32>
    %add3A_1175 = arith.addi %add3A_1174, %add3A_1171 : vector<16xi32>
    %broadcast_in_dim3A_1176 = vector.broadcast %add3A_923 : i32 to vector<16xi32>
    %select_n3A_1177 = arith.select %lt3A_1173, %add3A_1175, %broadcast_in_dim3A_1176 : vector<16xi1>, vector<16xi32>
    %swap3A_1178 = arith.constant 80 : index
    %swap3A_1179 = tpu.vector_load %arg15[%swap3A_1178] {strides = array<i32>} : memref<128xi32, #tpu.memory_space<vmem>>, vector<16xi32>,
    tpu.vector_store %arg15[%swap3A_1178], %select_n3A_1177 {strides = array<i32>} : memref<128xi32, #tpu.memory_space<vmem>>, vector<16xi32>,
    %add3A_1180 = arith.constant 352 : i32
    %add3A_1181 = vector.broadcast %add3A_1180 : i32 to vector<16xi32>
    %add3A_1182 = arith.addi %add3A_1181, %iota3A : vector<16xi32>
    %lt3A_1183 = vector.broadcast %add3A_770 : i32 to vector<16xi32>
    %lt3A_1184 = arith.cmpi slt, %add3A_1182, %lt3A_1183 : vector<16xi32>
    %add3A_1185 = vector.broadcast %add3A_926 : i32 to vector<16xi32>
    %add3A_1186 = arith.addi %add3A_1185, %add3A_1182 : vector<16xi32>
    %broadcast_in_dim3A_1187 = vector.broadcast %add3A_923 : i32 to vector<16xi32>
    %select_n3A_1188 = arith.select %lt3A_1184, %add3A_1186, %broadcast_in_dim3A_1187 : vector<16xi1>, vector<16xi32>
    %swap3A_1189 = arith.constant 96 : index
    %swap3A_1190 = tpu.vector_load %arg15[%swap3A_1189] {strides = array<i32>} : memref<128xi32, #tpu.memory_space<vmem>>, vector<16xi32>,
    tpu.vector_store %arg15[%swap3A_1189], %select_n3A_1188 {strides = array<i32>} : memref<128xi32, #tpu.memory_space<vmem>>, vector<16xi32>,
    %add3A_1191 = arith.constant 368 : i32
    %add3A_1192 = vector.broadcast %add3A_1191 : i32 to vector<16xi32>
    %add3A_1193 = arith.addi %add3A_1192, %iota3A : vector<16xi32>
    %lt3A_1194 = vector.broadcast %add3A_770 : i32 to vector<16xi32>
    %lt3A_1195 = arith.cmpi slt, %add3A_1193, %lt3A_1194 : vector<16xi32>
    %add3A_1196 = vector.broadcast %add3A_926 : i32 to vector<16xi32>
    %add3A_1197 = arith.addi %add3A_1196, %add3A_1193 : vector<16xi32>
    %broadcast_in_dim3A_1198 = vector.broadcast %add3A_923 : i32 to vector<16xi32>
    %select_n3A_1199 = arith.select %lt3A_1195, %add3A_1197, %broadcast_in_dim3A_1198 : vector<16xi1>, vector<16xi32>
    %swap3A_1200 = arith.constant 112 : index
    %swap3A_1201 = tpu.vector_load %arg15[%swap3A_1200] {strides = array<i32>} : memref<128xi32, #tpu.memory_space<vmem>>, vector<16xi32>,
    tpu.vector_store %arg15[%swap3A_1200], %select_n3A_1199 {strides = array<i32>} : memref<128xi32, #tpu.memory_space<vmem>>, vector<16xi32>,
    %dma_start3A_1202 = arith.constant 256 : i32
    %dma_start3A_1203 = arith.constant 0 : i32
    %dma_start3A_1204 = tpu.memref_slice %arg10[%dma_start3A_1202, %dma_start3A_1203] : memref<512x16xf32, #tpu.memory_space<vmem>> -> memref<128x16xf32, #tpu.memory_space<vmem>>
    %dma_start3A_1205 = arith.constant 0 : i32
    %dma_start3A_1206 = arith.constant 0 : i32
    %dma_start3A_1207 = tpu.memref_slice %arg4[%dma_start3A_1205, %dma_start3A_1206] : memref<16416x16xf32, #tpu.memory_space<hbm>> -> memref<16416x16xf32, #tpu.memory_space<hbm>>
    tpu.enqueue_indirect_dma source(%dma_start3A_1204 : memref<128x16xf32, #tpu.memory_space<vmem>>) target(%dma_start3A_1207 : memref<16416x16xf32, #tpu.memory_space<hbm>>) offsets(%arg15 : memref<128xi32, #tpu.memory_space<vmem>>) semaphore(%arg17 : memref<!tpu.dma_semaphore, #tpu.memory_space<semaphore_mem>>)
    %add3A_1208 = arith.constant 384 : i32
    %add3A_1209 = vector.broadcast %add3A_1208 : i32 to vector<16xi32>
    %add3A_1210 = arith.addi %add3A_1209, %iota3A : vector<16xi32>
    %lt3A_1211 = vector.broadcast %add3A_770 : i32 to vector<16xi32>
    %lt3A_1212 = arith.cmpi slt, %add3A_1210, %lt3A_1211 : vector<16xi32>
    %add3A_1213 = vector.broadcast %add3A_926 : i32 to vector<16xi32>
    %add3A_1214 = arith.addi %add3A_1213, %add3A_1210 : vector<16xi32>
    %broadcast_in_dim3A_1215 = vector.broadcast %add3A_923 : i32 to vector<16xi32>
    %select_n3A_1216 = arith.select %lt3A_1212, %add3A_1214, %broadcast_in_dim3A_1215 : vector<16xi1>, vector<16xi32>
    %swap3A_1217 = arith.constant 0 : index
    %swap3A_1218 = tpu.vector_load %arg16[%swap3A_1217] {strides = array<i32>} : memref<128xi32, #tpu.memory_space<vmem>>, vector<16xi32>,
    tpu.vector_store %arg16[%swap3A_1217], %select_n3A_1216 {strides = array<i32>} : memref<128xi32, #tpu.memory_space<vmem>>, vector<16xi32>,
    %add3A_1219 = arith.constant 400 : i32
    %add3A_1220 = vector.broadcast %add3A_1219 : i32 to vector<16xi32>
    %add3A_1221 = arith.addi %add3A_1220, %iota3A : vector<16xi32>
    %lt3A_1222 = vector.broadcast %add3A_770 : i32 to vector<16xi32>
    %lt3A_1223 = arith.cmpi slt, %add3A_1221, %lt3A_1222 : vector<16xi32>
    %add3A_1224 = vector.broadcast %add3A_926 : i32 to vector<16xi32>
    %add3A_1225 = arith.addi %add3A_1224, %add3A_1221 : vector<16xi32>
    %broadcast_in_dim3A_1226 = vector.broadcast %add3A_923 : i32 to vector<16xi32>
    %select_n3A_1227 = arith.select %lt3A_1223, %add3A_1225, %broadcast_in_dim3A_1226 : vector<16xi1>, vector<16xi32>
    %swap3A_1228 = arith.constant 16 : index
    %swap3A_1229 = tpu.vector_load %arg16[%swap3A_1228] {strides = array<i32>} : memref<128xi32, #tpu.memory_space<vmem>>, vector<16xi32>,
    tpu.vector_store %arg16[%swap3A_1228], %select_n3A_1227 {strides = array<i32>} : memref<128xi32, #tpu.memory_space<vmem>>, vector<16xi32>,
    %add3A_1230 = arith.constant 416 : i32
    %add3A_1231 = vector.broadcast %add3A_1230 : i32 to vector<16xi32>
    %add3A_1232 = arith.addi %add3A_1231, %iota3A : vector<16xi32>
    %lt3A_1233 = vector.broadcast %add3A_770 : i32 to vector<16xi32>
    %lt3A_1234 = arith.cmpi slt, %add3A_1232, %lt3A_1233 : vector<16xi32>
    %add3A_1235 = vector.broadcast %add3A_926 : i32 to vector<16xi32>
    %add3A_1236 = arith.addi %add3A_1235, %add3A_1232 : vector<16xi32>
    %broadcast_in_dim3A_1237 = vector.broadcast %add3A_923 : i32 to vector<16xi32>
    %select_n3A_1238 = arith.select %lt3A_1234, %add3A_1236, %broadcast_in_dim3A_1237 : vector<16xi1>, vector<16xi32>
    %swap3A_1239 = arith.constant 32 : index
    %swap3A_1240 = tpu.vector_load %arg16[%swap3A_1239] {strides = array<i32>} : memref<128xi32, #tpu.memory_space<vmem>>, vector<16xi32>,
    tpu.vector_store %arg16[%swap3A_1239], %select_n3A_1238 {strides = array<i32>} : memref<128xi32, #tpu.memory_space<vmem>>, vector<16xi32>,
    %add3A_1241 = arith.constant 432 : i32
    %add3A_1242 = vector.broadcast %add3A_1241 : i32 to vector<16xi32>
    %add3A_1243 = arith.addi %add3A_1242, %iota3A : vector<16xi32>
    %lt3A_1244 = vector.broadcast %add3A_770 : i32 to vector<16xi32>
    %lt3A_1245 = arith.cmpi slt, %add3A_1243, %lt3A_1244 : vector<16xi32>
    %add3A_1246 = vector.broadcast %add3A_926 : i32 to vector<16xi32>
    %add3A_1247 = arith.addi %add3A_1246, %add3A_1243 : vector<16xi32>
    %broadcast_in_dim3A_1248 = vector.broadcast %add3A_923 : i32 to vector<16xi32>
    %select_n3A_1249 = arith.select %lt3A_1245, %add3A_1247, %broadcast_in_dim3A_1248 : vector<16xi1>, vector<16xi32>
    %swap3A_1250 = arith.constant 48 : index
    %swap3A_1251 = tpu.vector_load %arg16[%swap3A_1250] {strides = array<i32>} : memref<128xi32, #tpu.memory_space<vmem>>, vector<16xi32>,
    tpu.vector_store %arg16[%swap3A_1250], %select_n3A_1249 {strides = array<i32>} : memref<128xi32, #tpu.memory_space<vmem>>, vector<16xi32>,
    %add3A_1252 = arith.constant 448 : i32
    %add3A_1253 = vector.broadcast %add3A_1252 : i32 to vector<16xi32>
    %add3A_1254 = arith.addi %add3A_1253, %iota3A : vector<16xi32>
    %lt3A_1255 = vector.broadcast %add3A_770 : i32 to vector<16xi32>
    %lt3A_1256 = arith.cmpi slt, %add3A_1254, %lt3A_1255 : vector<16xi32>
    %add3A_1257 = vector.broadcast %add3A_926 : i32 to vector<16xi32>
    %add3A_1258 = arith.addi %add3A_1257, %add3A_1254 : vector<16xi32>
    %broadcast_in_dim3A_1259 = vector.broadcast %add3A_923 : i32 to vector<16xi32>
    %select_n3A_1260 = arith.select %lt3A_1256, %add3A_1258, %broadcast_in_dim3A_1259 : vector<16xi1>, vector<16xi32>
    %swap3A_1261 = arith.constant 64 : index
    %swap3A_1262 = tpu.vector_load %arg16[%swap3A_1261] {strides = array<i32>} : memref<128xi32, #tpu.memory_space<vmem>>, vector<16xi32>,
    tpu.vector_store %arg16[%swap3A_1261], %select_n3A_1260 {strides = array<i32>} : memref<128xi32, #tpu.memory_space<vmem>>, vector<16xi32>,
    %add3A_1263 = arith.constant 464 : i32
    %add3A_1264 = vector.broadcast %add3A_1263 : i32 to vector<16xi32>
    %add3A_1265 = arith.addi %add3A_1264, %iota3A : vector<16xi32>
    %lt3A_1266 = vector.broadcast %add3A_770 : i32 to vector<16xi32>
    %lt3A_1267 = arith.cmpi slt, %add3A_1265, %lt3A_1266 : vector<16xi32>
    %add3A_1268 = vector.broadcast %add3A_926 : i32 to vector<16xi32>
    %add3A_1269 = arith.addi %add3A_1268, %add3A_1265 : vector<16xi32>
    %broadcast_in_dim3A_1270 = vector.broadcast %add3A_923 : i32 to vector<16xi32>
    %select_n3A_1271 = arith.select %lt3A_1267, %add3A_1269, %broadcast_in_dim3A_1270 : vector<16xi1>, vector<16xi32>
    %swap3A_1272 = arith.constant 80 : index
    %swap3A_1273 = tpu.vector_load %arg16[%swap3A_1272] {strides = array<i32>} : memref<128xi32, #tpu.memory_space<vmem>>, vector<16xi32>,
    tpu.vector_store %arg16[%swap3A_1272], %select_n3A_1271 {strides = array<i32>} : memref<128xi32, #tpu.memory_space<vmem>>, vector<16xi32>,
    %add3A_1274 = arith.constant 480 : i32
    %add3A_1275 = vector.broadcast %add3A_1274 : i32 to vector<16xi32>
    %add3A_1276 = arith.addi %add3A_1275, %iota3A : vector<16xi32>
    %lt3A_1277 = vector.broadcast %add3A_770 : i32 to vector<16xi32>
    %lt3A_1278 = arith.cmpi slt, %add3A_1276, %lt3A_1277 : vector<16xi32>
    %add3A_1279 = vector.broadcast %add3A_926 : i32 to vector<16xi32>
    %add3A_1280 = arith.addi %add3A_1279, %add3A_1276 : vector<16xi32>
    %broadcast_in_dim3A_1281 = vector.broadcast %add3A_923 : i32 to vector<16xi32>
    %select_n3A_1282 = arith.select %lt3A_1278, %add3A_1280, %broadcast_in_dim3A_1281 : vector<16xi1>, vector<16xi32>
    %swap3A_1283 = arith.constant 96 : index
    %swap3A_1284 = tpu.vector_load %arg16[%swap3A_1283] {strides = array<i32>} : memref<128xi32, #tpu.memory_space<vmem>>, vector<16xi32>,
    tpu.vector_store %arg16[%swap3A_1283], %select_n3A_1282 {strides = array<i32>} : memref<128xi32, #tpu.memory_space<vmem>>, vector<16xi32>,
    %add3A_1285 = arith.constant 496 : i32
    %add3A_1286 = vector.broadcast %add3A_1285 : i32 to vector<16xi32>
    %add3A_1287 = arith.addi %add3A_1286, %iota3A : vector<16xi32>
    %lt3A_1288 = vector.broadcast %add3A_770 : i32 to vector<16xi32>
    %lt3A_1289 = arith.cmpi slt, %add3A_1287, %lt3A_1288 : vector<16xi32>
    %add3A_1290 = vector.broadcast %add3A_926 : i32 to vector<16xi32>
    %add3A_1291 = arith.addi %add3A_1290, %add3A_1287 : vector<16xi32>
    %broadcast_in_dim3A_1292 = vector.broadcast %add3A_923 : i32 to vector<16xi32>
    %select_n3A_1293 = arith.select %lt3A_1289, %add3A_1291, %broadcast_in_dim3A_1292 : vector<16xi1>, vector<16xi32>
    %swap3A_1294 = arith.constant 112 : index
    %swap3A_1295 = tpu.vector_load %arg16[%swap3A_1294] {strides = array<i32>} : memref<128xi32, #tpu.memory_space<vmem>>, vector<16xi32>,
    tpu.vector_store %arg16[%swap3A_1294], %select_n3A_1293 {strides = array<i32>} : memref<128xi32, #tpu.memory_space<vmem>>, vector<16xi32>,
    %dma_start3A_1296 = arith.constant 384 : i32
    %dma_start3A_1297 = arith.constant 0 : i32
    %dma_start3A_1298 = tpu.memref_slice %arg10[%dma_start3A_1296, %dma_start3A_1297] : memref<512x16xf32, #tpu.memory_space<vmem>> -> memref<128x16xf32, #tpu.memory_space<vmem>>
    %dma_start3A_1299 = arith.constant 0 : i32
    %dma_start3A_1300 = arith.constant 0 : i32
    %dma_start3A_1301 = tpu.memref_slice %arg4[%dma_start3A_1299, %dma_start3A_1300] : memref<16416x16xf32, #tpu.memory_space<hbm>> -> memref<16416x16xf32, #tpu.memory_space<hbm>>
    tpu.enqueue_indirect_dma source(%dma_start3A_1298 : memref<128x16xf32, #tpu.memory_space<vmem>>) target(%dma_start3A_1301 : memref<16416x16xf32, #tpu.memory_space<hbm>>) offsets(%arg16 : memref<128xi32, #tpu.memory_space<vmem>>) semaphore(%arg17 : memref<!tpu.dma_semaphore, #tpu.memory_space<semaphore_mem>>)
    %dma_wait3A = arith.constant 0 : i32
    %dma_wait3A_1302 = arith.constant 0 : i32
    %dma_wait3A_1303 = tpu.memref_slice %arg10[%dma_wait3A, %dma_wait3A_1302] : memref<512x16xf32, #tpu.memory_space<vmem>> -> memref<128x16xf32, #tpu.memory_space<vmem>>
    %dma_wait3A_1304 = arith.constant 0 : i32
    %dma_wait3A_1305 = arith.constant 0 : i32
    %dma_wait3A_1306 = tpu.memref_slice %arg4[%dma_wait3A_1304, %dma_wait3A_1305] : memref<16416x16xf32, #tpu.memory_space<hbm>> -> memref<16416x16xf32, #tpu.memory_space<hbm>>
    tpu.wait_indirect_dma semaphore(%arg17 : memref<!tpu.dma_semaphore, #tpu.memory_space<semaphore_mem>>) src(%dma_wait3A_1303 : memref<128x16xf32, #tpu.memory_space<vmem>>) dst(%dma_wait3A_1306 : memref<16416x16xf32, #tpu.memory_space<hbm>>)
    %dma_wait3A_1307 = arith.constant 128 : i32
    %dma_wait3A_1308 = arith.constant 0 : i32
    %dma_wait3A_1309 = tpu.memref_slice %arg10[%dma_wait3A_1307, %dma_wait3A_1308] : memref<512x16xf32, #tpu.memory_space<vmem>> -> memref<128x16xf32, #tpu.memory_space<vmem>>
    %dma_wait3A_1310 = arith.constant 0 : i32
    %dma_wait3A_1311 = arith.constant 0 : i32
    %dma_wait3A_1312 = tpu.memref_slice %arg4[%dma_wait3A_1310, %dma_wait3A_1311] : memref<16416x16xf32, #tpu.memory_space<hbm>> -> memref<16416x16xf32, #tpu.memory_space<hbm>>
    tpu.wait_indirect_dma semaphore(%arg17 : memref<!tpu.dma_semaphore, #tpu.memory_space<semaphore_mem>>) src(%dma_wait3A_1309 : memref<128x16xf32, #tpu.memory_space<vmem>>) dst(%dma_wait3A_1312 : memref<16416x16xf32, #tpu.memory_space<hbm>>)
    %dma_wait3A_1313 = arith.constant 256 : i32
    %dma_wait3A_1314 = arith.constant 0 : i32
    %dma_wait3A_1315 = tpu.memref_slice %arg10[%dma_wait3A_1313, %dma_wait3A_1314] : memref<512x16xf32, #tpu.memory_space<vmem>> -> memref<128x16xf32, #tpu.memory_space<vmem>>
    %dma_wait3A_1316 = arith.constant 0 : i32
    %dma_wait3A_1317 = arith.constant 0 : i32
    %dma_wait3A_1318 = tpu.memref_slice %arg4[%dma_wait3A_1316, %dma_wait3A_1317] : memref<16416x16xf32, #tpu.memory_space<hbm>> -> memref<16416x16xf32, #tpu.memory_space<hbm>>
    tpu.wait_indirect_dma semaphore(%arg17 : memref<!tpu.dma_semaphore, #tpu.memory_space<semaphore_mem>>) src(%dma_wait3A_1315 : memref<128x16xf32, #tpu.memory_space<vmem>>) dst(%dma_wait3A_1318 : memref<16416x16xf32, #tpu.memory_space<hbm>>)
    %dma_wait3A_1319 = arith.constant 384 : i32
    %dma_wait3A_1320 = arith.constant 0 : i32
    %dma_wait3A_1321 = tpu.memref_slice %arg10[%dma_wait3A_1319, %dma_wait3A_1320] : memref<512x16xf32, #tpu.memory_space<vmem>> -> memref<128x16xf32, #tpu.memory_space<vmem>>
    %dma_wait3A_1322 = arith.constant 0 : i32
    %dma_wait3A_1323 = arith.constant 0 : i32
    %dma_wait3A_1324 = tpu.memref_slice %arg4[%dma_wait3A_1322, %dma_wait3A_1323] : memref<16416x16xf32, #tpu.memory_space<hbm>> -> memref<16416x16xf32, #tpu.memory_space<hbm>>
    tpu.wait_indirect_dma semaphore(%arg17 : memref<!tpu.dma_semaphore, #tpu.memory_space<semaphore_mem>>) src(%dma_wait3A_1321 : memref<128x16xf32, #tpu.memory_space<vmem>>) dst(%dma_wait3A_1324 : memref<16416x16xf32, #tpu.memory_space<hbm>>)
    return
  }
}

module attributes {stable_mosaic.version = 14 : i64} {
  func.func @_tc1_body(%arg0: i32, %arg1: memref<1x1x4096xf32, #tpu.memory_space<vmem>>, %arg2: memref<1x4096x16xf32, #tpu.memory_space<vmem>>, %arg3: memref<1x1x4096xi32, #tpu.memory_space<vmem>>, %arg4: memref<1x1x4096xf32, #tpu.memory_space<vmem>>, %arg5: memref<1x1x1xf32, #tpu.memory_space<vmem>>) attributes {dimension_semantics = [#tpu.dimension_semantics<arbitrary>], iteration_bounds = array<i64: 4>, scalar_prefetch = 0 : i64, scratch_operands = 0 : i64, tpu.core_type = #tpu.core_type<tc>, window_params = [{transform_indices = @transform_0, window_bounds = array<i64: 1, 1, 4096>}, {transform_indices = @transform_1, window_bounds = array<i64: 1, 4096, 16>}, {transform_indices = @transform_2, window_bounds = array<i64: 1, 1, 4096>}, {transform_indices = @transform_3, window_bounds = array<i64: 1, 1, 4096>}, {transform_indices = @transform_4, window_bounds = array<i64: 1, 1, 1>}]} {
    %get3A = arith.constant 0 : index
    %get3A_0 = arith.constant 0 : index
    %get3A_1 = arith.constant 0 : index
    %get3A_2 = vector.load %arg2[%get3A, %get3A_0, %get3A_1] : memref<1x4096x16xf32, #tpu.memory_space<vmem>>, vector<1x4096x16xf32>
    %get3A_3 = vector.shape_cast %get3A_2 : vector<1x4096x16xf32> to vector<4096x16xf32>
    %get3A_4 = arith.constant 0 : index
    %get3A_5 = arith.constant 0 : index
    %get3A_6 = arith.constant 0 : index
    %get3A_7 = vector.load %arg1[%get3A_4, %get3A_5, %get3A_6] : memref<1x1x4096xf32, #tpu.memory_space<vmem>>, vector<1x1x4096xf32>
    %get3A_8 = vector.shape_cast %get3A_7 : vector<1x1x4096xf32> to vector<1x4096xf32>
    %get3A_9 = arith.constant 0 : index
    %get3A_10 = arith.constant 0 : index
    %get3A_11 = arith.constant 0 : index
    %get3A_12 = vector.load %arg4[%get3A_9, %get3A_10, %get3A_11] : memref<1x1x4096xf32, #tpu.memory_space<vmem>>, vector<1x1x4096xf32>
    %get3A_13 = vector.shape_cast %get3A_12 : vector<1x1x4096xf32> to vector<1x4096xf32>
    %get3A_14 = arith.constant 0 : index
    %get3A_15 = arith.constant 0 : index
    %get3A_16 = arith.constant 0 : index
    %get3A_17 = vector.load %arg3[%get3A_14, %get3A_15, %get3A_16] : memref<1x1x4096xi32, #tpu.memory_space<vmem>>, vector<1x1x4096xi32>
    %get3A_18 = vector.shape_cast %get3A_17 : vector<1x1x4096xi32> to vector<1x4096xi32>
    %reduce_sum3A = vector.shape_cast %get3A_13 : vector<1x4096xf32> to vector<1x1x4096xf32>
    %reduce_sum3A_19 = arith.constant dense<0.000000e+00> : vector<1xf32>
    %reduce_sum3A_20 = vector.multi_reduction <add>, %reduce_sum3A, %reduce_sum3A_19 [1, 2] : vector<1x1x4096xf32> to vector<1xf32>
    %reduce_sum3A_21 = vector.shape_cast %reduce_sum3A_20 : vector<1xf32> to vector<1x1x1xf32>
    %reduce_sum3A_22 = vector.extract %reduce_sum3A_21[0, 0, 0] : f32 from vector<1x1x1xf32>
    %sub3A = arith.constant 4.096000e+03 : f32
    %sub3A_23 = arith.subf %sub3A, %reduce_sum3A_22 : f32
    %neg3A = arith.constant 0.000000e+00 : f32
    %neg3A_24 = vector.broadcast %neg3A : f32 to vector<1x4096xf32>
    %neg3A_25 = arith.subf %neg3A_24, %get3A_8 : vector<1x4096xf32>
    %max3A = arith.constant 0.000000e+00 : f32
    %max3A_26 = vector.broadcast %max3A : f32 to vector<1x4096xf32>
    %max3A_27 = arith.maximumf %neg3A_25, %max3A_26 : vector<1x4096xf32>
    %abs3A = math.absf %neg3A_25 : vector<1x4096xf32>
    %neg3A_28 = arith.constant 0.000000e+00 : f32
    %neg3A_29 = vector.broadcast %neg3A_28 : f32 to vector<1x4096xf32>
    %neg3A_30 = arith.subf %neg3A_29, %abs3A : vector<1x4096xf32>
    %exp3A = math.exp %neg3A_30 : vector<1x4096xf32>
    %add3A = arith.constant 1.000000e+00 : f32
    %add3A_31 = vector.broadcast %add3A : f32 to vector<1x4096xf32>
    %add3A_32 = arith.addf %add3A_31, %exp3A : vector<1x4096xf32>
    %log3A = math.log %add3A_32 : vector<1x4096xf32>
    %add3A_33 = arith.addf %max3A_27, %log3A : vector<1x4096xf32>
    %mul3A = arith.mulf %add3A_33, %get3A_13 : vector<1x4096xf32>
    %reduce_sum3A_34 = vector.shape_cast %mul3A : vector<1x4096xf32> to vector<1x1x4096xf32>
    %reduce_sum3A_35 = arith.constant dense<0.000000e+00> : vector<1xf32>
    %reduce_sum3A_36 = vector.multi_reduction <add>, %reduce_sum3A_34, %reduce_sum3A_35 [1, 2] : vector<1x1x4096xf32> to vector<1xf32>
    %reduce_sum3A_37 = vector.shape_cast %reduce_sum3A_36 : vector<1xf32> to vector<1x1x1xf32>
    %reduce_sum3A_38 = vector.extract %reduce_sum3A_37[0, 0, 0] : f32 from vector<1x1x1xf32>
    %max3A_39 = arith.constant 1.000000e+00 : f32
    %max3A_40 = arith.maximumf %reduce_sum3A_22, %max3A_39 : f32
    %div3A = arith.divf %reduce_sum3A_38, %max3A_40 : f32
    %max3A_41 = arith.constant 0.000000e+00 : f32
    %max3A_42 = vector.broadcast %max3A_41 : f32 to vector<1x4096xf32>
    %max3A_43 = arith.maximumf %get3A_8, %max3A_42 : vector<1x4096xf32>
    %abs3A_44 = math.absf %get3A_8 : vector<1x4096xf32>
    %neg3A_45 = arith.constant 0.000000e+00 : f32
    %neg3A_46 = vector.broadcast %neg3A_45 : f32 to vector<1x4096xf32>
    %neg3A_47 = arith.subf %neg3A_46, %abs3A_44 : vector<1x4096xf32>
    %exp3A_48 = math.exp %neg3A_47 : vector<1x4096xf32>
    %add3A_49 = arith.constant 1.000000e+00 : f32
    %add3A_50 = vector.broadcast %add3A_49 : f32 to vector<1x4096xf32>
    %add3A_51 = arith.addf %add3A_50, %exp3A_48 : vector<1x4096xf32>
    %log3A_52 = math.log %add3A_51 : vector<1x4096xf32>
    %add3A_53 = arith.addf %max3A_43, %log3A_52 : vector<1x4096xf32>
    %sub3A_54 = arith.constant 1.000000e+00 : f32
    %sub3A_55 = vector.broadcast %sub3A_54 : f32 to vector<1x4096xf32>
    %sub3A_56 = arith.subf %sub3A_55, %get3A_13 : vector<1x4096xf32>
    %mul3A_57 = arith.mulf %add3A_53, %sub3A_56 : vector<1x4096xf32>
    %reduce_sum3A_58 = vector.shape_cast %mul3A_57 : vector<1x4096xf32> to vector<1x1x4096xf32>
    %reduce_sum3A_59 = arith.constant dense<0.000000e+00> : vector<1xf32>
    %reduce_sum3A_60 = vector.multi_reduction <add>, %reduce_sum3A_58, %reduce_sum3A_59 [1, 2] : vector<1x1x4096xf32> to vector<1xf32>
    %reduce_sum3A_61 = vector.shape_cast %reduce_sum3A_60 : vector<1xf32> to vector<1x1x1xf32>
    %reduce_sum3A_62 = vector.extract %reduce_sum3A_61[0, 0, 0] : f32 from vector<1x1x1xf32>
    %gt3A = arith.constant 0.000000e+00 : f32
    %gt3A_63 = arith.cmpf ogt, %sub3A_23, %gt3A : f32
    %max3A_64 = arith.constant 1.000000e+00 : f32
    %max3A_65 = arith.maximumf %sub3A_23, %max3A_64 : f32
    %div3A_66 = arith.divf %reduce_sum3A_62, %max3A_65 : f32
    %jit3A = arith.constant 0.000000e+00 : f32
    %select_n3A = arith.select %gt3A_63, %div3A_66, %jit3A : f32
    %mul3A_67 = arith.constant 5.000000e-01 : f32
    %mul3A_68 = arith.mulf %mul3A_67, %select_n3A : f32
    %add3A_69 = arith.addf %div3A, %mul3A_68 : f32
    %iota3A = tpu.iota {dimensions = array<i32: 0>} : vector<128x4096xi32>
    %eq3A = vector.broadcast %get3A_18 : vector<1x4096xi32> to vector<128x4096xi32>
    %eq3A_70 = arith.cmpi eq, %iota3A, %eq3A : vector<128x4096xi32>
    %convert_element_type3A = arith.extui %eq3A_70 : vector<128x4096xi1> to vector<128x4096xi32>
    %convert_element_type3A_71 = arith.sitofp %convert_element_type3A : vector<128x4096xi32> to vector<128x4096xf32>
    %reduce_sum3A_72 = arith.constant dense<0.000000e+00> : vector<128xf32>
    %reduce_sum3A_73 = vector.multi_reduction <add>, %convert_element_type3A_71, %reduce_sum3A_72 [1] : vector<128x4096xf32> to vector<128xf32>
    %broadcast_in_dim3A = vector.shape_cast %reduce_sum3A_73 : vector<128xf32> to vector<128x1xf32>
    %dot_general3A = arith.constant dense<0.000000e+00> : vector<128x16xf32>
    %dot_general3A_74 = tpu.matmul %convert_element_type3A_71, %get3A_3, %dot_general3A {dimension_numbers = #tpu.dot_dimension_numbers<[1], [0], [0], [1], [0, 0, 1, 1], [], []>, transpose_lhs_hint = false} : vector<128x4096xf32>, vector<4096x16xf32>, vector<128x16xf32> -> vector<128x16xf32>
    %mul3A_75 = arith.mulf %get3A_3, %get3A_3 : vector<4096x16xf32>
    %reduce_sum3A_76 = arith.constant dense<0.000000e+00> : vector<4096xf32>
    %reduce_sum3A_77 = vector.multi_reduction <add>, %mul3A_75, %reduce_sum3A_76 [1] : vector<4096x16xf32> to vector<4096xf32>
    %broadcast_in_dim3A_78 = vector.shape_cast %reduce_sum3A_77 : vector<4096xf32> to vector<4096x1xf32>
    %dot_general3A_79 = arith.constant dense<0.000000e+00> : vector<128x1xf32>
    %dot_general3A_80 = tpu.matmul %convert_element_type3A_71, %broadcast_in_dim3A_78, %dot_general3A_79 {dimension_numbers = #tpu.dot_dimension_numbers<[1], [0], [0], [1], [0, 0, 1, 1], [], []>, transpose_lhs_hint = false} : vector<128x4096xf32>, vector<4096x1xf32>, vector<128x1xf32> -> vector<128x1xf32>
    %iota3A_81 = tpu.iota {dimensions = array<i32: 1>} : vector<1x4096xi32>
    %gt3A_82 = arith.constant 0.000000e+00 : f32
    %gt3A_83 = vector.broadcast %gt3A_82 : f32 to vector<1x4096xf32>
    %gt3A_84 = arith.cmpf ogt, %get3A_13, %gt3A_83 : vector<1x4096xf32>
    %jit3A_85 = arith.constant 4096 : i32
    %broadcast_in_dim3A_86 = vector.broadcast %jit3A_85 : i32 to vector<1x4096xi32>
    %select_n3A_87 = arith.select %gt3A_84, %iota3A_81, %broadcast_in_dim3A_86 : vector<1x4096xi1>, vector<1x4096xi32>
    %gt3A_88 = arith.constant 0.000000e+00 : f32
    %gt3A_89 = vector.broadcast %gt3A_88 : f32 to vector<128x4096xf32>
    %gt3A_90 = arith.cmpf ogt, %convert_element_type3A_71, %gt3A_89 : vector<128x4096xf32>
    %jit3A_91 = arith.constant 4096 : i32
    %broadcast_in_dim3A_92 = vector.shape_cast %select_n3A_87 : vector<1x4096xi32> to vector<1x4096xi32>
    %broadcast_in_dim3A_93 = vector.broadcast %broadcast_in_dim3A_92 : vector<1x4096xi32> to vector<128x4096xi32>
    %broadcast_in_dim3A_94 = vector.broadcast %jit3A_91 : i32 to vector<128x4096xi32>
    %select_n3A_95 = arith.select %gt3A_90, %broadcast_in_dim3A_93, %broadcast_in_dim3A_94 : vector<128x4096xi1>, vector<128x4096xi32>
    %reduce_min3A = arith.constant dense<2147483647> : vector<128xi32>
    %reduce_min3A_96 = vector.multi_reduction <minsi>, %select_n3A_95, %reduce_min3A [1] : vector<128x4096xi32> to vector<128xi32>
    %broadcast_in_dim3A_97 = vector.shape_cast %reduce_min3A_96 : vector<128xi32> to vector<128x1xi32>
    %iota3A_98 = tpu.iota {dimensions = array<i32: 1>} : vector<128x4096xi32>
    %eq3A_99 = vector.broadcast %broadcast_in_dim3A_97 : vector<128x1xi32> to vector<128x4096xi32>
    %eq3A_100 = arith.cmpi eq, %iota3A_98, %eq3A_99 : vector<128x4096xi32>
    %convert_element_type3A_101 = arith.extui %eq3A_100 : vector<128x4096xi1> to vector<128x4096xi32>
    %convert_element_type3A_102 = arith.sitofp %convert_element_type3A_101 : vector<128x4096xi32> to vector<128x4096xf32>
    %dot_general3A_103 = arith.constant dense<0.000000e+00> : vector<128x16xf32>
    %dot_general3A_104 = tpu.matmul %convert_element_type3A_102, %get3A_3, %dot_general3A_103 {dimension_numbers = #tpu.dot_dimension_numbers<[1], [0], [0], [1], [0, 0, 1, 1], [], []>, transpose_lhs_hint = false} : vector<128x4096xf32>, vector<4096x16xf32>, vector<128x16xf32> -> vector<128x16xf32>
    %mul3A_105 = arith.mulf %dot_general3A_104, %dot_general3A_74 : vector<128x16xf32>
    %reduce_sum3A_106 = arith.constant dense<0.000000e+00> : vector<128xf32>
    %reduce_sum3A_107 = vector.multi_reduction <add>, %mul3A_105, %reduce_sum3A_106 [1] : vector<128x16xf32> to vector<128xf32>
    %broadcast_in_dim3A_108 = vector.shape_cast %reduce_sum3A_107 : vector<128xf32> to vector<128x1xf32>
    %mul3A_109 = arith.mulf %dot_general3A_104, %dot_general3A_104 : vector<128x16xf32>
    %reduce_sum3A_110 = arith.constant dense<0.000000e+00> : vector<128xf32>
    %reduce_sum3A_111 = vector.multi_reduction <add>, %mul3A_109, %reduce_sum3A_110 [1] : vector<128x16xf32> to vector<128xf32>
    %broadcast_in_dim3A_112 = vector.shape_cast %reduce_sum3A_111 : vector<128xf32> to vector<128x1xf32>
    %mul3A_113 = arith.constant 2.000000e+00 : f32
    %mul3A_114 = vector.broadcast %mul3A_113 : f32 to vector<128x1xf32>
    %mul3A_115 = arith.mulf %mul3A_114, %broadcast_in_dim3A_108 : vector<128x1xf32>
    %sub3A_116 = arith.subf %dot_general3A_80, %mul3A_115 : vector<128x1xf32>
    %mul3A_117 = arith.mulf %broadcast_in_dim3A, %broadcast_in_dim3A_112 : vector<128x1xf32>
    %add3A_118 = arith.addf %sub3A_116, %mul3A_117 : vector<128x1xf32>
    %max3A_119 = arith.constant 1.000000e+00 : f32
    %max3A_120 = vector.broadcast %max3A_119 : f32 to vector<128x1xf32>
    %max3A_121 = arith.maximumf %broadcast_in_dim3A, %max3A_120 : vector<128x1xf32>
    %div3A_122 = arith.divf %add3A_118, %max3A_121 : vector<128x1xf32>
    %gt3A_123 = arith.constant 0.000000e+00 : f32
    %gt3A_124 = vector.broadcast %gt3A_123 : f32 to vector<128x1xf32>
    %gt3A_125 = arith.cmpf ogt, %broadcast_in_dim3A, %gt3A_124 : vector<128x1xf32>
    %lt3A = arith.constant 4096 : i32
    %lt3A_126 = vector.broadcast %lt3A : i32 to vector<128x1xi32>
    %lt3A_127 = arith.cmpi slt, %broadcast_in_dim3A_97, %lt3A_126 : vector<128x1xi32>
    %and3A = arith.andi %gt3A_125, %lt3A_127 : vector<128x1xi1>
    %jit3A_128 = arith.constant 0.000000e+00 : f32
    %broadcast_in_dim3A_129 = vector.broadcast %jit3A_128 : f32 to vector<128x1xf32>
    %select_n3A_130 = arith.select %and3A, %div3A_122, %broadcast_in_dim3A_129 : vector<128x1xi1>, vector<128x1xf32>
    %reduce_sum3A_131 = vector.shape_cast %select_n3A_130 : vector<128x1xf32> to vector<1x128x1xf32>
    %reduce_sum3A_132 = arith.constant dense<0.000000e+00> : vector<1xf32>
    %reduce_sum3A_133 = vector.multi_reduction <add>, %reduce_sum3A_131, %reduce_sum3A_132 [1, 2] : vector<1x128x1xf32> to vector<1xf32>
    %reduce_sum3A_134 = vector.shape_cast %reduce_sum3A_133 : vector<1xf32> to vector<1x1x1xf32>
    %reduce_sum3A_135 = vector.extract %reduce_sum3A_134[0, 0, 0] : f32 from vector<1x1x1xf32>
    %add3A_136 = arith.addf %add3A_69, %reduce_sum3A_135 : f32
    %broadcast_in_dim3A_137 = vector.broadcast %add3A_136 : f32 to vector<1x1x1xf32>
    %swap3A = arith.constant 0 : index
    %swap3A_138 = arith.constant 0 : index
    %swap3A_139 = arith.constant 0 : index
    %swap3A_140 = vector.load %arg5[%swap3A, %swap3A_138, %swap3A_139] : memref<1x1x1xf32, #tpu.memory_space<vmem>>, vector<1x1x1xf32>
    tpu.vector_store %arg5[%swap3A, %swap3A_138, %swap3A_139], %broadcast_in_dim3A_137 {strides = array<i32>} : memref<1x1x1xf32, #tpu.memory_space<vmem>>, vector<1x1x1xf32>,
    return
  }
  func.func @transform_0(%arg0: i32) -> (i32, i32, i32) {
    %c0_i32 = arith.constant 0 : i32
    %c0_i32_0 = arith.constant 0 : i32
    %c0_i32_1 = arith.constant 0 : i32
    return %arg0, %c0_i32, %c0_i32_0 : i32, i32, i32
  }
  func.func @transform_1(%arg0: i32) -> (i32, i32, i32) {
    %c0_i32 = arith.constant 0 : i32
    %c0_i32_0 = arith.constant 0 : i32
    %c0_i32_1 = arith.constant 0 : i32
    return %arg0, %c0_i32, %c0_i32_0 : i32, i32, i32
  }
  func.func @transform_2(%arg0: i32) -> (i32, i32, i32) {
    %c0_i32 = arith.constant 0 : i32
    %c0_i32_0 = arith.constant 0 : i32
    %c0_i32_1 = arith.constant 0 : i32
    return %arg0, %c0_i32, %c0_i32_0 : i32, i32, i32
  }
  func.func @transform_3(%arg0: i32) -> (i32, i32, i32) {
    %c0_i32 = arith.constant 0 : i32
    %c0_i32_0 = arith.constant 0 : i32
    %c0_i32_1 = arith.constant 0 : i32
    return %arg0, %c0_i32, %c0_i32_0 : i32, i32, i32
  }
  func.func @transform_4(%arg0: i32) -> (i32, i32, i32) {
    %c0_i32 = arith.constant 0 : i32
    %c0_i32_0 = arith.constant 0 : i32
    %c0_i32_1 = arith.constant 0 : i32
    return %arg0, %c0_i32, %c0_i32_0 : i32, i32, i32
  }
}

module attributes {stable_mosaic.version = 14 : i64} {
  func.func @_tc2_body(%arg0: i32, %arg1: memref<1x4104x16xf32, #tpu.memory_space<vmem>>, %arg2: memref<4x16xi32, #tpu.memory_space<smem>>, %arg3: memref<1x1x1xf32, #tpu.memory_space<vmem>>) attributes {dimension_semantics = [#tpu.dimension_semantics<arbitrary>], iteration_bounds = array<i64: 4>, scalar_prefetch = 0 : i64, scratch_operands = 0 : i64, tpu.core_type = #tpu.core_type<tc>, window_params = [{transform_indices = @transform_0, window_bounds = array<i64: 1, 4104, 16>}, {transform_indices = @transform_1, window_bounds = array<i64: 4, 16>}, {transform_indices = @transform_2, window_bounds = array<i64: 1, 1, 1>}]} {
    %get3A = arith.index_cast %arg0 : i32 to index
    %get3A_0 = arith.constant 0 : index
    %get3A_1 = memref.load %arg2[%get3A, %get3A_0] : memref<4x16xi32, #tpu.memory_space<smem>>
    %convert_element_type3A = arith.sitofp %get3A_1 : i32 to f32
    %get3A_2 = arith.constant 0 : index
    %get3A_3 = arith.constant 0 : index
    %get3A_4 = arith.constant 0 : index
    %get3A_5 = vector.load %arg1[%get3A_2, %get3A_3, %get3A_4] : memref<1x4104x16xf32, #tpu.memory_space<vmem>>, vector<1x4104x16xf32>
    %get3A_6 = vector.shape_cast %get3A_5 : vector<1x4104x16xf32> to vector<4104x16xf32>
    %broadcast_in_dim3A = arith.constant 0.000000e+00 : f32
    %broadcast_in_dim3A_7 = vector.broadcast %broadcast_in_dim3A : f32 to vector<1x1x1xf32>
    %swap3A = arith.constant 0 : index
    %swap3A_8 = arith.constant 0 : index
    %swap3A_9 = arith.constant 0 : index
    %swap3A_10 = vector.load %arg3[%swap3A, %swap3A_8, %swap3A_9] : memref<1x1x1xf32, #tpu.memory_space<vmem>>, vector<1x1x1xf32>
    tpu.vector_store %arg3[%swap3A, %swap3A_8, %swap3A_9], %broadcast_in_dim3A_7 {strides = array<i32>} : memref<1x1x1xf32, #tpu.memory_space<vmem>>, vector<1x1x1xf32>,
    %gt3A = arith.constant 0 : i32
    %gt3A_11 = arith.cmpi sgt, %get3A_1, %gt3A : i32
    %convert_element_type3A_12 = arith.extui %gt3A_11 : i1 to i32
    %cond3A = arith.constant 0 : i32
    %cond3A_13 = arith.cmpi ne, %convert_element_type3A_12, %cond3A : i32
    scf.if %cond3A_13 {
      %slice3A = vector.extract_strided_slice %get3A_6 {offsets = [0, 0], sizes = [512, 16], strides = [1, 1]} : vector<4104x16xf32> to vector<512x16xf32>
      %mul3A_61 = arith.mulf %slice3A, %slice3A : vector<512x16xf32>
      %reduce_sum3A = arith.constant dense<0.000000e+00> : vector<512xf32>
      %reduce_sum3A_62 = vector.multi_reduction <add>, %mul3A_61, %reduce_sum3A [1] : vector<512x16xf32> to vector<512xf32>
      %broadcast_in_dim3A_63 = vector.shape_cast %reduce_sum3A_62 : vector<512xf32> to vector<512x1xf32>
      %iota3A = tpu.iota {dimensions = array<i32: 1>} : vector<1x512xi32>
      %add3A = arith.constant 0 : i32
      %add3A_64 = vector.broadcast %add3A : i32 to vector<1x512xi32>
      %add3A_65 = arith.addi %add3A_64, %iota3A : vector<1x512xi32>
      %lt3A = vector.broadcast %get3A_1 : i32 to vector<1x512xi32>
      %lt3A_66 = arith.cmpi slt, %add3A_65, %lt3A : vector<1x512xi32>
      %iota3A_67 = tpu.iota {dimensions = array<i32: 0>} : vector<512x1xi32>
      %add3A_68 = arith.constant 0 : i32
      %add3A_69 = vector.broadcast %add3A_68 : i32 to vector<512x1xi32>
      %add3A_70 = arith.addi %add3A_69, %iota3A_67 : vector<512x1xi32>
      %lt3A_71 = vector.broadcast %get3A_1 : i32 to vector<512x1xi32>
      %lt3A_72 = arith.cmpi slt, %add3A_70, %lt3A_71 : vector<512x1xi32>
      %broadcast_in_dim3A_73 = arith.constant 1.000000e+00 : f32
      %broadcast_in_dim3A_74 = vector.broadcast %broadcast_in_dim3A_73 : f32 to vector<1x16xf32>
      %dot_general3A = arith.constant dense<0.000000e+00> : vector<1x512xf32>
      %dot_general3A_75 = tpu.matmul %broadcast_in_dim3A_74, %mul3A_61, %dot_general3A {dimension_numbers = #tpu.dot_dimension_numbers<[1], [1], [0], [0], [0, 0, 1, 0], [], []>, transpose_lhs_hint = false} : vector<1x16xf32>, vector<512x16xf32>, vector<1x512xf32> -> vector<1x512xf32>
      %dot_general3A_76 = arith.constant dense<0.000000e+00> : vector<512x512xf32>
      %dot_general3A_77 = tpu.matmul %slice3A, %slice3A, %dot_general3A_76 {dimension_numbers = #tpu.dot_dimension_numbers<[1], [1], [0], [0], [0, 0, 1, 0], [], []>, transpose_lhs_hint = false} : vector<512x16xf32>, vector<512x16xf32>, vector<512x512xf32> -> vector<512x512xf32>
      %mul3A_78 = arith.constant 2.000000e+00 : f32
      %mul3A_79 = vector.broadcast %mul3A_78 : f32 to vector<512x512xf32>
      %mul3A_80 = arith.mulf %mul3A_79, %dot_general3A_77 : vector<512x512xf32>
      %sub3A = vector.broadcast %broadcast_in_dim3A_63 : vector<512x1xf32> to vector<512x512xf32>
      %sub3A_81 = arith.subf %mul3A_80, %sub3A : vector<512x512xf32>
      %sub3A_82 = vector.broadcast %dot_general3A_75 : vector<1x512xf32> to vector<512x512xf32>
      %sub3A_83 = arith.subf %sub3A_81, %sub3A_82 : vector<512x512xf32>
      %and3A = vector.broadcast %lt3A_66 : vector<1x512xi1> to vector<512x512xi1>
      %and3A_84 = vector.broadcast %lt3A_72 : vector<512x1xi1> to vector<512x512xi1>
      %and3A_85 = arith.andi %and3A, %and3A_84 : vector<512x512xi1>
      %jit3A_86 = arith.constant -1.000000e+30 : f32
      %broadcast_in_dim3A_87 = vector.broadcast %jit3A_86 : f32 to vector<512x512xf32>
      %select_n3A_88 = arith.select %and3A_85, %sub3A_83, %broadcast_in_dim3A_87 : vector<512x512xi1>, vector<512x512xf32>
      %exp3A = math.exp %select_n3A_88 : vector<512x512xf32>
      %reduce_sum3A_89 = vector.shape_cast %exp3A : vector<512x512xf32> to vector<1x512x512xf32>
      %reduce_sum3A_90 = arith.constant dense<0.000000e+00> : vector<1xf32>
      %reduce_sum3A_91 = vector.multi_reduction <add>, %reduce_sum3A_89, %reduce_sum3A_90 [1, 2] : vector<1x512x512xf32> to vector<1xf32>
      %reduce_sum3A_92 = vector.shape_cast %reduce_sum3A_91 : vector<1xf32> to vector<1x1x1xf32>
      %reduce_sum3A_93 = vector.extract %reduce_sum3A_92[0, 0, 0] : f32 from vector<1x1x1xf32>
      %get3A_94 = arith.constant 0 : index
      %get3A_95 = arith.constant 0 : index
      %get3A_96 = arith.constant 0 : index
      %get3A_97 = vector.load %arg3[%get3A_94, %get3A_95, %get3A_96] : memref<1x1x1xf32, #tpu.memory_space<vmem>>, vector<1x1x1xf32>
      %broadcast_in_dim3A_98 = vector.broadcast %reduce_sum3A_93 : f32 to vector<1x1x1xf32>
      %add3A_99 = arith.addf %get3A_97, %broadcast_in_dim3A_98 : vector<1x1x1xf32>
      %swap3A_100 = arith.constant 0 : index
      %swap3A_101 = arith.constant 0 : index
      %swap3A_102 = arith.constant 0 : index
      %swap3A_103 = vector.load %arg3[%swap3A_100, %swap3A_101, %swap3A_102] : memref<1x1x1xf32, #tpu.memory_space<vmem>>, vector<1x1x1xf32>
      tpu.vector_store %arg3[%swap3A_100, %swap3A_101, %swap3A_102], %add3A_99 {strides = array<i32>} : memref<1x1x1xf32, #tpu.memory_space<vmem>>, vector<1x1x1xf32>,
    } else {
    }
    %gt3A_14 = arith.constant 512 : i32
    %gt3A_15 = arith.cmpi sgt, %get3A_1, %gt3A_14 : i32
    %convert_element_type3A_16 = arith.extui %gt3A_15 : i1 to i32
    %cond3A_17 = arith.constant 0 : i32
    %cond3A_18 = arith.cmpi ne, %convert_element_type3A_16, %cond3A_17 : i32
    scf.if %cond3A_18 {
      %slice3A = vector.extract_strided_slice %get3A_6 {offsets = [512, 0], sizes = [512, 16], strides = [1, 1]} : vector<4104x16xf32> to vector<512x16xf32>
      %mul3A_61 = arith.mulf %slice3A, %slice3A : vector<512x16xf32>
      %reduce_sum3A = arith.constant dense<0.000000e+00> : vector<512xf32>
      %reduce_sum3A_62 = vector.multi_reduction <add>, %mul3A_61, %reduce_sum3A [1] : vector<512x16xf32> to vector<512xf32>
      %broadcast_in_dim3A_63 = vector.shape_cast %reduce_sum3A_62 : vector<512xf32> to vector<512x1xf32>
      %iota3A = tpu.iota {dimensions = array<i32: 1>} : vector<1x512xi32>
      %add3A = arith.constant 512 : i32
      %add3A_64 = vector.broadcast %add3A : i32 to vector<1x512xi32>
      %add3A_65 = arith.addi %add3A_64, %iota3A : vector<1x512xi32>
      %lt3A = vector.broadcast %get3A_1 : i32 to vector<1x512xi32>
      %lt3A_66 = arith.cmpi slt, %add3A_65, %lt3A : vector<1x512xi32>
      %iota3A_67 = tpu.iota {dimensions = array<i32: 0>} : vector<512x1xi32>
      %add3A_68 = arith.constant 512 : i32
      %add3A_69 = vector.broadcast %add3A_68 : i32 to vector<512x1xi32>
      %add3A_70 = arith.addi %add3A_69, %iota3A_67 : vector<512x1xi32>
      %lt3A_71 = vector.broadcast %get3A_1 : i32 to vector<512x1xi32>
      %lt3A_72 = arith.cmpi slt, %add3A_70, %lt3A_71 : vector<512x1xi32>
      %broadcast_in_dim3A_73 = arith.constant 1.000000e+00 : f32
      %broadcast_in_dim3A_74 = vector.broadcast %broadcast_in_dim3A_73 : f32 to vector<1x16xf32>
      %dot_general3A = arith.constant dense<0.000000e+00> : vector<1x512xf32>
      %dot_general3A_75 = tpu.matmul %broadcast_in_dim3A_74, %mul3A_61, %dot_general3A {dimension_numbers = #tpu.dot_dimension_numbers<[1], [1], [0], [0], [0, 0, 1, 0], [], []>, transpose_lhs_hint = false} : vector<1x16xf32>, vector<512x16xf32>, vector<1x512xf32> -> vector<1x512xf32>
      %dot_general3A_76 = arith.constant dense<0.000000e+00> : vector<512x512xf32>
      %dot_general3A_77 = tpu.matmul %slice3A, %slice3A, %dot_general3A_76 {dimension_numbers = #tpu.dot_dimension_numbers<[1], [1], [0], [0], [0, 0, 1, 0], [], []>, transpose_lhs_hint = false} : vector<512x16xf32>, vector<512x16xf32>, vector<512x512xf32> -> vector<512x512xf32>
      %mul3A_78 = arith.constant 2.000000e+00 : f32
      %mul3A_79 = vector.broadcast %mul3A_78 : f32 to vector<512x512xf32>
      %mul3A_80 = arith.mulf %mul3A_79, %dot_general3A_77 : vector<512x512xf32>
      %sub3A = vector.broadcast %broadcast_in_dim3A_63 : vector<512x1xf32> to vector<512x512xf32>
      %sub3A_81 = arith.subf %mul3A_80, %sub3A : vector<512x512xf32>
      %sub3A_82 = vector.broadcast %dot_general3A_75 : vector<1x512xf32> to vector<512x512xf32>
      %sub3A_83 = arith.subf %sub3A_81, %sub3A_82 : vector<512x512xf32>
      %and3A = vector.broadcast %lt3A_66 : vector<1x512xi1> to vector<512x512xi1>
      %and3A_84 = vector.broadcast %lt3A_72 : vector<512x1xi1> to vector<512x512xi1>
      %and3A_85 = arith.andi %and3A, %and3A_84 : vector<512x512xi1>
      %jit3A_86 = arith.constant -1.000000e+30 : f32
      %broadcast_in_dim3A_87 = vector.broadcast %jit3A_86 : f32 to vector<512x512xf32>
      %select_n3A_88 = arith.select %and3A_85, %sub3A_83, %broadcast_in_dim3A_87 : vector<512x512xi1>, vector<512x512xf32>
      %exp3A = math.exp %select_n3A_88 : vector<512x512xf32>
      %reduce_sum3A_89 = vector.shape_cast %exp3A : vector<512x512xf32> to vector<1x512x512xf32>
      %reduce_sum3A_90 = arith.constant dense<0.000000e+00> : vector<1xf32>
      %reduce_sum3A_91 = vector.multi_reduction <add>, %reduce_sum3A_89, %reduce_sum3A_90 [1, 2] : vector<1x512x512xf32> to vector<1xf32>
      %reduce_sum3A_92 = vector.shape_cast %reduce_sum3A_91 : vector<1xf32> to vector<1x1x1xf32>
      %reduce_sum3A_93 = vector.extract %reduce_sum3A_92[0, 0, 0] : f32 from vector<1x1x1xf32>
      %slice3A_94 = vector.extract_strided_slice %get3A_6 {offsets = [0, 0], sizes = [512, 16], strides = [1, 1]} : vector<4104x16xf32> to vector<512x16xf32>
      %mul3A_95 = arith.mulf %slice3A_94, %slice3A_94 : vector<512x16xf32>
      %reduce_sum3A_96 = arith.constant dense<0.000000e+00> : vector<512xf32>
      %reduce_sum3A_97 = vector.multi_reduction <add>, %mul3A_95, %reduce_sum3A_96 [1] : vector<512x16xf32> to vector<512xf32>
      %broadcast_in_dim3A_98 = vector.shape_cast %reduce_sum3A_97 : vector<512xf32> to vector<512x1xf32>
      %dot_general3A_99 = arith.constant dense<0.000000e+00> : vector<512x512xf32>
      %dot_general3A_100 = tpu.matmul %slice3A_94, %slice3A, %dot_general3A_99 {dimension_numbers = #tpu.dot_dimension_numbers<[1], [1], [0], [0], [0, 0, 1, 0], [], []>, transpose_lhs_hint = false} : vector<512x16xf32>, vector<512x16xf32>, vector<512x512xf32> -> vector<512x512xf32>
      %mul3A_101 = arith.constant 2.000000e+00 : f32
      %mul3A_102 = vector.broadcast %mul3A_101 : f32 to vector<512x512xf32>
      %mul3A_103 = arith.mulf %mul3A_102, %dot_general3A_100 : vector<512x512xf32>
      %sub3A_104 = vector.broadcast %broadcast_in_dim3A_98 : vector<512x1xf32> to vector<512x512xf32>
      %sub3A_105 = arith.subf %mul3A_103, %sub3A_104 : vector<512x512xf32>
      %sub3A_106 = vector.broadcast %dot_general3A_75 : vector<1x512xf32> to vector<512x512xf32>
      %sub3A_107 = arith.subf %sub3A_105, %sub3A_106 : vector<512x512xf32>
      %jit3A_108 = arith.constant -1.000000e+30 : f32
      %broadcast_in_dim3A_109 = vector.shape_cast %lt3A_66 : vector<1x512xi1> to vector<1x512xi1>
      %broadcast_in_dim3A_110 = vector.broadcast %broadcast_in_dim3A_109 : vector<1x512xi1> to vector<512x512xi1>
      %broadcast_in_dim3A_111 = vector.broadcast %jit3A_108 : f32 to vector<512x512xf32>
      %select_n3A_112 = arith.select %broadcast_in_dim3A_110, %sub3A_107, %broadcast_in_dim3A_111 : vector<512x512xi1>, vector<512x512xf32>
      %exp3A_113 = math.exp %select_n3A_112 : vector<512x512xf32>
      %reduce_sum3A_114 = vector.shape_cast %exp3A_113 : vector<512x512xf32> to vector<1x512x512xf32>
      %reduce_sum3A_115 = arith.constant dense<0.000000e+00> : vector<1xf32>
      %reduce_sum3A_116 = vector.multi_reduction <add>, %reduce_sum3A_114, %reduce_sum3A_115 [1, 2] : vector<1x512x512xf32> to vector<1xf32>
      %reduce_sum3A_117 = vector.shape_cast %reduce_sum3A_116 : vector<1xf32> to vector<1x1x1xf32>
      %reduce_sum3A_118 = vector.extract %reduce_sum3A_117[0, 0, 0] : f32 from vector<1x1x1xf32>
      %mul3A_119 = arith.constant 2.000000e+00 : f32
      %mul3A_120 = arith.mulf %mul3A_119, %reduce_sum3A_118 : f32
      %add3A_121 = arith.addf %reduce_sum3A_93, %mul3A_120 : f32
      %get3A_122 = arith.constant 0 : index
      %get3A_123 = arith.constant 0 : index
      %get3A_124 = arith.constant 0 : index
      %get3A_125 = vector.load %arg3[%get3A_122, %get3A_123, %get3A_124] : memref<1x1x1xf32, #tpu.memory_space<vmem>>, vector<1x1x1xf32>
      %broadcast_in_dim3A_126 = vector.broadcast %add3A_121 : f32 to vector<1x1x1xf32>
      %add3A_127 = arith.addf %get3A_125, %broadcast_in_dim3A_126 : vector<1x1x1xf32>
      %swap3A_128 = arith.constant 0 : index
      %swap3A_129 = arith.constant 0 : index
      %swap3A_130 = arith.constant 0 : index
      %swap3A_131 = vector.load %arg3[%swap3A_128, %swap3A_129, %swap3A_130] : memref<1x1x1xf32, #tpu.memory_space<vmem>>, vector<1x1x1xf32>
      tpu.vector_store %arg3[%swap3A_128, %swap3A_129, %swap3A_130], %add3A_127 {strides = array<i32>} : memref<1x1x1xf32, #tpu.memory_space<vmem>>, vector<1x1x1xf32>,
    } else {
    }
    %gt3A_19 = arith.constant 1024 : i32
    %gt3A_20 = arith.cmpi sgt, %get3A_1, %gt3A_19 : i32
    %convert_element_type3A_21 = arith.extui %gt3A_20 : i1 to i32
    %cond3A_22 = arith.constant 0 : i32
    %cond3A_23 = arith.cmpi ne, %convert_element_type3A_21, %cond3A_22 : i32
    scf.if %cond3A_23 {
      %slice3A = vector.extract_strided_slice %get3A_6 {offsets = [1024, 0], sizes = [512, 16], strides = [1, 1]} : vector<4104x16xf32> to vector<512x16xf32>
      %mul3A_61 = arith.mulf %slice3A, %slice3A : vector<512x16xf32>
      %reduce_sum3A = arith.constant dense<0.000000e+00> : vector<512xf32>
      %reduce_sum3A_62 = vector.multi_reduction <add>, %mul3A_61, %reduce_sum3A [1] : vector<512x16xf32> to vector<512xf32>
      %broadcast_in_dim3A_63 = vector.shape_cast %reduce_sum3A_62 : vector<512xf32> to vector<512x1xf32>
      %iota3A = tpu.iota {dimensions = array<i32: 1>} : vector<1x512xi32>
      %add3A = arith.constant 1024 : i32
      %add3A_64 = vector.broadcast %add3A : i32 to vector<1x512xi32>
      %add3A_65 = arith.addi %add3A_64, %iota3A : vector<1x512xi32>
      %lt3A = vector.broadcast %get3A_1 : i32 to vector<1x512xi32>
      %lt3A_66 = arith.cmpi slt, %add3A_65, %lt3A : vector<1x512xi32>
      %iota3A_67 = tpu.iota {dimensions = array<i32: 0>} : vector<512x1xi32>
      %add3A_68 = arith.constant 1024 : i32
      %add3A_69 = vector.broadcast %add3A_68 : i32 to vector<512x1xi32>
      %add3A_70 = arith.addi %add3A_69, %iota3A_67 : vector<512x1xi32>
      %lt3A_71 = vector.broadcast %get3A_1 : i32 to vector<512x1xi32>
      %lt3A_72 = arith.cmpi slt, %add3A_70, %lt3A_71 : vector<512x1xi32>
      %broadcast_in_dim3A_73 = arith.constant 1.000000e+00 : f32
      %broadcast_in_dim3A_74 = vector.broadcast %broadcast_in_dim3A_73 : f32 to vector<1x16xf32>
      %dot_general3A = arith.constant dense<0.000000e+00> : vector<1x512xf32>
      %dot_general3A_75 = tpu.matmul %broadcast_in_dim3A_74, %mul3A_61, %dot_general3A {dimension_numbers = #tpu.dot_dimension_numbers<[1], [1], [0], [0], [0, 0, 1, 0], [], []>, transpose_lhs_hint = false} : vector<1x16xf32>, vector<512x16xf32>, vector<1x512xf32> -> vector<1x512xf32>
      %dot_general3A_76 = arith.constant dense<0.000000e+00> : vector<512x512xf32>
      %dot_general3A_77 = tpu.matmul %slice3A, %slice3A, %dot_general3A_76 {dimension_numbers = #tpu.dot_dimension_numbers<[1], [1], [0], [0], [0, 0, 1, 0], [], []>, transpose_lhs_hint = false} : vector<512x16xf32>, vector<512x16xf32>, vector<512x512xf32> -> vector<512x512xf32>
      %mul3A_78 = arith.constant 2.000000e+00 : f32
      %mul3A_79 = vector.broadcast %mul3A_78 : f32 to vector<512x512xf32>
      %mul3A_80 = arith.mulf %mul3A_79, %dot_general3A_77 : vector<512x512xf32>
      %sub3A = vector.broadcast %broadcast_in_dim3A_63 : vector<512x1xf32> to vector<512x512xf32>
      %sub3A_81 = arith.subf %mul3A_80, %sub3A : vector<512x512xf32>
      %sub3A_82 = vector.broadcast %dot_general3A_75 : vector<1x512xf32> to vector<512x512xf32>
      %sub3A_83 = arith.subf %sub3A_81, %sub3A_82 : vector<512x512xf32>
      %and3A = vector.broadcast %lt3A_66 : vector<1x512xi1> to vector<512x512xi1>
      %and3A_84 = vector.broadcast %lt3A_72 : vector<512x1xi1> to vector<512x512xi1>
      %and3A_85 = arith.andi %and3A, %and3A_84 : vector<512x512xi1>
      %jit3A_86 = arith.constant -1.000000e+30 : f32
      %broadcast_in_dim3A_87 = vector.broadcast %jit3A_86 : f32 to vector<512x512xf32>
      %select_n3A_88 = arith.select %and3A_85, %sub3A_83, %broadcast_in_dim3A_87 : vector<512x512xi1>, vector<512x512xf32>
      %exp3A = math.exp %select_n3A_88 : vector<512x512xf32>
      %reduce_sum3A_89 = vector.shape_cast %exp3A : vector<512x512xf32> to vector<1x512x512xf32>
      %reduce_sum3A_90 = arith.constant dense<0.000000e+00> : vector<1xf32>
      %reduce_sum3A_91 = vector.multi_reduction <add>, %reduce_sum3A_89, %reduce_sum3A_90 [1, 2] : vector<1x512x512xf32> to vector<1xf32>
      %reduce_sum3A_92 = vector.shape_cast %reduce_sum3A_91 : vector<1xf32> to vector<1x1x1xf32>
      %reduce_sum3A_93 = vector.extract %reduce_sum3A_92[0, 0, 0] : f32 from vector<1x1x1xf32>
      %slice3A_94 = vector.extract_strided_slice %get3A_6 {offsets = [0, 0], sizes = [1024, 16], strides = [1, 1]} : vector<4104x16xf32> to vector<1024x16xf32>
      %mul3A_95 = arith.mulf %slice3A_94, %slice3A_94 : vector<1024x16xf32>
      %reduce_sum3A_96 = arith.constant dense<0.000000e+00> : vector<1024xf32>
      %reduce_sum3A_97 = vector.multi_reduction <add>, %mul3A_95, %reduce_sum3A_96 [1] : vector<1024x16xf32> to vector<1024xf32>
      %broadcast_in_dim3A_98 = vector.shape_cast %reduce_sum3A_97 : vector<1024xf32> to vector<1024x1xf32>
      %dot_general3A_99 = arith.constant dense<0.000000e+00> : vector<1024x512xf32>
      %dot_general3A_100 = tpu.matmul %slice3A_94, %slice3A, %dot_general3A_99 {dimension_numbers = #tpu.dot_dimension_numbers<[1], [1], [0], [0], [0, 0, 1, 0], [], []>, transpose_lhs_hint = false} : vector<1024x16xf32>, vector<512x16xf32>, vector<1024x512xf32> -> vector<1024x512xf32>
      %mul3A_101 = arith.constant 2.000000e+00 : f32
      %mul3A_102 = vector.broadcast %mul3A_101 : f32 to vector<1024x512xf32>
      %mul3A_103 = arith.mulf %mul3A_102, %dot_general3A_100 : vector<1024x512xf32>
      %sub3A_104 = vector.broadcast %broadcast_in_dim3A_98 : vector<1024x1xf32> to vector<1024x512xf32>
      %sub3A_105 = arith.subf %mul3A_103, %sub3A_104 : vector<1024x512xf32>
      %sub3A_106 = vector.broadcast %dot_general3A_75 : vector<1x512xf32> to vector<1024x512xf32>
      %sub3A_107 = arith.subf %sub3A_105, %sub3A_106 : vector<1024x512xf32>
      %jit3A_108 = arith.constant -1.000000e+30 : f32
      %broadcast_in_dim3A_109 = vector.shape_cast %lt3A_66 : vector<1x512xi1> to vector<1x512xi1>
      %broadcast_in_dim3A_110 = vector.broadcast %broadcast_in_dim3A_109 : vector<1x512xi1> to vector<1024x512xi1>
      %broadcast_in_dim3A_111 = vector.broadcast %jit3A_108 : f32 to vector<1024x512xf32>
      %select_n3A_112 = arith.select %broadcast_in_dim3A_110, %sub3A_107, %broadcast_in_dim3A_111 : vector<1024x512xi1>, vector<1024x512xf32>
      %exp3A_113 = math.exp %select_n3A_112 : vector<1024x512xf32>
      %reduce_sum3A_114 = vector.shape_cast %exp3A_113 : vector<1024x512xf32> to vector<1x1024x512xf32>
      %reduce_sum3A_115 = arith.constant dense<0.000000e+00> : vector<1xf32>
      %reduce_sum3A_116 = vector.multi_reduction <add>, %reduce_sum3A_114, %reduce_sum3A_115 [1, 2] : vector<1x1024x512xf32> to vector<1xf32>
      %reduce_sum3A_117 = vector.shape_cast %reduce_sum3A_116 : vector<1xf32> to vector<1x1x1xf32>
      %reduce_sum3A_118 = vector.extract %reduce_sum3A_117[0, 0, 0] : f32 from vector<1x1x1xf32>
      %mul3A_119 = arith.constant 2.000000e+00 : f32
      %mul3A_120 = arith.mulf %mul3A_119, %reduce_sum3A_118 : f32
      %add3A_121 = arith.addf %reduce_sum3A_93, %mul3A_120 : f32
      %get3A_122 = arith.constant 0 : index
      %get3A_123 = arith.constant 0 : index
      %get3A_124 = arith.constant 0 : index
      %get3A_125 = vector.load %arg3[%get3A_122, %get3A_123, %get3A_124] : memref<1x1x1xf32, #tpu.memory_space<vmem>>, vector<1x1x1xf32>
      %broadcast_in_dim3A_126 = vector.broadcast %add3A_121 : f32 to vector<1x1x1xf32>
      %add3A_127 = arith.addf %get3A_125, %broadcast_in_dim3A_126 : vector<1x1x1xf32>
      %swap3A_128 = arith.constant 0 : index
      %swap3A_129 = arith.constant 0 : index
      %swap3A_130 = arith.constant 0 : index
      %swap3A_131 = vector.load %arg3[%swap3A_128, %swap3A_129, %swap3A_130] : memref<1x1x1xf32, #tpu.memory_space<vmem>>, vector<1x1x1xf32>
      tpu.vector_store %arg3[%swap3A_128, %swap3A_129, %swap3A_130], %add3A_127 {strides = array<i32>} : memref<1x1x1xf32, #tpu.memory_space<vmem>>, vector<1x1x1xf32>,
    } else {
    }
    %gt3A_24 = arith.constant 1536 : i32
    %gt3A_25 = arith.cmpi sgt, %get3A_1, %gt3A_24 : i32
    %convert_element_type3A_26 = arith.extui %gt3A_25 : i1 to i32
    %cond3A_27 = arith.constant 0 : i32
    %cond3A_28 = arith.cmpi ne, %convert_element_type3A_26, %cond3A_27 : i32
    scf.if %cond3A_28 {
      %slice3A = vector.extract_strided_slice %get3A_6 {offsets = [1536, 0], sizes = [512, 16], strides = [1, 1]} : vector<4104x16xf32> to vector<512x16xf32>
      %mul3A_61 = arith.mulf %slice3A, %slice3A : vector<512x16xf32>
      %reduce_sum3A = arith.constant dense<0.000000e+00> : vector<512xf32>
      %reduce_sum3A_62 = vector.multi_reduction <add>, %mul3A_61, %reduce_sum3A [1] : vector<512x16xf32> to vector<512xf32>
      %broadcast_in_dim3A_63 = vector.shape_cast %reduce_sum3A_62 : vector<512xf32> to vector<512x1xf32>
      %iota3A = tpu.iota {dimensions = array<i32: 1>} : vector<1x512xi32>
      %add3A = arith.constant 1536 : i32
      %add3A_64 = vector.broadcast %add3A : i32 to vector<1x512xi32>
      %add3A_65 = arith.addi %add3A_64, %iota3A : vector<1x512xi32>
      %lt3A = vector.broadcast %get3A_1 : i32 to vector<1x512xi32>
      %lt3A_66 = arith.cmpi slt, %add3A_65, %lt3A : vector<1x512xi32>
      %iota3A_67 = tpu.iota {dimensions = array<i32: 0>} : vector<512x1xi32>
      %add3A_68 = arith.constant 1536 : i32
      %add3A_69 = vector.broadcast %add3A_68 : i32 to vector<512x1xi32>
      %add3A_70 = arith.addi %add3A_69, %iota3A_67 : vector<512x1xi32>
      %lt3A_71 = vector.broadcast %get3A_1 : i32 to vector<512x1xi32>
      %lt3A_72 = arith.cmpi slt, %add3A_70, %lt3A_71 : vector<512x1xi32>
      %broadcast_in_dim3A_73 = arith.constant 1.000000e+00 : f32
      %broadcast_in_dim3A_74 = vector.broadcast %broadcast_in_dim3A_73 : f32 to vector<1x16xf32>
      %dot_general3A = arith.constant dense<0.000000e+00> : vector<1x512xf32>
      %dot_general3A_75 = tpu.matmul %broadcast_in_dim3A_74, %mul3A_61, %dot_general3A {dimension_numbers = #tpu.dot_dimension_numbers<[1], [1], [0], [0], [0, 0, 1, 0], [], []>, transpose_lhs_hint = false} : vector<1x16xf32>, vector<512x16xf32>, vector<1x512xf32> -> vector<1x512xf32>
      %dot_general3A_76 = arith.constant dense<0.000000e+00> : vector<512x512xf32>
      %dot_general3A_77 = tpu.matmul %slice3A, %slice3A, %dot_general3A_76 {dimension_numbers = #tpu.dot_dimension_numbers<[1], [1], [0], [0], [0, 0, 1, 0], [], []>, transpose_lhs_hint = false} : vector<512x16xf32>, vector<512x16xf32>, vector<512x512xf32> -> vector<512x512xf32>
      %mul3A_78 = arith.constant 2.000000e+00 : f32
      %mul3A_79 = vector.broadcast %mul3A_78 : f32 to vector<512x512xf32>
      %mul3A_80 = arith.mulf %mul3A_79, %dot_general3A_77 : vector<512x512xf32>
      %sub3A = vector.broadcast %broadcast_in_dim3A_63 : vector<512x1xf32> to vector<512x512xf32>
      %sub3A_81 = arith.subf %mul3A_80, %sub3A : vector<512x512xf32>
      %sub3A_82 = vector.broadcast %dot_general3A_75 : vector<1x512xf32> to vector<512x512xf32>
      %sub3A_83 = arith.subf %sub3A_81, %sub3A_82 : vector<512x512xf32>
      %and3A = vector.broadcast %lt3A_66 : vector<1x512xi1> to vector<512x512xi1>
      %and3A_84 = vector.broadcast %lt3A_72 : vector<512x1xi1> to vector<512x512xi1>
      %and3A_85 = arith.andi %and3A, %and3A_84 : vector<512x512xi1>
      %jit3A_86 = arith.constant -1.000000e+30 : f32
      %broadcast_in_dim3A_87 = vector.broadcast %jit3A_86 : f32 to vector<512x512xf32>
      %select_n3A_88 = arith.select %and3A_85, %sub3A_83, %broadcast_in_dim3A_87 : vector<512x512xi1>, vector<512x512xf32>
      %exp3A = math.exp %select_n3A_88 : vector<512x512xf32>
      %reduce_sum3A_89 = vector.shape_cast %exp3A : vector<512x512xf32> to vector<1x512x512xf32>
      %reduce_sum3A_90 = arith.constant dense<0.000000e+00> : vector<1xf32>
      %reduce_sum3A_91 = vector.multi_reduction <add>, %reduce_sum3A_89, %reduce_sum3A_90 [1, 2] : vector<1x512x512xf32> to vector<1xf32>
      %reduce_sum3A_92 = vector.shape_cast %reduce_sum3A_91 : vector<1xf32> to vector<1x1x1xf32>
      %reduce_sum3A_93 = vector.extract %reduce_sum3A_92[0, 0, 0] : f32 from vector<1x1x1xf32>
      %slice3A_94 = vector.extract_strided_slice %get3A_6 {offsets = [0, 0], sizes = [1536, 16], strides = [1, 1]} : vector<4104x16xf32> to vector<1536x16xf32>
      %mul3A_95 = arith.mulf %slice3A_94, %slice3A_94 : vector<1536x16xf32>
      %reduce_sum3A_96 = arith.constant dense<0.000000e+00> : vector<1536xf32>
      %reduce_sum3A_97 = vector.multi_reduction <add>, %mul3A_95, %reduce_sum3A_96 [1] : vector<1536x16xf32> to vector<1536xf32>
      %broadcast_in_dim3A_98 = vector.shape_cast %reduce_sum3A_97 : vector<1536xf32> to vector<1536x1xf32>
      %dot_general3A_99 = arith.constant dense<0.000000e+00> : vector<1536x512xf32>
      %dot_general3A_100 = tpu.matmul %slice3A_94, %slice3A, %dot_general3A_99 {dimension_numbers = #tpu.dot_dimension_numbers<[1], [1], [0], [0], [0, 0, 1, 0], [], []>, transpose_lhs_hint = false} : vector<1536x16xf32>, vector<512x16xf32>, vector<1536x512xf32> -> vector<1536x512xf32>
      %mul3A_101 = arith.constant 2.000000e+00 : f32
      %mul3A_102 = vector.broadcast %mul3A_101 : f32 to vector<1536x512xf32>
      %mul3A_103 = arith.mulf %mul3A_102, %dot_general3A_100 : vector<1536x512xf32>
      %sub3A_104 = vector.broadcast %broadcast_in_dim3A_98 : vector<1536x1xf32> to vector<1536x512xf32>
      %sub3A_105 = arith.subf %mul3A_103, %sub3A_104 : vector<1536x512xf32>
      %sub3A_106 = vector.broadcast %dot_general3A_75 : vector<1x512xf32> to vector<1536x512xf32>
      %sub3A_107 = arith.subf %sub3A_105, %sub3A_106 : vector<1536x512xf32>
      %jit3A_108 = arith.constant -1.000000e+30 : f32
      %broadcast_in_dim3A_109 = vector.shape_cast %lt3A_66 : vector<1x512xi1> to vector<1x512xi1>
      %broadcast_in_dim3A_110 = vector.broadcast %broadcast_in_dim3A_109 : vector<1x512xi1> to vector<1536x512xi1>
      %broadcast_in_dim3A_111 = vector.broadcast %jit3A_108 : f32 to vector<1536x512xf32>
      %select_n3A_112 = arith.select %broadcast_in_dim3A_110, %sub3A_107, %broadcast_in_dim3A_111 : vector<1536x512xi1>, vector<1536x512xf32>
      %exp3A_113 = math.exp %select_n3A_112 : vector<1536x512xf32>
      %reduce_sum3A_114 = vector.shape_cast %exp3A_113 : vector<1536x512xf32> to vector<1x1536x512xf32>
      %reduce_sum3A_115 = arith.constant dense<0.000000e+00> : vector<1xf32>
      %reduce_sum3A_116 = vector.multi_reduction <add>, %reduce_sum3A_114, %reduce_sum3A_115 [1, 2] : vector<1x1536x512xf32> to vector<1xf32>
      %reduce_sum3A_117 = vector.shape_cast %reduce_sum3A_116 : vector<1xf32> to vector<1x1x1xf32>
      %reduce_sum3A_118 = vector.extract %reduce_sum3A_117[0, 0, 0] : f32 from vector<1x1x1xf32>
      %mul3A_119 = arith.constant 2.000000e+00 : f32
      %mul3A_120 = arith.mulf %mul3A_119, %reduce_sum3A_118 : f32
      %add3A_121 = arith.addf %reduce_sum3A_93, %mul3A_120 : f32
      %get3A_122 = arith.constant 0 : index
      %get3A_123 = arith.constant 0 : index
      %get3A_124 = arith.constant 0 : index
      %get3A_125 = vector.load %arg3[%get3A_122, %get3A_123, %get3A_124] : memref<1x1x1xf32, #tpu.memory_space<vmem>>, vector<1x1x1xf32>
      %broadcast_in_dim3A_126 = vector.broadcast %add3A_121 : f32 to vector<1x1x1xf32>
      %add3A_127 = arith.addf %get3A_125, %broadcast_in_dim3A_126 : vector<1x1x1xf32>
      %swap3A_128 = arith.constant 0 : index
      %swap3A_129 = arith.constant 0 : index
      %swap3A_130 = arith.constant 0 : index
      %swap3A_131 = vector.load %arg3[%swap3A_128, %swap3A_129, %swap3A_130] : memref<1x1x1xf32, #tpu.memory_space<vmem>>, vector<1x1x1xf32>
      tpu.vector_store %arg3[%swap3A_128, %swap3A_129, %swap3A_130], %add3A_127 {strides = array<i32>} : memref<1x1x1xf32, #tpu.memory_space<vmem>>, vector<1x1x1xf32>,
    } else {
    }
    %gt3A_29 = arith.constant 2048 : i32
    %gt3A_30 = arith.cmpi sgt, %get3A_1, %gt3A_29 : i32
    %convert_element_type3A_31 = arith.extui %gt3A_30 : i1 to i32
    %cond3A_32 = arith.constant 0 : i32
    %cond3A_33 = arith.cmpi ne, %convert_element_type3A_31, %cond3A_32 : i32
    scf.if %cond3A_33 {
      %slice3A = vector.extract_strided_slice %get3A_6 {offsets = [2048, 0], sizes = [512, 16], strides = [1, 1]} : vector<4104x16xf32> to vector<512x16xf32>
      %mul3A_61 = arith.mulf %slice3A, %slice3A : vector<512x16xf32>
      %reduce_sum3A = arith.constant dense<0.000000e+00> : vector<512xf32>
      %reduce_sum3A_62 = vector.multi_reduction <add>, %mul3A_61, %reduce_sum3A [1] : vector<512x16xf32> to vector<512xf32>
      %broadcast_in_dim3A_63 = vector.shape_cast %reduce_sum3A_62 : vector<512xf32> to vector<512x1xf32>
      %iota3A = tpu.iota {dimensions = array<i32: 1>} : vector<1x512xi32>
      %add3A = arith.constant 2048 : i32
      %add3A_64 = vector.broadcast %add3A : i32 to vector<1x512xi32>
      %add3A_65 = arith.addi %add3A_64, %iota3A : vector<1x512xi32>
      %lt3A = vector.broadcast %get3A_1 : i32 to vector<1x512xi32>
      %lt3A_66 = arith.cmpi slt, %add3A_65, %lt3A : vector<1x512xi32>
      %iota3A_67 = tpu.iota {dimensions = array<i32: 0>} : vector<512x1xi32>
      %add3A_68 = arith.constant 2048 : i32
      %add3A_69 = vector.broadcast %add3A_68 : i32 to vector<512x1xi32>
      %add3A_70 = arith.addi %add3A_69, %iota3A_67 : vector<512x1xi32>
      %lt3A_71 = vector.broadcast %get3A_1 : i32 to vector<512x1xi32>
      %lt3A_72 = arith.cmpi slt, %add3A_70, %lt3A_71 : vector<512x1xi32>
      %broadcast_in_dim3A_73 = arith.constant 1.000000e+00 : f32
      %broadcast_in_dim3A_74 = vector.broadcast %broadcast_in_dim3A_73 : f32 to vector<1x16xf32>
      %dot_general3A = arith.constant dense<0.000000e+00> : vector<1x512xf32>
      %dot_general3A_75 = tpu.matmul %broadcast_in_dim3A_74, %mul3A_61, %dot_general3A {dimension_numbers = #tpu.dot_dimension_numbers<[1], [1], [0], [0], [0, 0, 1, 0], [], []>, transpose_lhs_hint = false} : vector<1x16xf32>, vector<512x16xf32>, vector<1x512xf32> -> vector<1x512xf32>
      %dot_general3A_76 = arith.constant dense<0.000000e+00> : vector<512x512xf32>
      %dot_general3A_77 = tpu.matmul %slice3A, %slice3A, %dot_general3A_76 {dimension_numbers = #tpu.dot_dimension_numbers<[1], [1], [0], [0], [0, 0, 1, 0], [], []>, transpose_lhs_hint = false} : vector<512x16xf32>, vector<512x16xf32>, vector<512x512xf32> -> vector<512x512xf32>
      %mul3A_78 = arith.constant 2.000000e+00 : f32
      %mul3A_79 = vector.broadcast %mul3A_78 : f32 to vector<512x512xf32>
      %mul3A_80 = arith.mulf %mul3A_79, %dot_general3A_77 : vector<512x512xf32>
      %sub3A = vector.broadcast %broadcast_in_dim3A_63 : vector<512x1xf32> to vector<512x512xf32>
      %sub3A_81 = arith.subf %mul3A_80, %sub3A : vector<512x512xf32>
      %sub3A_82 = vector.broadcast %dot_general3A_75 : vector<1x512xf32> to vector<512x512xf32>
      %sub3A_83 = arith.subf %sub3A_81, %sub3A_82 : vector<512x512xf32>
      %and3A = vector.broadcast %lt3A_66 : vector<1x512xi1> to vector<512x512xi1>
      %and3A_84 = vector.broadcast %lt3A_72 : vector<512x1xi1> to vector<512x512xi1>
      %and3A_85 = arith.andi %and3A, %and3A_84 : vector<512x512xi1>
      %jit3A_86 = arith.constant -1.000000e+30 : f32
      %broadcast_in_dim3A_87 = vector.broadcast %jit3A_86 : f32 to vector<512x512xf32>
      %select_n3A_88 = arith.select %and3A_85, %sub3A_83, %broadcast_in_dim3A_87 : vector<512x512xi1>, vector<512x512xf32>
      %exp3A = math.exp %select_n3A_88 : vector<512x512xf32>
      %reduce_sum3A_89 = vector.shape_cast %exp3A : vector<512x512xf32> to vector<1x512x512xf32>
      %reduce_sum3A_90 = arith.constant dense<0.000000e+00> : vector<1xf32>
      %reduce_sum3A_91 = vector.multi_reduction <add>, %reduce_sum3A_89, %reduce_sum3A_90 [1, 2] : vector<1x512x512xf32> to vector<1xf32>
      %reduce_sum3A_92 = vector.shape_cast %reduce_sum3A_91 : vector<1xf32> to vector<1x1x1xf32>
      %reduce_sum3A_93 = vector.extract %reduce_sum3A_92[0, 0, 0] : f32 from vector<1x1x1xf32>
      %slice3A_94 = vector.extract_strided_slice %get3A_6 {offsets = [0, 0], sizes = [2048, 16], strides = [1, 1]} : vector<4104x16xf32> to vector<2048x16xf32>
      %mul3A_95 = arith.mulf %slice3A_94, %slice3A_94 : vector<2048x16xf32>
      %reduce_sum3A_96 = arith.constant dense<0.000000e+00> : vector<2048xf32>
      %reduce_sum3A_97 = vector.multi_reduction <add>, %mul3A_95, %reduce_sum3A_96 [1] : vector<2048x16xf32> to vector<2048xf32>
      %broadcast_in_dim3A_98 = vector.shape_cast %reduce_sum3A_97 : vector<2048xf32> to vector<2048x1xf32>
      %dot_general3A_99 = arith.constant dense<0.000000e+00> : vector<2048x512xf32>
      %dot_general3A_100 = tpu.matmul %slice3A_94, %slice3A, %dot_general3A_99 {dimension_numbers = #tpu.dot_dimension_numbers<[1], [1], [0], [0], [0, 0, 1, 0], [], []>, transpose_lhs_hint = false} : vector<2048x16xf32>, vector<512x16xf32>, vector<2048x512xf32> -> vector<2048x512xf32>
      %mul3A_101 = arith.constant 2.000000e+00 : f32
      %mul3A_102 = vector.broadcast %mul3A_101 : f32 to vector<2048x512xf32>
      %mul3A_103 = arith.mulf %mul3A_102, %dot_general3A_100 : vector<2048x512xf32>
      %sub3A_104 = vector.broadcast %broadcast_in_dim3A_98 : vector<2048x1xf32> to vector<2048x512xf32>
      %sub3A_105 = arith.subf %mul3A_103, %sub3A_104 : vector<2048x512xf32>
      %sub3A_106 = vector.broadcast %dot_general3A_75 : vector<1x512xf32> to vector<2048x512xf32>
      %sub3A_107 = arith.subf %sub3A_105, %sub3A_106 : vector<2048x512xf32>
      %jit3A_108 = arith.constant -1.000000e+30 : f32
      %broadcast_in_dim3A_109 = vector.shape_cast %lt3A_66 : vector<1x512xi1> to vector<1x512xi1>
      %broadcast_in_dim3A_110 = vector.broadcast %broadcast_in_dim3A_109 : vector<1x512xi1> to vector<2048x512xi1>
      %broadcast_in_dim3A_111 = vector.broadcast %jit3A_108 : f32 to vector<2048x512xf32>
      %select_n3A_112 = arith.select %broadcast_in_dim3A_110, %sub3A_107, %broadcast_in_dim3A_111 : vector<2048x512xi1>, vector<2048x512xf32>
      %exp3A_113 = math.exp %select_n3A_112 : vector<2048x512xf32>
      %reduce_sum3A_114 = vector.shape_cast %exp3A_113 : vector<2048x512xf32> to vector<1x2048x512xf32>
      %reduce_sum3A_115 = arith.constant dense<0.000000e+00> : vector<1xf32>
      %reduce_sum3A_116 = vector.multi_reduction <add>, %reduce_sum3A_114, %reduce_sum3A_115 [1, 2] : vector<1x2048x512xf32> to vector<1xf32>
      %reduce_sum3A_117 = vector.shape_cast %reduce_sum3A_116 : vector<1xf32> to vector<1x1x1xf32>
      %reduce_sum3A_118 = vector.extract %reduce_sum3A_117[0, 0, 0] : f32 from vector<1x1x1xf32>
      %mul3A_119 = arith.constant 2.000000e+00 : f32
      %mul3A_120 = arith.mulf %mul3A_119, %reduce_sum3A_118 : f32
      %add3A_121 = arith.addf %reduce_sum3A_93, %mul3A_120 : f32
      %get3A_122 = arith.constant 0 : index
      %get3A_123 = arith.constant 0 : index
      %get3A_124 = arith.constant 0 : index
      %get3A_125 = vector.load %arg3[%get3A_122, %get3A_123, %get3A_124] : memref<1x1x1xf32, #tpu.memory_space<vmem>>, vector<1x1x1xf32>
      %broadcast_in_dim3A_126 = vector.broadcast %add3A_121 : f32 to vector<1x1x1xf32>
      %add3A_127 = arith.addf %get3A_125, %broadcast_in_dim3A_126 : vector<1x1x1xf32>
      %swap3A_128 = arith.constant 0 : index
      %swap3A_129 = arith.constant 0 : index
      %swap3A_130 = arith.constant 0 : index
      %swap3A_131 = vector.load %arg3[%swap3A_128, %swap3A_129, %swap3A_130] : memref<1x1x1xf32, #tpu.memory_space<vmem>>, vector<1x1x1xf32>
      tpu.vector_store %arg3[%swap3A_128, %swap3A_129, %swap3A_130], %add3A_127 {strides = array<i32>} : memref<1x1x1xf32, #tpu.memory_space<vmem>>, vector<1x1x1xf32>,
    } else {
    }
    %gt3A_34 = arith.constant 2560 : i32
    %gt3A_35 = arith.cmpi sgt, %get3A_1, %gt3A_34 : i32
    %convert_element_type3A_36 = arith.extui %gt3A_35 : i1 to i32
    %cond3A_37 = arith.constant 0 : i32
    %cond3A_38 = arith.cmpi ne, %convert_element_type3A_36, %cond3A_37 : i32
    scf.if %cond3A_38 {
      %slice3A = vector.extract_strided_slice %get3A_6 {offsets = [2560, 0], sizes = [512, 16], strides = [1, 1]} : vector<4104x16xf32> to vector<512x16xf32>
      %mul3A_61 = arith.mulf %slice3A, %slice3A : vector<512x16xf32>
      %reduce_sum3A = arith.constant dense<0.000000e+00> : vector<512xf32>
      %reduce_sum3A_62 = vector.multi_reduction <add>, %mul3A_61, %reduce_sum3A [1] : vector<512x16xf32> to vector<512xf32>
      %broadcast_in_dim3A_63 = vector.shape_cast %reduce_sum3A_62 : vector<512xf32> to vector<512x1xf32>
      %iota3A = tpu.iota {dimensions = array<i32: 1>} : vector<1x512xi32>
      %add3A = arith.constant 2560 : i32
      %add3A_64 = vector.broadcast %add3A : i32 to vector<1x512xi32>
      %add3A_65 = arith.addi %add3A_64, %iota3A : vector<1x512xi32>
      %lt3A = vector.broadcast %get3A_1 : i32 to vector<1x512xi32>
      %lt3A_66 = arith.cmpi slt, %add3A_65, %lt3A : vector<1x512xi32>
      %iota3A_67 = tpu.iota {dimensions = array<i32: 0>} : vector<512x1xi32>
      %add3A_68 = arith.constant 2560 : i32
      %add3A_69 = vector.broadcast %add3A_68 : i32 to vector<512x1xi32>
      %add3A_70 = arith.addi %add3A_69, %iota3A_67 : vector<512x1xi32>
      %lt3A_71 = vector.broadcast %get3A_1 : i32 to vector<512x1xi32>
      %lt3A_72 = arith.cmpi slt, %add3A_70, %lt3A_71 : vector<512x1xi32>
      %broadcast_in_dim3A_73 = arith.constant 1.000000e+00 : f32
      %broadcast_in_dim3A_74 = vector.broadcast %broadcast_in_dim3A_73 : f32 to vector<1x16xf32>
      %dot_general3A = arith.constant dense<0.000000e+00> : vector<1x512xf32>
      %dot_general3A_75 = tpu.matmul %broadcast_in_dim3A_74, %mul3A_61, %dot_general3A {dimension_numbers = #tpu.dot_dimension_numbers<[1], [1], [0], [0], [0, 0, 1, 0], [], []>, transpose_lhs_hint = false} : vector<1x16xf32>, vector<512x16xf32>, vector<1x512xf32> -> vector<1x512xf32>
      %dot_general3A_76 = arith.constant dense<0.000000e+00> : vector<512x512xf32>
      %dot_general3A_77 = tpu.matmul %slice3A, %slice3A, %dot_general3A_76 {dimension_numbers = #tpu.dot_dimension_numbers<[1], [1], [0], [0], [0, 0, 1, 0], [], []>, transpose_lhs_hint = false} : vector<512x16xf32>, vector<512x16xf32>, vector<512x512xf32> -> vector<512x512xf32>
      %mul3A_78 = arith.constant 2.000000e+00 : f32
      %mul3A_79 = vector.broadcast %mul3A_78 : f32 to vector<512x512xf32>
      %mul3A_80 = arith.mulf %mul3A_79, %dot_general3A_77 : vector<512x512xf32>
      %sub3A = vector.broadcast %broadcast_in_dim3A_63 : vector<512x1xf32> to vector<512x512xf32>
      %sub3A_81 = arith.subf %mul3A_80, %sub3A : vector<512x512xf32>
      %sub3A_82 = vector.broadcast %dot_general3A_75 : vector<1x512xf32> to vector<512x512xf32>
      %sub3A_83 = arith.subf %sub3A_81, %sub3A_82 : vector<512x512xf32>
      %and3A = vector.broadcast %lt3A_66 : vector<1x512xi1> to vector<512x512xi1>
      %and3A_84 = vector.broadcast %lt3A_72 : vector<512x1xi1> to vector<512x512xi1>
      %and3A_85 = arith.andi %and3A, %and3A_84 : vector<512x512xi1>
      %jit3A_86 = arith.constant -1.000000e+30 : f32
      %broadcast_in_dim3A_87 = vector.broadcast %jit3A_86 : f32 to vector<512x512xf32>
      %select_n3A_88 = arith.select %and3A_85, %sub3A_83, %broadcast_in_dim3A_87 : vector<512x512xi1>, vector<512x512xf32>
      %exp3A = math.exp %select_n3A_88 : vector<512x512xf32>
      %reduce_sum3A_89 = vector.shape_cast %exp3A : vector<512x512xf32> to vector<1x512x512xf32>
      %reduce_sum3A_90 = arith.constant dense<0.000000e+00> : vector<1xf32>
      %reduce_sum3A_91 = vector.multi_reduction <add>, %reduce_sum3A_89, %reduce_sum3A_90 [1, 2] : vector<1x512x512xf32> to vector<1xf32>
      %reduce_sum3A_92 = vector.shape_cast %reduce_sum3A_91 : vector<1xf32> to vector<1x1x1xf32>
      %reduce_sum3A_93 = vector.extract %reduce_sum3A_92[0, 0, 0] : f32 from vector<1x1x1xf32>
      %slice3A_94 = vector.extract_strided_slice %get3A_6 {offsets = [0, 0], sizes = [2560, 16], strides = [1, 1]} : vector<4104x16xf32> to vector<2560x16xf32>
      %mul3A_95 = arith.mulf %slice3A_94, %slice3A_94 : vector<2560x16xf32>
      %reduce_sum3A_96 = arith.constant dense<0.000000e+00> : vector<2560xf32>
      %reduce_sum3A_97 = vector.multi_reduction <add>, %mul3A_95, %reduce_sum3A_96 [1] : vector<2560x16xf32> to vector<2560xf32>
      %broadcast_in_dim3A_98 = vector.shape_cast %reduce_sum3A_97 : vector<2560xf32> to vector<2560x1xf32>
      %dot_general3A_99 = arith.constant dense<0.000000e+00> : vector<2560x512xf32>
      %dot_general3A_100 = tpu.matmul %slice3A_94, %slice3A, %dot_general3A_99 {dimension_numbers = #tpu.dot_dimension_numbers<[1], [1], [0], [0], [0, 0, 1, 0], [], []>, transpose_lhs_hint = false} : vector<2560x16xf32>, vector<512x16xf32>, vector<2560x512xf32> -> vector<2560x512xf32>
      %mul3A_101 = arith.constant 2.000000e+00 : f32
      %mul3A_102 = vector.broadcast %mul3A_101 : f32 to vector<2560x512xf32>
      %mul3A_103 = arith.mulf %mul3A_102, %dot_general3A_100 : vector<2560x512xf32>
      %sub3A_104 = vector.broadcast %broadcast_in_dim3A_98 : vector<2560x1xf32> to vector<2560x512xf32>
      %sub3A_105 = arith.subf %mul3A_103, %sub3A_104 : vector<2560x512xf32>
      %sub3A_106 = vector.broadcast %dot_general3A_75 : vector<1x512xf32> to vector<2560x512xf32>
      %sub3A_107 = arith.subf %sub3A_105, %sub3A_106 : vector<2560x512xf32>
      %jit3A_108 = arith.constant -1.000000e+30 : f32
      %broadcast_in_dim3A_109 = vector.shape_cast %lt3A_66 : vector<1x512xi1> to vector<1x512xi1>
      %broadcast_in_dim3A_110 = vector.broadcast %broadcast_in_dim3A_109 : vector<1x512xi1> to vector<2560x512xi1>
      %broadcast_in_dim3A_111 = vector.broadcast %jit3A_108 : f32 to vector<2560x512xf32>
      %select_n3A_112 = arith.select %broadcast_in_dim3A_110, %sub3A_107, %broadcast_in_dim3A_111 : vector<2560x512xi1>, vector<2560x512xf32>
      %exp3A_113 = math.exp %select_n3A_112 : vector<2560x512xf32>
      %reduce_sum3A_114 = vector.shape_cast %exp3A_113 : vector<2560x512xf32> to vector<1x2560x512xf32>
      %reduce_sum3A_115 = arith.constant dense<0.000000e+00> : vector<1xf32>
      %reduce_sum3A_116 = vector.multi_reduction <add>, %reduce_sum3A_114, %reduce_sum3A_115 [1, 2] : vector<1x2560x512xf32> to vector<1xf32>
      %reduce_sum3A_117 = vector.shape_cast %reduce_sum3A_116 : vector<1xf32> to vector<1x1x1xf32>
      %reduce_sum3A_118 = vector.extract %reduce_sum3A_117[0, 0, 0] : f32 from vector<1x1x1xf32>
      %mul3A_119 = arith.constant 2.000000e+00 : f32
      %mul3A_120 = arith.mulf %mul3A_119, %reduce_sum3A_118 : f32
      %add3A_121 = arith.addf %reduce_sum3A_93, %mul3A_120 : f32
      %get3A_122 = arith.constant 0 : index
      %get3A_123 = arith.constant 0 : index
      %get3A_124 = arith.constant 0 : index
      %get3A_125 = vector.load %arg3[%get3A_122, %get3A_123, %get3A_124] : memref<1x1x1xf32, #tpu.memory_space<vmem>>, vector<1x1x1xf32>
      %broadcast_in_dim3A_126 = vector.broadcast %add3A_121 : f32 to vector<1x1x1xf32>
      %add3A_127 = arith.addf %get3A_125, %broadcast_in_dim3A_126 : vector<1x1x1xf32>
      %swap3A_128 = arith.constant 0 : index
      %swap3A_129 = arith.constant 0 : index
      %swap3A_130 = arith.constant 0 : index
      %swap3A_131 = vector.load %arg3[%swap3A_128, %swap3A_129, %swap3A_130] : memref<1x1x1xf32, #tpu.memory_space<vmem>>, vector<1x1x1xf32>
      tpu.vector_store %arg3[%swap3A_128, %swap3A_129, %swap3A_130], %add3A_127 {strides = array<i32>} : memref<1x1x1xf32, #tpu.memory_space<vmem>>, vector<1x1x1xf32>,
    } else {
    }
    %gt3A_39 = arith.constant 3072 : i32
    %gt3A_40 = arith.cmpi sgt, %get3A_1, %gt3A_39 : i32
    %convert_element_type3A_41 = arith.extui %gt3A_40 : i1 to i32
    %cond3A_42 = arith.constant 0 : i32
    %cond3A_43 = arith.cmpi ne, %convert_element_type3A_41, %cond3A_42 : i32
    scf.if %cond3A_43 {
      %slice3A = vector.extract_strided_slice %get3A_6 {offsets = [3072, 0], sizes = [512, 16], strides = [1, 1]} : vector<4104x16xf32> to vector<512x16xf32>
      %mul3A_61 = arith.mulf %slice3A, %slice3A : vector<512x16xf32>
      %reduce_sum3A = arith.constant dense<0.000000e+00> : vector<512xf32>
      %reduce_sum3A_62 = vector.multi_reduction <add>, %mul3A_61, %reduce_sum3A [1] : vector<512x16xf32> to vector<512xf32>
      %broadcast_in_dim3A_63 = vector.shape_cast %reduce_sum3A_62 : vector<512xf32> to vector<512x1xf32>
      %iota3A = tpu.iota {dimensions = array<i32: 1>} : vector<1x512xi32>
      %add3A = arith.constant 3072 : i32
      %add3A_64 = vector.broadcast %add3A : i32 to vector<1x512xi32>
      %add3A_65 = arith.addi %add3A_64, %iota3A : vector<1x512xi32>
      %lt3A = vector.broadcast %get3A_1 : i32 to vector<1x512xi32>
      %lt3A_66 = arith.cmpi slt, %add3A_65, %lt3A : vector<1x512xi32>
      %iota3A_67 = tpu.iota {dimensions = array<i32: 0>} : vector<512x1xi32>
      %add3A_68 = arith.constant 3072 : i32
      %add3A_69 = vector.broadcast %add3A_68 : i32 to vector<512x1xi32>
      %add3A_70 = arith.addi %add3A_69, %iota3A_67 : vector<512x1xi32>
      %lt3A_71 = vector.broadcast %get3A_1 : i32 to vector<512x1xi32>
      %lt3A_72 = arith.cmpi slt, %add3A_70, %lt3A_71 : vector<512x1xi32>
      %broadcast_in_dim3A_73 = arith.constant 1.000000e+00 : f32
      %broadcast_in_dim3A_74 = vector.broadcast %broadcast_in_dim3A_73 : f32 to vector<1x16xf32>
      %dot_general3A = arith.constant dense<0.000000e+00> : vector<1x512xf32>
      %dot_general3A_75 = tpu.matmul %broadcast_in_dim3A_74, %mul3A_61, %dot_general3A {dimension_numbers = #tpu.dot_dimension_numbers<[1], [1], [0], [0], [0, 0, 1, 0], [], []>, transpose_lhs_hint = false} : vector<1x16xf32>, vector<512x16xf32>, vector<1x512xf32> -> vector<1x512xf32>
      %dot_general3A_76 = arith.constant dense<0.000000e+00> : vector<512x512xf32>
      %dot_general3A_77 = tpu.matmul %slice3A, %slice3A, %dot_general3A_76 {dimension_numbers = #tpu.dot_dimension_numbers<[1], [1], [0], [0], [0, 0, 1, 0], [], []>, transpose_lhs_hint = false} : vector<512x16xf32>, vector<512x16xf32>, vector<512x512xf32> -> vector<512x512xf32>
      %mul3A_78 = arith.constant 2.000000e+00 : f32
      %mul3A_79 = vector.broadcast %mul3A_78 : f32 to vector<512x512xf32>
      %mul3A_80 = arith.mulf %mul3A_79, %dot_general3A_77 : vector<512x512xf32>
      %sub3A = vector.broadcast %broadcast_in_dim3A_63 : vector<512x1xf32> to vector<512x512xf32>
      %sub3A_81 = arith.subf %mul3A_80, %sub3A : vector<512x512xf32>
      %sub3A_82 = vector.broadcast %dot_general3A_75 : vector<1x512xf32> to vector<512x512xf32>
      %sub3A_83 = arith.subf %sub3A_81, %sub3A_82 : vector<512x512xf32>
      %and3A = vector.broadcast %lt3A_66 : vector<1x512xi1> to vector<512x512xi1>
      %and3A_84 = vector.broadcast %lt3A_72 : vector<512x1xi1> to vector<512x512xi1>
      %and3A_85 = arith.andi %and3A, %and3A_84 : vector<512x512xi1>
      %jit3A_86 = arith.constant -1.000000e+30 : f32
      %broadcast_in_dim3A_87 = vector.broadcast %jit3A_86 : f32 to vector<512x512xf32>
      %select_n3A_88 = arith.select %and3A_85, %sub3A_83, %broadcast_in_dim3A_87 : vector<512x512xi1>, vector<512x512xf32>
      %exp3A = math.exp %select_n3A_88 : vector<512x512xf32>
      %reduce_sum3A_89 = vector.shape_cast %exp3A : vector<512x512xf32> to vector<1x512x512xf32>
      %reduce_sum3A_90 = arith.constant dense<0.000000e+00> : vector<1xf32>
      %reduce_sum3A_91 = vector.multi_reduction <add>, %reduce_sum3A_89, %reduce_sum3A_90 [1, 2] : vector<1x512x512xf32> to vector<1xf32>
      %reduce_sum3A_92 = vector.shape_cast %reduce_sum3A_91 : vector<1xf32> to vector<1x1x1xf32>
      %reduce_sum3A_93 = vector.extract %reduce_sum3A_92[0, 0, 0] : f32 from vector<1x1x1xf32>
      %slice3A_94 = vector.extract_strided_slice %get3A_6 {offsets = [0, 0], sizes = [3072, 16], strides = [1, 1]} : vector<4104x16xf32> to vector<3072x16xf32>
      %mul3A_95 = arith.mulf %slice3A_94, %slice3A_94 : vector<3072x16xf32>
      %reduce_sum3A_96 = arith.constant dense<0.000000e+00> : vector<3072xf32>
      %reduce_sum3A_97 = vector.multi_reduction <add>, %mul3A_95, %reduce_sum3A_96 [1] : vector<3072x16xf32> to vector<3072xf32>
      %broadcast_in_dim3A_98 = vector.shape_cast %reduce_sum3A_97 : vector<3072xf32> to vector<3072x1xf32>
      %dot_general3A_99 = arith.constant dense<0.000000e+00> : vector<3072x512xf32>
      %dot_general3A_100 = tpu.matmul %slice3A_94, %slice3A, %dot_general3A_99 {dimension_numbers = #tpu.dot_dimension_numbers<[1], [1], [0], [0], [0, 0, 1, 0], [], []>, transpose_lhs_hint = false} : vector<3072x16xf32>, vector<512x16xf32>, vector<3072x512xf32> -> vector<3072x512xf32>
      %mul3A_101 = arith.constant 2.000000e+00 : f32
      %mul3A_102 = vector.broadcast %mul3A_101 : f32 to vector<3072x512xf32>
      %mul3A_103 = arith.mulf %mul3A_102, %dot_general3A_100 : vector<3072x512xf32>
      %sub3A_104 = vector.broadcast %broadcast_in_dim3A_98 : vector<3072x1xf32> to vector<3072x512xf32>
      %sub3A_105 = arith.subf %mul3A_103, %sub3A_104 : vector<3072x512xf32>
      %sub3A_106 = vector.broadcast %dot_general3A_75 : vector<1x512xf32> to vector<3072x512xf32>
      %sub3A_107 = arith.subf %sub3A_105, %sub3A_106 : vector<3072x512xf32>
      %jit3A_108 = arith.constant -1.000000e+30 : f32
      %broadcast_in_dim3A_109 = vector.shape_cast %lt3A_66 : vector<1x512xi1> to vector<1x512xi1>
      %broadcast_in_dim3A_110 = vector.broadcast %broadcast_in_dim3A_109 : vector<1x512xi1> to vector<3072x512xi1>
      %broadcast_in_dim3A_111 = vector.broadcast %jit3A_108 : f32 to vector<3072x512xf32>
      %select_n3A_112 = arith.select %broadcast_in_dim3A_110, %sub3A_107, %broadcast_in_dim3A_111 : vector<3072x512xi1>, vector<3072x512xf32>
      %exp3A_113 = math.exp %select_n3A_112 : vector<3072x512xf32>
      %reduce_sum3A_114 = vector.shape_cast %exp3A_113 : vector<3072x512xf32> to vector<1x3072x512xf32>
      %reduce_sum3A_115 = arith.constant dense<0.000000e+00> : vector<1xf32>
      %reduce_sum3A_116 = vector.multi_reduction <add>, %reduce_sum3A_114, %reduce_sum3A_115 [1, 2] : vector<1x3072x512xf32> to vector<1xf32>
      %reduce_sum3A_117 = vector.shape_cast %reduce_sum3A_116 : vector<1xf32> to vector<1x1x1xf32>
      %reduce_sum3A_118 = vector.extract %reduce_sum3A_117[0, 0, 0] : f32 from vector<1x1x1xf32>
      %mul3A_119 = arith.constant 2.000000e+00 : f32
      %mul3A_120 = arith.mulf %mul3A_119, %reduce_sum3A_118 : f32
      %add3A_121 = arith.addf %reduce_sum3A_93, %mul3A_120 : f32
      %get3A_122 = arith.constant 0 : index
      %get3A_123 = arith.constant 0 : index
      %get3A_124 = arith.constant 0 : index
      %get3A_125 = vector.load %arg3[%get3A_122, %get3A_123, %get3A_124] : memref<1x1x1xf32, #tpu.memory_space<vmem>>, vector<1x1x1xf32>
      %broadcast_in_dim3A_126 = vector.broadcast %add3A_121 : f32 to vector<1x1x1xf32>
      %add3A_127 = arith.addf %get3A_125, %broadcast_in_dim3A_126 : vector<1x1x1xf32>
      %swap3A_128 = arith.constant 0 : index
      %swap3A_129 = arith.constant 0 : index
      %swap3A_130 = arith.constant 0 : index
      %swap3A_131 = vector.load %arg3[%swap3A_128, %swap3A_129, %swap3A_130] : memref<1x1x1xf32, #tpu.memory_space<vmem>>, vector<1x1x1xf32>
      tpu.vector_store %arg3[%swap3A_128, %swap3A_129, %swap3A_130], %add3A_127 {strides = array<i32>} : memref<1x1x1xf32, #tpu.memory_space<vmem>>, vector<1x1x1xf32>,
    } else {
    }
    %gt3A_44 = arith.constant 3584 : i32
    %gt3A_45 = arith.cmpi sgt, %get3A_1, %gt3A_44 : i32
    %convert_element_type3A_46 = arith.extui %gt3A_45 : i1 to i32
    %cond3A_47 = arith.constant 0 : i32
    %cond3A_48 = arith.cmpi ne, %convert_element_type3A_46, %cond3A_47 : i32
    scf.if %cond3A_48 {
      %slice3A = vector.extract_strided_slice %get3A_6 {offsets = [3584, 0], sizes = [512, 16], strides = [1, 1]} : vector<4104x16xf32> to vector<512x16xf32>
      %mul3A_61 = arith.mulf %slice3A, %slice3A : vector<512x16xf32>
      %reduce_sum3A = arith.constant dense<0.000000e+00> : vector<512xf32>
      %reduce_sum3A_62 = vector.multi_reduction <add>, %mul3A_61, %reduce_sum3A [1] : vector<512x16xf32> to vector<512xf32>
      %broadcast_in_dim3A_63 = vector.shape_cast %reduce_sum3A_62 : vector<512xf32> to vector<512x1xf32>
      %iota3A = tpu.iota {dimensions = array<i32: 1>} : vector<1x512xi32>
      %add3A = arith.constant 3584 : i32
      %add3A_64 = vector.broadcast %add3A : i32 to vector<1x512xi32>
      %add3A_65 = arith.addi %add3A_64, %iota3A : vector<1x512xi32>
      %lt3A = vector.broadcast %get3A_1 : i32 to vector<1x512xi32>
      %lt3A_66 = arith.cmpi slt, %add3A_65, %lt3A : vector<1x512xi32>
      %iota3A_67 = tpu.iota {dimensions = array<i32: 0>} : vector<512x1xi32>
      %add3A_68 = arith.constant 3584 : i32
      %add3A_69 = vector.broadcast %add3A_68 : i32 to vector<512x1xi32>
      %add3A_70 = arith.addi %add3A_69, %iota3A_67 : vector<512x1xi32>
      %lt3A_71 = vector.broadcast %get3A_1 : i32 to vector<512x1xi32>
      %lt3A_72 = arith.cmpi slt, %add3A_70, %lt3A_71 : vector<512x1xi32>
      %broadcast_in_dim3A_73 = arith.constant 1.000000e+00 : f32
      %broadcast_in_dim3A_74 = vector.broadcast %broadcast_in_dim3A_73 : f32 to vector<1x16xf32>
      %dot_general3A = arith.constant dense<0.000000e+00> : vector<1x512xf32>
      %dot_general3A_75 = tpu.matmul %broadcast_in_dim3A_74, %mul3A_61, %dot_general3A {dimension_numbers = #tpu.dot_dimension_numbers<[1], [1], [0], [0], [0, 0, 1, 0], [], []>, transpose_lhs_hint = false} : vector<1x16xf32>, vector<512x16xf32>, vector<1x512xf32> -> vector<1x512xf32>
      %dot_general3A_76 = arith.constant dense<0.000000e+00> : vector<512x512xf32>
      %dot_general3A_77 = tpu.matmul %slice3A, %slice3A, %dot_general3A_76 {dimension_numbers = #tpu.dot_dimension_numbers<[1], [1], [0], [0], [0, 0, 1, 0], [], []>, transpose_lhs_hint = false} : vector<512x16xf32>, vector<512x16xf32>, vector<512x512xf32> -> vector<512x512xf32>
      %mul3A_78 = arith.constant 2.000000e+00 : f32
      %mul3A_79 = vector.broadcast %mul3A_78 : f32 to vector<512x512xf32>
      %mul3A_80 = arith.mulf %mul3A_79, %dot_general3A_77 : vector<512x512xf32>
      %sub3A = vector.broadcast %broadcast_in_dim3A_63 : vector<512x1xf32> to vector<512x512xf32>
      %sub3A_81 = arith.subf %mul3A_80, %sub3A : vector<512x512xf32>
      %sub3A_82 = vector.broadcast %dot_general3A_75 : vector<1x512xf32> to vector<512x512xf32>
      %sub3A_83 = arith.subf %sub3A_81, %sub3A_82 : vector<512x512xf32>
      %and3A = vector.broadcast %lt3A_66 : vector<1x512xi1> to vector<512x512xi1>
      %and3A_84 = vector.broadcast %lt3A_72 : vector<512x1xi1> to vector<512x512xi1>
      %and3A_85 = arith.andi %and3A, %and3A_84 : vector<512x512xi1>
      %jit3A_86 = arith.constant -1.000000e+30 : f32
      %broadcast_in_dim3A_87 = vector.broadcast %jit3A_86 : f32 to vector<512x512xf32>
      %select_n3A_88 = arith.select %and3A_85, %sub3A_83, %broadcast_in_dim3A_87 : vector<512x512xi1>, vector<512x512xf32>
      %exp3A = math.exp %select_n3A_88 : vector<512x512xf32>
      %reduce_sum3A_89 = vector.shape_cast %exp3A : vector<512x512xf32> to vector<1x512x512xf32>
      %reduce_sum3A_90 = arith.constant dense<0.000000e+00> : vector<1xf32>
      %reduce_sum3A_91 = vector.multi_reduction <add>, %reduce_sum3A_89, %reduce_sum3A_90 [1, 2] : vector<1x512x512xf32> to vector<1xf32>
      %reduce_sum3A_92 = vector.shape_cast %reduce_sum3A_91 : vector<1xf32> to vector<1x1x1xf32>
      %reduce_sum3A_93 = vector.extract %reduce_sum3A_92[0, 0, 0] : f32 from vector<1x1x1xf32>
      %slice3A_94 = vector.extract_strided_slice %get3A_6 {offsets = [0, 0], sizes = [3584, 16], strides = [1, 1]} : vector<4104x16xf32> to vector<3584x16xf32>
      %mul3A_95 = arith.mulf %slice3A_94, %slice3A_94 : vector<3584x16xf32>
      %reduce_sum3A_96 = arith.constant dense<0.000000e+00> : vector<3584xf32>
      %reduce_sum3A_97 = vector.multi_reduction <add>, %mul3A_95, %reduce_sum3A_96 [1] : vector<3584x16xf32> to vector<3584xf32>
      %broadcast_in_dim3A_98 = vector.shape_cast %reduce_sum3A_97 : vector<3584xf32> to vector<3584x1xf32>
      %dot_general3A_99 = arith.constant dense<0.000000e+00> : vector<3584x512xf32>
      %dot_general3A_100 = tpu.matmul %slice3A_94, %slice3A, %dot_general3A_99 {dimension_numbers = #tpu.dot_dimension_numbers<[1], [1], [0], [0], [0, 0, 1, 0], [], []>, transpose_lhs_hint = false} : vector<3584x16xf32>, vector<512x16xf32>, vector<3584x512xf32> -> vector<3584x512xf32>
      %mul3A_101 = arith.constant 2.000000e+00 : f32
      %mul3A_102 = vector.broadcast %mul3A_101 : f32 to vector<3584x512xf32>
      %mul3A_103 = arith.mulf %mul3A_102, %dot_general3A_100 : vector<3584x512xf32>
      %sub3A_104 = vector.broadcast %broadcast_in_dim3A_98 : vector<3584x1xf32> to vector<3584x512xf32>
      %sub3A_105 = arith.subf %mul3A_103, %sub3A_104 : vector<3584x512xf32>
      %sub3A_106 = vector.broadcast %dot_general3A_75 : vector<1x512xf32> to vector<3584x512xf32>
      %sub3A_107 = arith.subf %sub3A_105, %sub3A_106 : vector<3584x512xf32>
      %jit3A_108 = arith.constant -1.000000e+30 : f32
      %broadcast_in_dim3A_109 = vector.shape_cast %lt3A_66 : vector<1x512xi1> to vector<1x512xi1>
      %broadcast_in_dim3A_110 = vector.broadcast %broadcast_in_dim3A_109 : vector<1x512xi1> to vector<3584x512xi1>
      %broadcast_in_dim3A_111 = vector.broadcast %jit3A_108 : f32 to vector<3584x512xf32>
      %select_n3A_112 = arith.select %broadcast_in_dim3A_110, %sub3A_107, %broadcast_in_dim3A_111 : vector<3584x512xi1>, vector<3584x512xf32>
      %exp3A_113 = math.exp %select_n3A_112 : vector<3584x512xf32>
      %reduce_sum3A_114 = vector.shape_cast %exp3A_113 : vector<3584x512xf32> to vector<1x3584x512xf32>
      %reduce_sum3A_115 = arith.constant dense<0.000000e+00> : vector<1xf32>
      %reduce_sum3A_116 = vector.multi_reduction <add>, %reduce_sum3A_114, %reduce_sum3A_115 [1, 2] : vector<1x3584x512xf32> to vector<1xf32>
      %reduce_sum3A_117 = vector.shape_cast %reduce_sum3A_116 : vector<1xf32> to vector<1x1x1xf32>
      %reduce_sum3A_118 = vector.extract %reduce_sum3A_117[0, 0, 0] : f32 from vector<1x1x1xf32>
      %mul3A_119 = arith.constant 2.000000e+00 : f32
      %mul3A_120 = arith.mulf %mul3A_119, %reduce_sum3A_118 : f32
      %add3A_121 = arith.addf %reduce_sum3A_93, %mul3A_120 : f32
      %get3A_122 = arith.constant 0 : index
      %get3A_123 = arith.constant 0 : index
      %get3A_124 = arith.constant 0 : index
      %get3A_125 = vector.load %arg3[%get3A_122, %get3A_123, %get3A_124] : memref<1x1x1xf32, #tpu.memory_space<vmem>>, vector<1x1x1xf32>
      %broadcast_in_dim3A_126 = vector.broadcast %add3A_121 : f32 to vector<1x1x1xf32>
      %add3A_127 = arith.addf %get3A_125, %broadcast_in_dim3A_126 : vector<1x1x1xf32>
      %swap3A_128 = arith.constant 0 : index
      %swap3A_129 = arith.constant 0 : index
      %swap3A_130 = arith.constant 0 : index
      %swap3A_131 = vector.load %arg3[%swap3A_128, %swap3A_129, %swap3A_130] : memref<1x1x1xf32, #tpu.memory_space<vmem>>, vector<1x1x1xf32>
      tpu.vector_store %arg3[%swap3A_128, %swap3A_129, %swap3A_130], %add3A_127 {strides = array<i32>} : memref<1x1x1xf32, #tpu.memory_space<vmem>>, vector<1x1x1xf32>,
    } else {
    }
    %get3A_49 = arith.constant 0 : index
    %get3A_50 = arith.constant 0 : index
    %get3A_51 = arith.constant 0 : index
    %get3A_52 = vector.load %arg3[%get3A_49, %get3A_50, %get3A_51] : memref<1x1x1xf32, #tpu.memory_space<vmem>>, vector<1x1x1xf32>
    %squeeze3A = vector.extract %get3A_52[0, 0, 0] : f32 from vector<1x1x1xf32>
    %mul3A = arith.mulf %convert_element_type3A, %convert_element_type3A : f32
    %max3A = arith.constant 1.000000e+00 : f32
    %max3A_53 = arith.maximumf %mul3A, %max3A : f32
    %div3A = arith.divf %squeeze3A, %max3A_53 : f32
    %gt3A_54 = arith.constant 1.000000e+00 : f32
    %gt3A_55 = arith.cmpf ogt, %convert_element_type3A, %gt3A_54 : f32
    %jit3A = arith.constant 0.000000e+00 : f32
    %select_n3A = arith.select %gt3A_55, %div3A, %jit3A : f32
    %broadcast_in_dim3A_56 = vector.broadcast %select_n3A : f32 to vector<1x1x1xf32>
    %swap3A_57 = arith.constant 0 : index
    %swap3A_58 = arith.constant 0 : index
    %swap3A_59 = arith.constant 0 : index
    %swap3A_60 = vector.load %arg3[%swap3A_57, %swap3A_58, %swap3A_59] : memref<1x1x1xf32, #tpu.memory_space<vmem>>, vector<1x1x1xf32>
    tpu.vector_store %arg3[%swap3A_57, %swap3A_58, %swap3A_59], %broadcast_in_dim3A_56 {strides = array<i32>} : memref<1x1x1xf32, #tpu.memory_space<vmem>>, vector<1x1x1xf32>,
    return
  }
  func.func @transform_0(%arg0: i32) -> (i32, i32, i32) {
    %c0_i32 = arith.constant 0 : i32
    %c0_i32_0 = arith.constant 0 : i32
    %c0_i32_1 = arith.constant 0 : i32
    return %arg0, %c0_i32, %c0_i32_0 : i32, i32, i32
  }
  func.func @transform_1(%arg0: i32) -> (i32, i32) {
    %c0_i32 = arith.constant 0 : i32
    %c0_i32_0 = arith.constant 0 : i32
    %c0_i32_1 = arith.constant 0 : i32
    return %c0_i32, %c0_i32_0 : i32, i32
  }
  func.func @transform_2(%arg0: i32) -> (i32, i32, i32) {
    %c0_i32 = arith.constant 0 : i32
    %c0_i32_0 = arith.constant 0 : i32
    %c0_i32_1 = arith.constant 0 : i32
    return %arg0, %c0_i32, %c0_i32_0 : i32, i32, i32
  }
}

</mosaic_0001>

<sc_bundles>
// kernel: kernel.5.cloned.1.call-start
scs
__scs_entry_jumppad:
0x0: {  	(pc) =	sbr.rel $0x88, $3  }
0x1: {  	(tag) =	ssettag $0x0;
	lr =	simm.s32 $0x1  }
0x2: {  	[smem:$0x3F9D] =	sst lr;
	_ =	strace $0xD0000000  }
0x3: {  	_ = 	snop  }
0x4: {  	_ = 	snop  }
0x5: {  	_ = 	snop  }
0x6: {  	_ = 	snop  }
0x7: {  	_ = 	snop  }
__scs_overlays_trampoline_lowered:
0x8: {  	[smem:$0x3FAC] =	sst s0  }
0x9: {  	[smem:$0x3FAD] =	sst s1  }
0xa: {  	[smem:$0x3FAE] =	sst s2  }
0xb: {  	[smem:$0x3FAF] =	sst s3  }
0xc: {  	[smem:$0x3FB0] =	sst s4  }
0xd: {  	[smem:$0x3FB1] =	sst s5  }
0xe: {  	[smem:$0x3FB2] =	sst s6  }
0xf: {  	[smem:$0x3FB3] =	sst s7  }
0x10: {  	[smem:$0x3FB4] =	sst s8  }
0x11: {  	[smem:$0x3FB5] =	sst s9;
	s0 =	simm.s32 @!p0 $0x0  }
0x12: {  	s1 =	sld [smem:$0x3F9B];
	s0 =	simm.s32 @p0 $0x1  }
0x13: {  	[smem:$0x3FB6] =	sst s0;
	s0 =	simm.s32 @!p1 $0x0  }
0x14: {  	s2 =	sld [smem:$0x3F9A];
	s0 =	simm.s32 @p1 $0x1  }
0x15: {  	[smem:$0x3FB7] =	sst s0;
	s0 =	simm.s32 @!p2 $0x0  }
0x16: {  	s3 =	sld [smem:$0x3FDB];
	s0 =	simm.s32 @p2 $0x1  }
0x17: {  	s4 =	simm.s32 $0x1BF5;
	[smem:$0x3FB9] =	sst s0  }
0x18: {  	s0 =	sld [smem:$0x3F9C];
	_ =	swait.ge [sflag:s4], $0x0  }
0x19: {  	s7 =	sld [smem:$0x3F9D]  }
0x1a: {  	s8 =	sadd.s32 $0xFFFFE003, lr  }
0x1b: {  	s9 =	sadd.s32 $0xFFFFFEF7, lr;
	s5 =	simm.s32 $0xFFFFFFFF;
	p2 =	slt.u32 s8, $0xFFFFF086  }
0x1c: {  	p1 =	slt.u32 s9, $0xF7A;
	s5 =	simm.s32 @!p2 $0x0  }
0x1d: {  	s5 =	simm.s32 @p1 $0x1;
	p0 =	seq.s32 s7, s2  }
0x1e: {  	s7 =	smul.u32 @!p0 $0xF7A, s2;
	p2 =	seq.s32 @!p0 s5, $0x0  }
0x1f: {  	s9 =	smul.u32 $0xF7A, s1;
	s8 =	simm.s32 @!p0 $0x1BF5;
	p2 =	por !p2, p0  }
0x20: {  	[sflag:s8] =	ssyncset.s32 @!p0 $0xFFFFF086;
	s6 =	sadd.s32 @!p0 s3, s7;
	s7 =	simm.s32 @!p0 $0x108  }
0x21: {  	s3 =	sadd.s32 s3, s9;
	s6 =	sadd.s32 @!p0 $0x88, s6;
	s7 =	simm.s32 @p2 $0x1082  }
0x22: {  	[simem:s7], [sflag:s8] =	dma.local @!p0 [hbm:s6], $0xF7A  }
0x23: {  	s9 =	sor.u32 $0xD0000000, s2;
	s6 =	simm.s32 $0x108;
	_ =	swait.ge @!p0 [sflag:s8], $0x0  }
0x24: {  	s3 =	sadd.s32 $0x88, s3;
	s6 =	simm.s32 @!p1 $0x1082;
	[sflag:s4] =	ssyncset.s32 $0xFFFFF086  }
0x25: {  	[simem:s6], [sflag:s4] =	dma.local [hbm:s3], $0xF7A  }
0x26: {  	[smem:$0x3F9D] =	sst s1;
	(tag) =	ssettag s2;
	_ =	strace s9  }
0x27: {  	s1 =	sld [smem:$0x3FAD]  }
0x28: {  	s2 =	sld [smem:$0x3FAE]  }
0x29: {  	s4 =	sld [smem:$0x3FB0]  }
0x2a: {  	p0 =	seq.s32 s5, $0x0;
	s5 =	sld [smem:$0x3FB1]  }
0x2b: {  	s6 =	sld [smem:$0x3FB2]  }
0x2c: {  	s7 =	sld [smem:$0x3FB3]  }
0x2d: {  	s3 =	simm.s32 $0x108;
	s8 =	sld [smem:$0x3FB4]  }
0x2e: {  	s3 =	simm.s32 @!p0 $0x1082;
	s9 =	sld [smem:$0x3FB5]  }
0x2f: {  	lr =	sadd.s32 s0, s3;
	s0 =	sld [smem:$0x3FAC]  }
0x30: {  	s3 =	sld [smem:$0x3FAF]  }
0x31: {  	[smem:$0x3FB8] =	sst s10  }
0x32: {  	s10 =	sld [smem:$0x3FB6];
	_ =	sdelay $0x3  }
0x33: {  	p0 =	seq.s32 s10, $0x1;
	s10 =	sld [smem:$0x3FB8];
	_ =	sdelay $0x3  }
0x34: {  	[smem:$0x3FB8] =	sst s10  }
0x35: {  	s10 =	sld [smem:$0x3FB7];
	_ =	sdelay $0x3  }
0x36: {  	p1 =	seq.s32 s10, $0x1;
	s10 =	sld [smem:$0x3FB8];
	_ =	sdelay $0x3  }
0x37: {  	[smem:$0x3FB8] =	sst s10  }
0x38: {  	s10 =	sld [smem:$0x3FB9]  }
0x39: {  	_ = 	snop;
	(pc) =	sbr.ind lr, $3  }
0x3a: {  	_ = 	snop  }
0x3b: {  	_ = 	snop  }
0x3c: {  	p2 =	seq.s32 s10, $0x1;
	s10 =	sld [smem:$0x3FB8]  }
0x3d: {  	_ =	shalt  }
0x3e: {  	_ =	shalt  }
0x3f: {  	_ =	shalt  }
0x40: {  	_ =	shalt  }
0x41: {  	_ =	shalt  }
0x42: {  	_ =	shalt  }
0x43: {  	_ =	shalt  }
0x44: {  	_ =	shalt  }
0x45: {  	_ =	shalt  }
0x46: {  	_ =	shalt  }
0x47: {  	_ =	shalt  }
0x48: {  	_ =	shalt  }
0x49: {  	_ =	shalt  }
0x4a: {  	_ =	shalt  }
0x4b: {  	_ =	shalt  }
0x4c: {  	_ =	shalt  }
0x4d: {  	_ =	shalt  }
0x4e: {  	_ =	shalt  }
0x4f: {  	_ =	shalt  }
0x50: {  	_ =	shalt  }
0x51: {  	_ =	shalt  }
0x52: {  	_ =	shalt  }
0x53: {  	_ =	shalt  }
0x54: {  	_ =	shalt  }
0x55: {  	_ =	shalt  }
0x56: {  	_ =	shalt  }
0x57: {  	_ =	shalt  }
0x58: {  	_ =	shalt  }
0x59: {  	_ =	shalt  }
0x5a: {  	_ =	shalt  }
0x5b: {  	_ =	shalt  }
0x5c: {  	_ =	shalt  }
0x5d: {  	_ =	shalt  }
0x5e: {  	_ =	shalt  }
0x5f: {  	_ =	shalt  }
0x60: {  	_ =	shalt  }
0x61: {  	_ =	shalt  }
0x62: {  	_ =	shalt  }
0x63: {  	_ =	shalt  }
0x64: {  	_ =	shalt  }
0x65: {  	_ =	shalt  }
0x66: {  	_ =	shalt  }
0x67: {  	_ =	shalt  }
0x68: {  	_ =	shalt  }
0x69: {  	_ =	shalt  }
0x6a: {  	_ =	shalt  }
0x6b: {  	_ =	shalt  }
0x6c: {  	_ =	shalt  }
0x6d: {  	_ =	shalt  }
0x6e: {  	_ =	shalt  }
0x6f: {  	_ =	shalt  }
0x70: {  	_ =	shalt  }
0x71: {  	_ =	shalt  }
0x72: {  	_ =	shalt  }
0x73: {  	_ =	shalt  }
0x74: {  	_ =	shalt  }
0x75: {  	_ =	shalt  }
0x76: {  	_ =	shalt  }
0x77: {  	_ =	shalt  }
0x78: {  	_ =	shalt  }
0x79: {  	_ =	shalt  }
0x7a: {  	_ =	shalt  }
0x7b: {  	_ =	shalt  }
0x7c: {  	_ =	shalt  }
0x7d: {  	_ =	shalt  }
0x7e: {  	_ =	shalt  }
0x7f: {  	_ =	shalt  }
0x80: {  	_ =	shalt  }
0x81: {  	_ =	shalt  }
0x82: {  	_ =	shalt  }
0x83: {  	_ =	shalt  }
0x84: {  	_ =	shalt  }
0x85: {  	_ =	shalt  }
0x86: {  	_ =	shalt  }
0x87: {  	_ =	shalt  }
.Lfunc_end0:
.L_simem_size_0:
called_computation_lowered:
.L_overlay_start_0:
0x88: {  	s2 =	sld [smem:$0x3FD9]  }
0x89: {  	s3 =	sld [smem:$0x3FFE];
	_ =	sdelay $0x1  }
0x8a: {  	s1 =	srdreg.scid  }
0x8b: {  	s0 =	sand.u32 $0x1, s1  }
0x8c: {  	s17 =	sshll.u32 s0, $0xA;
	s2 =	sadd.s32 s3, s2  }
0x8d: {  	s2 =	sadd.s32 s2, s17  }
0x8e: {  	[smem:$0x3FC4] =	sst s2  }
0x8f: {  	_ = 	snop  }
0x90: {  	s2 =	sld [smem:$0x3FD0];
	(tm) =	ssettm $0x1  }
0x91: {  	s18 =	sld [smem:$0x3FFB];
	_ =	sdelay $0x3  }
0x92: {  	_ =	strace s18  }
0x93: {  	s3 =	sld [smem:$0x3FFC];
	_ =	sdelay $0x3  }
0x94: {  	_ =	strace s3  }
0x95: {  	s3 =	sld [smem:$0x3FFD];
	_ =	sdelay $0x3  }
0x96: {  	_ =	strace s3  }
0x97: {  	_ =	strace $0x8FFFFFFF  }
0x98: {  	s19 =	sld [smem:$0x3FDB];
	_ =	sdelay $0x1  }
0x99: {  	s4 =	simm.s32 $_scs_section_size  }
0x9a: {  	s5 =	simm.s32 $_size__tile_overlayer_lowered;
	s6 =	simm.s32 $_tile_overlayer_lowered  }
0x9b: {  	s22 =	simm.s32 $0x1BFF;
	s21 =	sshll.u32 s6, $0x1;
	s3 =	sadd.s32 s4, s19  }
0x9c: {  	s7 =	simm.s32 $0x0;
	s20 =	sshll.u32 s5, $0x1;
	s5 =	sadd.s32 s21, s3  }
0x9d: {  	[timem:s7], [sflag:s22] =	dma.local [hbm:s5], s20  }
0x9e: {  	_ =	swait.ge [sflag:s22], s20  }
0x9f: {  	s4 =	ssub.s32 $0x0, s20;
	[sflag:s22] =	ssyncset.done $0x0  }
0xa0: {  	[sflag:s22] =	ssyncadd.s32 s4;
	_ =	sdelay $0x1  }
0xa1: {  	s23 =	simm.s32 $0x1B8B  }
0xa2: {  	_ =	swait.ge [sflag:s23], $0x1  }
0xa3: {  	[sflag:s23] =	ssyncset.done $0x0  }
0xa4: {  	s25 =	simm.s32 $0x1B8E;
	s24 =	sld [smem:$0x3FFE];
	[sflag:s23] =	ssyncadd.s32 $0xFFFFFFFF  }
0xa5: {  	s26 =	simm.s32 $execute0_lowered;
	[smem:$0x3FD2] =	sst s25  }
0xa6: {  	s5 =	sshll.u32 s26, $0x1;
	_ =	strace $0x80000046;
	[dreg:$0x1] =	wrdreg $0xFFFFFFFF  }
0xa7: {  	s28 =	simm.s32 $_size_execute0_lowered;
	s3 =	sadd.s32 s3, s5;
	[dreg:$0x0] =	wrdreg $0x0  }
0xa8: {  	s5 =	sshll.u32 s28, $0x1;
	[dreg:$0x2] =	wrdreg s3  }
0xa9: {  	[dreg:$0x3] =	wrdreg s5  }
0xaa: {  	[dreg:$0x4] =	wrdreg $0xC0  }
0xab: {  	_ =	task [dreg:s7], $0x5FFFF  }
0xac: {  	[dreg:$0x1] =	wrdreg $0xFFFFFFFF  }
0xad: {  	[dreg:$0x0] =	wrdreg $0x60  }
0xae: {  	[dreg:$0x2] =	wrdreg s24  }
0xaf: {  	[dreg:$0x3] =	wrdreg s2  }
0xb0: {  	[dreg:$0x4] =	wrdreg $0x9  }
0xb1: {  	_ =	task.clear_ibuf [dreg:s7], $0x5FFFF;
	_ =	strace $0x90000046  }
0xb2: {  	s29 =	simm.s32 $0x9;
	_ =	strace $0x80000048  }
0xb3: {  	_ =	swait.ge [sflag:s29], $0x1  }
0xb4: {  	[sflag:s29] =	ssyncadd.s32 $0xFFFFFFFF  }
0xb5: {  	_ =	strace $0x90000048  }
0xb6: {  	_ =	sfence  }
0xb7: {  	s30 =	sld [smem:$0x0];
	_ =	sdelay $0x2  }
0xb8: {  	s31 =	sshll.u32 s1, $0xD;
	s1 =	sshrl.u32 s1, $0x2  }
0xb9: {  	s3 =	sand.u32 $0x4000, s31;
	s1 =	sadd.s32 s1, s30  }
0xba: {  	s0 =	sor.u32 s3, s0;
	s1 =	sshll.u32 s1, $0x11  }
0xbb: {  	s0 =	sor.u32 s1, s0  }
0xbc: {  	s0 =	sadd.s32 $0x8F2B, s0  }
0xbd: {  	[sflag:s0] =	ssyncadd.remote.s32 $0x1  }
0xbe: {  	_ =	sfence.sel $0xFFFF  }
0xbf: {  	[dreg:$0x0] =	wrdreg $0xFFFFFFFF;
	(pc) =	sbr.abs _section_cstart, $3  }
0xc0: {  	[dreg:$0x1] =	wrdreg $0xFFFFFFFF  }
0xc1: {  	_ =	task.clear_ibuf [dreg:s7], $0x2FFFF;
	_ =	strace $0x9FFFFFFF  }
0xc2: {  	(tm) =	ssettm $0x7FFFFFFF  }
0xc3: {  	_ =	shalt  }
tec
execute0_lowered:
.L_overlay_start_1:
0x0: {  	(tag) =	ssettag $0x1  }
0x1: {  	s1 =	srdreg.scid;
	s5 =	rddreg [dreg:$0x0]  }
0x2: {  	s0 =	stileid.u32;
	s10 =	rddreg [dreg:$0x1];
	s2 =	simm.s32 $0x0  }
0x3: {  	s16 =	simm.s32 $0x80;
	s17 =	simm.s32 $0x44A0;
	s18 =	simm.s32 $0x4520  }
0x4: {  	s19 =	simm.s32 $0x2C10;
	s20 =	simm.s32 $0x45A0;
	s21 =	simm.s32 $0x3410  }
0x5: {  	s22 =	simm.s32 $0x4620;
	s23 =	simm.s32 $0x3C10;
	s24 =	simm.s32 $0x1  }
0x6: {  	s7 =	sand.u32 $0x1, s1;
	s8 =	sshrl.u32 s0, $0x3;
	s25 =	sand.u32 $0x7, s0  }
0x7: {  	[smem:$0x7FF] =	sst s2;
	s12 =	sadd.s32 $0x8800, s5;
	s30 =	sshll.u32 s0, $0x1  }
0x8: {  	s1 =	sshll.u32 s7, $0x1;
	s4 =	sshll.u32 s25, $0x9;
	_ =	strace $0x80000047  }
0x9: {  	s13 =	ssub.s32 $0x2, s7;
	s7 =	sshll.u32 s7, $0x5;
	s31 =	sadd.s32 s12, s30  }
0xa: {  	p0 =	seq.s32 s25, $0x7;
	p2 =	sgt.u32 s25, $0x4;
	p3 =	sgt.u32 s25, $0x3  }
0xb: {  	v1 =	vlaneseq.u32;
	v2 =	vimm.s32 $0x0;
	p4 =	sgt.u32 s25, $0x2;
	p5 =	sgt.u32 s25, $0x1;
	p6 =	sne.s32 s25, $0x0  }
0xc: {  	vm0 =	vcmask $0x300;
	v3 =	vor.u32 $0x10, v1;
	v4 =	vor.u32 $0x20, v1;
	s9 =	sor.u32 s8, s1;
	s14 =	sshrl.u32 s13, $0x1;
	s8 =	sshll.u32 s8, $0x4  }
0xd: {  	v5 =	vor.u32 $0x30, v1;
	v6 =	vor.u32 $0x40, v1;
	v7 =	vor.u32 $0x50, v1;
	s12 =	sadd.s32 s12, s7;
	s7 =	sadd.s32 s7, s31;
	s0 =	simm.s32 @!p0 $0x0  }
0xe: {  	v8 =	vor.u32 $0x60, v1;
	v9 =	vor.u32 $0x70, v1;
	v10 =	vor.u32 $0x80, v1;
	s3 =	sshll.u32 s9, $0xC;
	s13 =	ssub.s32 s13, s14;
	s8 =	sadd.s32 s8, s12  }
0xf: {  	v11 =	vor.u32 $0x90, v1;
	v12 =	vor.u32 $0xA0, v1;
	v13 =	vor.u32 $0xB0, v1;
	s12 =	simm.s32 $0x410;
	s14 =	simm.s32 $0x2410;
	s0 =	simm.s32 @p0 $0x1  }
0x10: {  	v14 =	vor.u32 $0xC0, v1;
	v15 =	vor.u32 $0xD0, v1;
	v16 =	vor.u32 $0xE0, v1;
	p0 =	sgt.u32 s25, $0x5;
	s6 =	sor.u32 s4, s3;
	s4 =	sadd.s32 $0x8A00, s5  }
0x11: {  	v17 =	vor.u32 $0xF0, v1;
	v18 =	vor.u32 $0x100, v1;
	v19 =	vor.u32 $0x110, v1;
	[smem:$0x7FC] =	sst s0;
	s0 =	simm.s32 @!p0 $0x0;
	s3 =	sshll.u32 s6, $0x1  }
.Ltmp0:
0x12: {  	v20 =	vor.u32 $0x120, v1;
	v21 =	vor.u32 $0x130, v1;
	v22 =	vor.u32 $0x140, v1;
	s6 =	sshrl.u32 s6, $0x3;
	s0 =	simm.s32 @p0 $0x1;
	(pc) =	sbr.rel .LBB2_1-.Ltmp0, $4  }
0x13: {  	v23 =	vor.u32 $0x150, v1;
	v24 =	vor.u32 $0x160, v1;
	v25 =	vor.u32 $0x170, v1;
	p0 =	seq.s32 s25, $0x0;
	s11 =	sadd.s32 s3, s5;
	s3 =	smul.u32 $0x1008, s9  }
0x14: {  	v26 =	vor.u32 $0x180, v1;
	v27 =	vor.u32 $0x190, v1;
	v28 =	vor.u32 $0x1A0, v1;
	s25 =	simm.s32 $0x0;
	s5 =	sadd.s32 s5, s6;
	s9 =	sshll.u32 s9, $0x1  }
0x15: {  	v29 =	vor.u32 $0x1B0, v1;
	v30 =	vor.u32 $0x1C0, v1;
	v31 =	vor.u32 $0x1D0, v1;
	[smem:$0x7FD] =	sst s0;
	s6 =	sadd.s32 $0x800, s11;
	s15 =	sadd.s32 $0x1000, s3  }
0x16: {  	v32 =	vor.u32 $0x1E0, v1;
	v33 =	vor.u32 $0x1F0, v1;
	s9 =	sadd.s32 s10, s9;
	s10 =	smax.u32 s13, $0x1;
	s11 =	simm.s32 $0x2;
	v0 =	vmov s15  }
.LBB2_4:
0x17: {  	_ =	sdelay $0x3  }
0x18: {  	[tilespmem:v36+s14+$0x0] =	vst.idx.msk $0xffff, v35  }
.LBB2_5:
0x19: {  	[bflag:$0x0] =	sbarrier.arrive $0xFFFF;
	s0 =	simm.s32 $0x4420  }
0x1a: {  	[tilespmem:s0], [sflag:$0x2] =	stream.linear.gather [hbm4b:s8+s2], $0x80, $0x38;
	[tilespmem:$0x46A0] =	vst v63  }
0x1b: {  	_ =	swait.ge [sflag:s11], $0x80  }
0x1c: {  	[sflag:s11] =	ssyncset.done $0x0  }
0x1d: {  	[sflag:s11] =	ssyncadd.s32 $0xFFFFFF80  }
0x1e: {  	v35 =	vld [tilespmem:$0x4420]  }
0x1f: {  	v36 =	vld [tilespmem:$0x4430]  }
0x20: {  	v37 =	vld [tilespmem:$0x4440]  }
0x21: {  	v38 =	vld [tilespmem:$0x4450]  }
0x22: {  	v39 =	vld [tilespmem:$0x4460]  }
0x23: {  	v51 =	vld [tilespmem:$0x4470];
	(v2sf) =	vpush v35, $0x0  }
0x24: {  	v52 =	vld [tilespmem:$0x4480];
	(v2sf) =	vpush v36, $0x0  }
0x25: {  	(v2sf) =	vpush v37, $0x0;
	v37 =	vld @!p6 [tilespmem:$0x4490]  }
0x26: {  	(v2sf) =	vpush v38, $0x0  }
0x27: {  	(v2sf) =	vpush v39, $0x0  }
0x28: {  	(v2sf) =	vpush v51, $0x0  }
0x29: {  	(v2sf) =	vpush v52, $0x0  }
0x2a: {  	(v2sf) =	vpush @!p6 v37, $0x0;
	_ =	sdelay $0x7  }
0x2b: {  	s26 =	spop (v2sf)  }
0x2c: {  	s28 =	spop (v2sf)  }
0x2d: {  	s29 =	spop (v2sf);
	s30 =	sadd.s32 @!p6 s26, s28  }
0x2e: {  	s31 =	spop (v2sf);
	s30 =	sadd.s32 @!p6 s29, s30  }
0x2f: {  	s1 =	spop (v2sf);
	s30 =	sadd.s32 @!p6 s31, s30  }
0x30: {  	s0 =	spop (v2sf);
	s30 =	sadd.s32 @!p6 s1, s30  }
0x31: {  	s13 =	spop (v2sf);
	s30 =	sadd.s32 @!p6 s0, s30  }
0x32: {  	s30 =	sadd.s32 @!p6 s13, s30;
	s15 =	spop @!p6 (v2sf)  }
0x33: {  	s15 =	sadd.s32 @!p6 s15, s30  }
0x34: {  	vm1 =	vcmask @!p6 $0x300;
	v35 =	vmov @!p6 s15  }
0x35: {  	s26 =	simm.s32 @p0 $0x0;
	s28 =	simm.s32 @!p5 $0x0;
	v35 =	vnsel @!p6 vm1, $0x0, v35  }
0x36: {  	s26 =	sadd.s32 s3, s26;
	s30 =	simm.s32 @!p6 $0x4410;
	s15 =	simm.s32 @!p6 $0x0;
	[tilespmem:$0x4410] =	vst @!p6 v35  }
0x37: {  	[hbm4b:s9+s15] =	stream.linear.scatter @!p6 [tilespmem:s30], [sflag:$0x2], $0x10, $0x38;
	[tilespmem:$0x46A0] =	vst v63  }
0x38: {  	s29 =	simm.s32 @!p4 $0x0;
	s15 =	sadd.s32 s28, s26  }
0x39: {  	s15 =	sadd.s32 s29, s15;
	s29 =	sld [smem:$0x7FD]  }
0x3a: {  	s30 =	sld [smem:$0x7FC]  }
0x3b: {  	s31 =	simm.s32 @!p3 $0x0  }
0x3c: {  	s1 =	simm.s32 @!p2 $0x0;
	s15 =	sadd.s32 s31, s15;
	p1 =	seq.s32 s29, $0x1  }
0x3d: {  	s1 =	sadd.s32 s1, s15;
	s0 =	simm.s32 @!p1 $0x0;
	p1 =	seq.s32 s30, $0x1  }
0x3e: {  	s13 =	simm.s32 @!p1 $0x0;
	s0 =	sadd.s32 s0, s1;
	s1 =	simm.s32 @!p6 $0x2  }
0x3f: {  	s31 =	sadd.s32 s13, s0;
	_ =	swait.ge @!p6 [sflag:s1], $0x10  }
0x40: {  	vm1 =	vgt.s32 v34, v1;
	[sflag:s1] =	ssyncset.done @!p6 $0x0;
	v53 =	vadd.s32 s31, v1  }
0x41: {  	v54 =	vadd.s32 s31, v3;
	[sflag:s1] =	ssyncadd.s32 @!p6 $0xFFFFFFF0;
	v35 =	vsel vm1, v53, v0;
	vm1 =	vgt.s32 v34, v3  }
0x42: {  	v56 =	vadd.s32 s31, v4;
	[tilespmem:$0x44A0] =	vst v35;
	v55 =	vsel vm1, v54, v0;
	vm1 =	vgt.s32 v34, v4  }
0x43: {  	v58 =	vadd.s32 s31, v5;
	[tilespmem:$0x44B0] =	vst v55;
	v57 =	vsel vm1, v56, v0;
	vm1 =	vgt.s32 v34, v5  }
0x44: {  	v60 =	vadd.s32 s31, v6;
	[tilespmem:$0x44C0] =	vst v57;
	v59 =	vsel vm1, v58, v0;
	vm1 =	vgt.s32 v34, v6  }
0x45: {  	v62 =	vadd.s32 s31, v7;
	[tilespmem:$0x44D0] =	vst v59;
	v61 =	vsel vm1, v60, v0;
	vm1 =	vgt.s32 v34, v7  }
0x46: {  	v40 =	vadd.s32 s31, v8;
	[tilespmem:$0x44E0] =	vst v61;
	v63 =	vsel vm1, v62, v0;
	vm1 =	vgt.s32 v34, v8  }
0x47: {  	v42 =	vadd.s32 s31, v9;
	[tilespmem:$0x44F0] =	vst v63;
	v41 =	vsel vm1, v40, v0;
	vm1 =	vgt.s32 v34, v9  }
0x48: {  	[tilespmem:$0x4500] =	vst v41;
	v43 =	vsel vm1, v42, v0  }
0x49: {  	v44 =	vadd.s32 s31, v10;
	vm1 =	vgt.s32 v34, v10;
	[tilespmem:$0x4510] =	vst v43  }
0x4a: {  	v45 =	vadd.s32 s31, v11;
	v35 =	vsel vm1, v44, v0;
	vm1 =	vgt.s32 v34, v11;
	[hbm4b:s4+s16] =	stream.indirect.scatter [tilespmem:s14], [sflag:$0x1], $0x10, s17, s16, $0xb8;
	[tilespmem:$0x46A0] =	vst v63  }
0x4b: {  	v47 =	vadd.s32 s31, v12;
	v46 =	vsel vm1, v45, v0;
	vm1 =	vgt.s32 v34, v12;
	[tilespmem:$0x4520] =	vst v35  }
0x4c: {  	v49 =	vadd.s32 s31, v13;
	[tilespmem:$0x4530] =	vst v46;
	v48 =	vsel vm1, v47, v0;
	vm1 =	vgt.s32 v34, v13  }
0x4d: {  	v51 =	vadd.s32 s31, v14;
	[tilespmem:$0x4540] =	vst v48;
	v50 =	vsel vm1, v49, v0;
	vm1 =	vgt.s32 v34, v14  }
0x4e: {  	v53 =	vadd.s32 s31, v15;
	[tilespmem:$0x4550] =	vst v50;
	v52 =	vsel vm1, v51, v0;
	vm1 =	vgt.s32 v34, v15  }
0x4f: {  	v55 =	vadd.s32 s31, v16;
	[tilespmem:$0x4560] =	vst v52;
	v54 =	vsel vm1, v53, v0;
	vm1 =	vgt.s32 v34, v16  }
0x50: {  	v57 =	vadd.s32 s31, v17;
	[tilespmem:$0x4570] =	vst v54;
	v56 =	vsel vm1, v55, v0;
	vm1 =	vgt.s32 v34, v17  }
0x51: {  	[tilespmem:$0x4580] =	vst v56;
	v58 =	vsel vm1, v57, v0  }
0x52: {  	v59 =	vadd.s32 s31, v18;
	vm1 =	vgt.s32 v34, v18;
	[tilespmem:$0x4590] =	vst v58  }
0x53: {  	v60 =	vadd.s32 s31, v19;
	v35 =	vsel vm1, v59, v0;
	vm1 =	vgt.s32 v34, v19;
	[hbm4b:s4+s16] =	stream.indirect.scatter [tilespmem:s19], [sflag:$0x1], $0x10, s18, s16, $0xb8;
	[tilespmem:$0x46A0] =	vst v63  }
0x54: {  	v62 =	vadd.s32 s31, v20;
	v61 =	vsel vm1, v60, v0;
	vm1 =	vgt.s32 v34, v20;
	[tilespmem:$0x45A0] =	vst v35  }
0x55: {  	v40 =	vadd.s32 s31, v21;
	[tilespmem:$0x45B0] =	vst v61;
	v63 =	vsel vm1, v62, v0;
	vm1 =	vgt.s32 v34, v21  }
0x56: {  	v42 =	vadd.s32 s31, v22;
	[tilespmem:$0x45C0] =	vst v63;
	v41 =	vsel vm1, v40, v0;
	vm1 =	vgt.s32 v34, v22  }
0x57: {  	v44 =	vadd.s32 s31, v23;
	[tilespmem:$0x45D0] =	vst v41;
	v43 =	vsel vm1, v42, v0;
	vm1 =	vgt.s32 v34, v23  }
0x58: {  	v46 =	vadd.s32 s31, v24;
	[tilespmem:$0x45E0] =	vst v43;
	v45 =	vsel vm1, v44, v0;
	vm1 =	vgt.s32 v34, v24  }
0x59: {  	v48 =	vadd.s32 s31, v25;
	[tilespmem:$0x45F0] =	vst v45;
	v47 =	vsel vm1, v46, v0;
	vm1 =	vgt.s32 v34, v25  }
0x5a: {  	[tilespmem:$0x4600] =	vst v47;
	v49 =	vsel vm1, v48, v0  }
0x5b: {  	v50 =	vadd.s32 s31, v26;
	vm1 =	vgt.s32 v34, v26;
	[tilespmem:$0x4610] =	vst v49  }
0x5c: {  	v51 =	vadd.s32 s31, v27;
	v35 =	vsel vm1, v50, v0;
	vm1 =	vgt.s32 v34, v27;
	[hbm4b:s4+s16] =	stream.indirect.scatter [tilespmem:s21], [sflag:$0x1], $0x10, s20, s16, $0xb8;
	[tilespmem:$0x46A0] =	vst v63  }
0x5d: {  	v53 =	vadd.s32 s31, v28;
	v52 =	vsel vm1, v51, v0;
	vm1 =	vgt.s32 v34, v28;
	[tilespmem:$0x4620] =	vst v35  }
0x5e: {  	v55 =	vadd.s32 s31, v29;
	[tilespmem:$0x4630] =	vst v52;
	v54 =	vsel vm1, v53, v0;
	vm1 =	vgt.s32 v34, v29  }
0x5f: {  	v57 =	vadd.s32 s31, v30;
	[tilespmem:$0x4640] =	vst v54;
	v56 =	vsel vm1, v55, v0;
	vm1 =	vgt.s32 v34, v30  }
0x60: {  	v59 =	vadd.s32 s31, v31;
	[tilespmem:$0x4650] =	vst v56;
	v58 =	vsel vm1, v57, v0;
	vm1 =	vgt.s32 v34, v31  }
0x61: {  	v61 =	vadd.s32 s31, v32;
	[tilespmem:$0x4660] =	vst v58;
	v60 =	vsel vm1, v59, v0;
	vm1 =	vgt.s32 v34, v32  }
0x62: {  	v62 =	vadd.s32 s31, v33;
	[tilespmem:$0x4670] =	vst v60;
	v63 =	vsel vm1, v61, v0;
	vm1 =	vgt.s32 v34, v33  }
0x63: {  	[tilespmem:$0x4680] =	vst v63;
	v34 =	vsel vm1, v62, v0  }
0x64: {  	[tilespmem:$0x4690] =	vst v34  }
0x65: {  	[hbm4b:s4+s16] =	stream.indirect.scatter [tilespmem:s23], [sflag:$0x1], $0x10, s22, s16, $0xb8;
	[tilespmem:$0x46A0] =	vst v63  }
0x66: {  	_ =	swait.ge [sflag:s24], $0x800  }
0x67: {  	[sflag:s24] =	ssyncset.done $0x0  }
0x68: {  	[sflag:s24] =	ssyncadd.s32 $0xFFFFF800  }
0x69: {  	_ =	swait.ge [sflag:s24], $0x800  }
0x6a: {  	[sflag:s24] =	ssyncset.done $0x0  }
0x6b: {  	s25 =	sadd.s32 $0x1, s25;
	[sflag:s24] =	ssyncadd.s32 $0xFFFFF800  }
0x6c: {  	p1 =	sne.s32 s25, s10;
	_ =	swait.ge [sflag:s24], $0x800  }
.Ltmp1:
0x6d: {  	[sflag:s24] =	ssyncset.done $0x0;
	(pc) =	sbr.rel @!p1 .LBB2_6-.Ltmp1, $4  }
0x6e: {  	[sflag:s24] =	ssyncadd.s32 $0xFFFFF800  }
0x6f: {  	_ =	swait.ge [sflag:s24], $0x800  }
0x70: {  	[sflag:s24] =	ssyncset.done $0x0  }
0x71: {  	[sflag:s24] =	ssyncadd.s32 $0xFFFFF800  }
.LBB2_1:
0x72: {  	[tilespmem:s2], [sflag:$0x2] =	stream.linear.gather [hbm4b:s5+s2], $0x200, $0x38;
	[tilespmem:$0x46A0] =	vst v63  }
0x73: {  	_ =	swait.ge [sflag:s11], $0x200  }
0x74: {  	[sflag:s11] =	ssyncset.done $0x0  }
0x75: {  	[sflag:s11] =	ssyncadd.s32 $0xFFFFFE00  }
0x76: {  	[tilespmem:s12], [sflag:$0x2] =	stream.linear.gather [hbm4b:s6+s2], $0x2000, $0x38;
	[tilespmem:$0x46A0] =	vst v63  }
0x77: {  	_ =	swait.ge [sflag:s11], $0x2000  }
0x78: {  	[sflag:s11] =	ssyncset.done $0x0  }
0x79: {  	[sflag:s11] =	ssyncadd.s32 $0xFFFFE000  }
0x7a: {  	v34 =	vld [tilespmem:$0x0];
	_ =	sdelay $0x4  }
0x7b: {  	vm1 =	vne.s32 v34, $0x0  }
0x7c: {  	v34 =	vsel vm1, $0x1, v2  }
0x7d: {  	(xrf0) =	vadd.scan.msk.s32 $0xffff, v34;
	_ =	sdelay $0x5  }
0x7e: {  	v34, _, _ =	vpop (xrf0)  }
0x7f: {  	v35 =	vadd.s32 $0xFFFFFFFF, v34  }
0x80: {  	v36 =	vnsel vm1, $0x200, v35;
	_ =	sdelay $0x3  }
0x81: {  	s26 =	simm.s32 $0x200  }
0x82: {  	[tilespmem:v36+s26+$0x0] =	vst.idx.msk $0xffff, v1  }
0x83: {  	v36 =	vld [tilespmem:$0x10];
	_ =	sdelay $0x4  }
0x84: {  	vm1 =	vne.s32 v36, $0x0  }
0x85: {  	v36 =	vsel vm1, $0x1, v2  }
0x86: {  	(xrf0) =	vadd.scan.msk.s32 $0xffff, v36;
	_ =	sdelay $0x4  }
0x87: {  	v35 =	vbroadcast v35, $0xF  }
0x88: {  	(v2sf) =	vpush v34, $0xF;
	v58, _, _ =	vpop (xrf0)  }
0x89: {  	v35 =	vadd.s32 v58, v35;
	(v2sf) =	vpush v58, $0xF  }
0x8a: {  	v59 =	vnsel vm1, $0x200, v35;
	_ =	sdelay $0x4  }
0x8b: {  	[tilespmem:v59+s26+$0x0] =	vst.idx.msk $0xffff, v3  }
0x8c: {  	v34 =	vld [tilespmem:$0x20];
	_ =	sdelay $0x4  }
0x8d: {  	vm1 =	vne.s32 v34, $0x0  }
0x8e: {  	v34 =	vsel vm1, $0x1, v2  }
0x8f: {  	s28 =	spop (v2sf);
	(xrf0) =	vadd.scan.msk.s32 $0xffff, v34  }
0x90: {  	s29 =	spop (v2sf)  }
0x91: {  	s28 =	sadd.s32 s28, s29  }
0x92: {  	v60 =	vmov s28  }
0x93: {  	v34 =	vadd.s32 $0xFFFFFFFF, v60  }
0x94: {  	v34 =	vbroadcast v34, $0x0  }
0x95: {  	v61, _, _ =	vpop (xrf0)  }
0x96: {  	v34 =	vadd.s32 v61, v34;
	(v2sf) =	vpush v61, $0xF  }
0x97: {  	v34 =	vnsel vm1, $0x200, v34;
	_ =	sdelay $0x4  }
0x98: {  	[tilespmem:v34+s26+$0x0] =	vst.idx.msk $0xffff, v4  }
0x99: {  	v34 =	vld [tilespmem:$0x30];
	_ =	sdelay $0x4  }
0x9a: {  	vm1 =	vne.s32 v34, $0x0  }
0x9b: {  	v34 =	vsel vm1, $0x1, v2  }
0x9c: {  	(xrf0) =	vadd.scan.msk.s32 $0xffff, v34  }
0x9d: {  	s0 =	spop (v2sf)  }
0x9e: {  	s28 =	sadd.s32 s28, s0  }
0x9f: {  	v62 =	vmov s28  }
0xa0: {  	v34 =	vadd.s32 $0xFFFFFFFF, v62  }
0xa1: {  	v34 =	vbroadcast v34, $0x0  }
0xa2: {  	v63, _, _ =	vpop (xrf0)  }
0xa3: {  	v34 =	vadd.s32 v63, v34;
	(v2sf) =	vpush v63, $0xF  }
0xa4: {  	v34 =	vnsel vm1, $0x200, v34;
	_ =	sdelay $0x4  }
0xa5: {  	[tilespmem:v34+s26+$0x0] =	vst.idx.msk $0xffff, v5  }
0xa6: {  	v34 =	vld [tilespmem:$0x40];
	_ =	sdelay $0x4  }
0xa7: {  	vm1 =	vne.s32 v34, $0x0  }
0xa8: {  	v34 =	vsel vm1, $0x1, v2  }
0xa9: {  	(xrf0) =	vadd.scan.msk.s32 $0xffff, v34  }
0xaa: {  	s1 =	spop (v2sf)  }
0xab: {  	s28 =	sadd.s32 s28, s1  }
0xac: {  	v36 =	vmov s28  }
0xad: {  	v34 =	vadd.s32 $0xFFFFFFFF, v36  }
0xae: {  	v34 =	vbroadcast v34, $0x0  }
0xaf: {  	v37, _, _ =	vpop (xrf0)  }
0xb0: {  	v34 =	vadd.s32 v37, v34;
	(v2sf) =	vpush v37, $0xF  }
0xb1: {  	v34 =	vnsel vm1, $0x200, v34;
	_ =	sdelay $0x4  }
0xb2: {  	[tilespmem:v34+s26+$0x0] =	vst.idx.msk $0xffff, v6  }
0xb3: {  	v34 =	vld [tilespmem:$0x50];
	_ =	sdelay $0x4  }
0xb4: {  	vm1 =	vne.s32 v34, $0x0  }
0xb5: {  	v34 =	vsel vm1, $0x1, v2  }
0xb6: {  	(xrf0) =	vadd.scan.msk.s32 $0xffff, v34  }
0xb7: {  	s13 =	spop (v2sf)  }
0xb8: {  	s28 =	sadd.s32 s28, s13  }
0xb9: {  	v38 =	vmov s28  }
0xba: {  	v34 =	vadd.s32 $0xFFFFFFFF, v38  }
0xbb: {  	v34 =	vbroadcast v34, $0x0  }
0xbc: {  	v39, _, _ =	vpop (xrf0)  }
0xbd: {  	v34 =	vadd.s32 v39, v34;
	(v2sf) =	vpush v39, $0xF  }
0xbe: {  	v34 =	vnsel vm1, $0x200, v34;
	_ =	sdelay $0x4  }
0xbf: {  	[tilespmem:v34+s26+$0x0] =	vst.idx.msk $0xffff, v7  }
0xc0: {  	v34 =	vld [tilespmem:$0x60];
	_ =	sdelay $0x4  }
0xc1: {  	vm1 =	vne.s32 v34, $0x0  }
0xc2: {  	v34 =	vsel vm1, $0x1, v2  }
0xc3: {  	(xrf0) =	vadd.scan.msk.s32 $0xffff, v34  }
0xc4: {  	s15 =	spop (v2sf)  }
0xc5: {  	s28 =	sadd.s32 s28, s15  }
0xc6: {  	v40 =	vmov s28  }
0xc7: {  	v34 =	vadd.s32 $0xFFFFFFFF, v40  }
0xc8: {  	v34 =	vbroadcast v34, $0x0  }
0xc9: {  	v41, _, _ =	vpop (xrf0)  }
0xca: {  	v34 =	vadd.s32 v41, v34;
	(v2sf) =	vpush v41, $0xF  }
0xcb: {  	v34 =	vnsel vm1, $0x200, v34;
	_ =	sdelay $0x4  }
0xcc: {  	[tilespmem:v34+s26+$0x0] =	vst.idx.msk $0xffff, v8  }
0xcd: {  	v34 =	vld [tilespmem:$0x70];
	_ =	sdelay $0x4  }
0xce: {  	vm1 =	vne.s32 v34, $0x0  }
0xcf: {  	v34 =	vsel vm1, $0x1, v2  }
0xd0: {  	(xrf0) =	vadd.scan.msk.s32 $0xffff, v34  }
0xd1: {  	s30 =	spop (v2sf)  }
0xd2: {  	s28 =	sadd.s32 s28, s30  }
0xd3: {  	v42 =	vmov s28  }
0xd4: {  	v34 =	vadd.s32 $0xFFFFFFFF, v42  }
0xd5: {  	v34 =	vbroadcast v34, $0x0  }
0xd6: {  	v43, _, _ =	vpop (xrf0)  }
0xd7: {  	v34 =	vadd.s32 v43, v34;
	(v2sf) =	vpush v43, $0xF  }
0xd8: {  	v34 =	vnsel vm1, $0x200, v34;
	_ =	sdelay $0x4  }
0xd9: {  	[tilespmem:v34+s26+$0x0] =	vst.idx.msk $0xffff, v9  }
0xda: {  	v34 =	vld [tilespmem:$0x80];
	_ =	sdelay $0x4  }
0xdb: {  	vm1 =	vne.s32 v34, $0x0  }
0xdc: {  	v34 =	vsel vm1, $0x1, v2  }
0xdd: {  	(xrf0) =	vadd.scan.msk.s32 $0xffff, v34  }
0xde: {  	s31 =	spop (v2sf)  }
0xdf: {  	s28 =	sadd.s32 s28, s31  }
0xe0: {  	v44 =	vmov s28  }
0xe1: {  	v34 =	vadd.s32 $0xFFFFFFFF, v44  }
0xe2: {  	v34 =	vbroadcast v34, $0x0  }
0xe3: {  	v45, _, _ =	vpop (xrf0)  }
0xe4: {  	v34 =	vadd.s32 v45, v34;
	(v2sf) =	vpush v45, $0xF  }
0xe5: {  	v34 =	vnsel vm1, $0x200, v34;
	_ =	sdelay $0x4  }
0xe6: {  	[tilespmem:v34+s26+$0x0] =	vst.idx.msk $0xffff, v10  }
0xe7: {  	v34 =	vld [tilespmem:$0x90];
	_ =	sdelay $0x4  }
0xe8: {  	vm1 =	vne.s32 v34, $0x0  }
0xe9: {  	v34 =	vsel vm1, $0x1, v2  }
0xea: {  	(xrf0) =	vadd.scan.msk.s32 $0xffff, v34  }
0xeb: {  	s0 =	spop (v2sf)  }
0xec: {  	s28 =	sadd.s32 s28, s0  }
0xed: {  	v46 =	vmov s28  }
0xee: {  	v34 =	vadd.s32 $0xFFFFFFFF, v46  }
0xef: {  	v34 =	vbroadcast v34, $0x0  }
0xf0: {  	v47, _, _ =	vpop (xrf0)  }
0xf1: {  	v34 =	vadd.s32 v47, v34;
	(v2sf) =	vpush v47, $0xF  }
0xf2: {  	v34 =	vnsel vm1, $0x200, v34;
	_ =	sdelay $0x4  }
0xf3: {  	[tilespmem:v34+s26+$0x0] =	vst.idx.msk $0xffff, v11  }
0xf4: {  	v34 =	vld [tilespmem:$0xA0];
	_ =	sdelay $0x4  }
0xf5: {  	vm1 =	vne.s32 v34, $0x0  }
0xf6: {  	v34 =	vsel vm1, $0x1, v2  }
0xf7: {  	(xrf0) =	vadd.scan.msk.s32 $0xffff, v34  }
0xf8: {  	s1 =	spop (v2sf)  }
0xf9: {  	s28 =	sadd.s32 s28, s1  }
0xfa: {  	v48 =	vmov s28  }
0xfb: {  	v34 =	vadd.s32 $0xFFFFFFFF, v48  }
0xfc: {  	v34 =	vbroadcast v34, $0x0  }
0xfd: {  	v49, _, _ =	vpop (xrf0)  }
0xfe: {  	v34 =	vadd.s32 v49, v34;
	(v2sf) =	vpush v49, $0xF  }
0xff: {  	v34 =	vnsel vm1, $0x200, v34;
	_ =	sdelay $0x4  }
0x100: {  	[tilespmem:v34+s26+$0x0] =	vst.idx.msk $0xffff, v12  }
0x101: {  	v34 =	vld [tilespmem:$0xB0];
	_ =	sdelay $0x4  }
0x102: {  	vm1 =	vne.s32 v34, $0x0  }
0x103: {  	v34 =	vsel vm1, $0x1, v2  }
0x104: {  	(xrf0) =	vadd.scan.msk.s32 $0xffff, v34  }
0x105: {  	s13 =	spop (v2sf)  }
0x106: {  	s28 =	sadd.s32 s28, s13  }
0x107: {  	v50 =	vmov s28  }
0x108: {  	v34 =	vadd.s32 $0xFFFFFFFF, v50  }
0x109: {  	v34 =	vbroadcast v34, $0x0  }
0x10a: {  	v51, _, _ =	vpop (xrf0)  }
0x10b: {  	v34 =	vadd.s32 v51, v34;
	(v2sf) =	vpush v51, $0xF  }
0x10c: {  	v34 =	vnsel vm1, $0x200, v34;
	_ =	sdelay $0x4  }
0x10d: {  	[tilespmem:v34+s26+$0x0] =	vst.idx.msk $0xffff, v13  }
0x10e: {  	v34 =	vld [tilespmem:$0xC0];
	_ =	sdelay $0x4  }
0x10f: {  	vm1 =	vne.s32 v34, $0x0  }
0x110: {  	v34 =	vsel vm1, $0x1, v2  }
0x111: {  	(xrf0) =	vadd.scan.msk.s32 $0xffff, v34  }
0x112: {  	s15 =	spop (v2sf)  }
0x113: {  	s28 =	sadd.s32 s28, s15  }
0x114: {  	v52 =	vmov s28  }
0x115: {  	v34 =	vadd.s32 $0xFFFFFFFF, v52  }
0x116: {  	v34 =	vbroadcast v34, $0x0  }
0x117: {  	v53, _, _ =	vpop (xrf0)  }
0x118: {  	v34 =	vadd.s32 v53, v34;
	(v2sf) =	vpush v53, $0xF  }
0x119: {  	v34 =	vnsel vm1, $0x200, v34;
	_ =	sdelay $0x4  }
0x11a: {  	[tilespmem:v34+s26+$0x0] =	vst.idx.msk $0xffff, v14  }
0x11b: {  	v34 =	vld [tilespmem:$0xD0];
	_ =	sdelay $0x4  }
0x11c: {  	vm1 =	vne.s32 v34, $0x0  }
0x11d: {  	v34 =	vsel vm1, $0x1, v2  }
0x11e: {  	(xrf0) =	vadd.scan.msk.s32 $0xffff, v34  }
0x11f: {  	s30 =	spop (v2sf)  }
0x120: {  	s28 =	sadd.s32 s28, s30  }
0x121: {  	v54 =	vmov s28  }
0x122: {  	v34 =	vadd.s32 $0xFFFFFFFF, v54  }
0x123: {  	v34 =	vbroadcast v34, $0x0  }
0x124: {  	v55, _, _ =	vpop (xrf0)  }
0x125: {  	v34 =	vadd.s32 v55, v34;
	(v2sf) =	vpush v55, $0xF  }
0x126: {  	v34 =	vnsel vm1, $0x200, v34;
	_ =	sdelay $0x4  }
0x127: {  	[tilespmem:v34+s26+$0x0] =	vst.idx.msk $0xffff, v15  }
0x128: {  	v34 =	vld [tilespmem:$0xE0];
	_ =	sdelay $0x4  }
0x129: {  	vm1 =	vne.s32 v34, $0x0  }
0x12a: {  	v34 =	vsel vm1, $0x1, v2  }
0x12b: {  	(xrf0) =	vadd.scan.msk.s32 $0xffff, v34  }
0x12c: {  	s31 =	spop (v2sf)  }
0x12d: {  	s28 =	sadd.s32 s28, s31  }
0x12e: {  	v56 =	vmov s28  }
0x12f: {  	v34 =	vadd.s32 $0xFFFFFFFF, v56  }
0x130: {  	v34 =	vbroadcast v34, $0x0  }
0x131: {  	v57, _, _ =	vpop (xrf0)  }
0x132: {  	v34 =	vadd.s32 v57, v34;
	(v2sf) =	vpush v57, $0xF  }
0x133: {  	v34 =	vnsel vm1, $0x200, v34;
	_ =	sdelay $0x4  }
0x134: {  	[tilespmem:v34+s26+$0x0] =	vst.idx.msk $0xffff, v16  }
0x135: {  	v34 =	vld [tilespmem:$0xF0];
	_ =	sdelay $0x4  }
0x136: {  	vm1 =	vne.s32 v34, $0x0  }
0x137: {  	v34 =	vsel vm1, $0x1, v2  }
0x138: {  	(xrf0) =	vadd.scan.msk.s32 $0xffff, v34  }
0x139: {  	s0 =	spop (v2sf)  }
0x13a: {  	s28 =	sadd.s32 s28, s0  }
0x13b: {  	v58 =	vmov s28  }
0x13c: {  	v34 =	vadd.s32 $0xFFFFFFFF, v58  }
0x13d: {  	v34 =	vbroadcast v34, $0x0  }
0x13e: {  	v59, _, _ =	vpop (xrf0)  }
0x13f: {  	v34 =	vadd.s32 v59, v34;
	(v2sf) =	vpush v59, $0xF  }
0x140: {  	v34 =	vnsel vm1, $0x200, v34;
	_ =	sdelay $0x4  }
0x141: {  	[tilespmem:v34+s26+$0x0] =	vst.idx.msk $0xffff, v17  }
0x142: {  	v34 =	vld [tilespmem:$0x100];
	_ =	sdelay $0x4  }
0x143: {  	vm1 =	vne.s32 v34, $0x0  }
0x144: {  	v34 =	vsel vm1, $0x1, v2  }
0x145: {  	(xrf0) =	vadd.scan.msk.s32 $0xffff, v34  }
0x146: {  	s1 =	spop (v2sf)  }
0x147: {  	s28 =	sadd.s32 s28, s1  }
0x148: {  	v60 =	vmov s28  }
0x149: {  	v34 =	vadd.s32 $0xFFFFFFFF, v60  }
0x14a: {  	v34 =	vbroadcast v34, $0x0  }
0x14b: {  	v61, _, _ =	vpop (xrf0)  }
0x14c: {  	v34 =	vadd.s32 v61, v34;
	(v2sf) =	vpush v61, $0xF  }
0x14d: {  	v34 =	vnsel vm1, $0x200, v34;
	_ =	sdelay $0x4  }
0x14e: {  	[tilespmem:v34+s26+$0x0] =	vst.idx.msk $0xffff, v18  }
0x14f: {  	v34 =	vld [tilespmem:$0x110];
	_ =	sdelay $0x4  }
0x150: {  	vm1 =	vne.s32 v34, $0x0  }
0x151: {  	v34 =	vsel vm1, $0x1, v2  }
0x152: {  	(xrf0) =	vadd.scan.msk.s32 $0xffff, v34  }
0x153: {  	s13 =	spop (v2sf)  }
0x154: {  	s28 =	sadd.s32 s28, s13  }
0x155: {  	v62 =	vmov s28  }
0x156: {  	v34 =	vadd.s32 $0xFFFFFFFF, v62  }
0x157: {  	v34 =	vbroadcast v34, $0x0  }
0x158: {  	v63, _, _ =	vpop (xrf0)  }
0x159: {  	v34 =	vadd.s32 v63, v34;
	(v2sf) =	vpush v63, $0xF  }
0x15a: {  	v34 =	vnsel vm1, $0x200, v34;
	_ =	sdelay $0x4  }
0x15b: {  	[tilespmem:v34+s26+$0x0] =	vst.idx.msk $0xffff, v19  }
0x15c: {  	v34 =	vld [tilespmem:$0x120];
	_ =	sdelay $0x4  }
0x15d: {  	vm1 =	vne.s32 v34, $0x0  }
0x15e: {  	v34 =	vsel vm1, $0x1, v2  }
0x15f: {  	(xrf0) =	vadd.scan.msk.s32 $0xffff, v34  }
0x160: {  	s15 =	spop (v2sf)  }
0x161: {  	s28 =	sadd.s32 s28, s15  }
0x162: {  	v36 =	vmov s28  }
0x163: {  	v34 =	vadd.s32 $0xFFFFFFFF, v36  }
0x164: {  	v34 =	vbroadcast v34, $0x0  }
0x165: {  	v37, _, _ =	vpop (xrf0)  }
0x166: {  	v34 =	vadd.s32 v37, v34;
	(v2sf) =	vpush v37, $0xF  }
0x167: {  	v34 =	vnsel vm1, $0x200, v34;
	_ =	sdelay $0x4  }
0x168: {  	[tilespmem:v34+s26+$0x0] =	vst.idx.msk $0xffff, v20  }
0x169: {  	v34 =	vld [tilespmem:$0x130];
	_ =	sdelay $0x4  }
0x16a: {  	vm1 =	vne.s32 v34, $0x0  }
0x16b: {  	v34 =	vsel vm1, $0x1, v2  }
0x16c: {  	(xrf0) =	vadd.scan.msk.s32 $0xffff, v34  }
0x16d: {  	s30 =	spop (v2sf)  }
0x16e: {  	s28 =	sadd.s32 s28, s30  }
0x16f: {  	v38 =	vmov s28  }
0x170: {  	v34 =	vadd.s32 $0xFFFFFFFF, v38  }
0x171: {  	v34 =	vbroadcast v34, $0x0  }
0x172: {  	v39, _, _ =	vpop (xrf0)  }
0x173: {  	v34 =	vadd.s32 v39, v34;
	(v2sf) =	vpush v39, $0xF  }
0x174: {  	v34 =	vnsel vm1, $0x200, v34;
	_ =	sdelay $0x4  }
0x175: {  	[tilespmem:v34+s26+$0x0] =	vst.idx.msk $0xffff, v21  }
0x176: {  	v34 =	vld [tilespmem:$0x140];
	_ =	sdelay $0x4  }
0x177: {  	vm1 =	vne.s32 v34, $0x0  }
0x178: {  	v34 =	vsel vm1, $0x1, v2  }
0x179: {  	(xrf0) =	vadd.scan.msk.s32 $0xffff, v34  }
0x17a: {  	s31 =	spop (v2sf)  }
0x17b: {  	s28 =	sadd.s32 s28, s31  }
0x17c: {  	v40 =	vmov s28  }
0x17d: {  	v34 =	vadd.s32 $0xFFFFFFFF, v40  }
0x17e: {  	v34 =	vbroadcast v34, $0x0  }
0x17f: {  	v41, _, _ =	vpop (xrf0)  }
0x180: {  	v34 =	vadd.s32 v41, v34;
	(v2sf) =	vpush v41, $0xF  }
0x181: {  	v34 =	vnsel vm1, $0x200, v34;
	_ =	sdelay $0x4  }
0x182: {  	[tilespmem:v34+s26+$0x0] =	vst.idx.msk $0xffff, v22  }
0x183: {  	v34 =	vld [tilespmem:$0x150];
	_ =	sdelay $0x4  }
0x184: {  	vm1 =	vne.s32 v34, $0x0  }
0x185: {  	v34 =	vsel vm1, $0x1, v2  }
0x186: {  	(xrf0) =	vadd.scan.msk.s32 $0xffff, v34  }
0x187: {  	s0 =	spop (v2sf)  }
0x188: {  	s28 =	sadd.s32 s28, s0  }
0x189: {  	v42 =	vmov s28  }
0x18a: {  	v34 =	vadd.s32 $0xFFFFFFFF, v42  }
0x18b: {  	v34 =	vbroadcast v34, $0x0  }
0x18c: {  	v43, _, _ =	vpop (xrf0)  }
0x18d: {  	v34 =	vadd.s32 v43, v34;
	(v2sf) =	vpush v43, $0xF  }
0x18e: {  	v34 =	vnsel vm1, $0x200, v34;
	_ =	sdelay $0x4  }
0x18f: {  	[tilespmem:v34+s26+$0x0] =	vst.idx.msk $0xffff, v23  }
0x190: {  	v34 =	vld [tilespmem:$0x160];
	_ =	sdelay $0x4  }
0x191: {  	vm1 =	vne.s32 v34, $0x0  }
0x192: {  	v34 =	vsel vm1, $0x1, v2  }
0x193: {  	(xrf0) =	vadd.scan.msk.s32 $0xffff, v34  }
0x194: {  	s1 =	spop (v2sf)  }
0x195: {  	s28 =	sadd.s32 s28, s1  }
0x196: {  	v44 =	vmov s28  }
0x197: {  	v34 =	vadd.s32 $0xFFFFFFFF, v44  }
0x198: {  	v34 =	vbroadcast v34, $0x0  }
0x199: {  	v45, _, _ =	vpop (xrf0)  }
0x19a: {  	v34 =	vadd.s32 v45, v34;
	(v2sf) =	vpush v45, $0xF  }
0x19b: {  	v34 =	vnsel vm1, $0x200, v34;
	_ =	sdelay $0x4  }
0x19c: {  	[tilespmem:v34+s26+$0x0] =	vst.idx.msk $0xffff, v24  }
0x19d: {  	v34 =	vld [tilespmem:$0x170];
	_ =	sdelay $0x4  }
0x19e: {  	vm1 =	vne.s32 v34, $0x0  }
0x19f: {  	v34 =	vsel vm1, $0x1, v2  }
0x1a0: {  	(xrf0) =	vadd.scan.msk.s32 $0xffff, v34  }
0x1a1: {  	s13 =	spop (v2sf)  }
0x1a2: {  	s28 =	sadd.s32 s28, s13  }
0x1a3: {  	v46 =	vmov s28  }
0x1a4: {  	v34 =	vadd.s32 $0xFFFFFFFF, v46  }
0x1a5: {  	v34 =	vbroadcast v34, $0x0  }
0x1a6: {  	v47, _, _ =	vpop (xrf0)  }
0x1a7: {  	v34 =	vadd.s32 v47, v34;
	(v2sf) =	vpush v47, $0xF  }
0x1a8: {  	v34 =	vnsel vm1, $0x200, v34;
	_ =	sdelay $0x4  }
0x1a9: {  	[tilespmem:v34+s26+$0x0] =	vst.idx.msk $0xffff, v25  }
0x1aa: {  	v34 =	vld [tilespmem:$0x180];
	_ =	sdelay $0x4  }
0x1ab: {  	vm1 =	vne.s32 v34, $0x0  }
0x1ac: {  	v34 =	vsel vm1, $0x1, v2  }
0x1ad: {  	(xrf0) =	vadd.scan.msk.s32 $0xffff, v34  }
0x1ae: {  	s15 =	spop (v2sf)  }
0x1af: {  	s28 =	sadd.s32 s28, s15  }
0x1b0: {  	v48 =	vmov s28  }
0x1b1: {  	v34 =	vadd.s32 $0xFFFFFFFF, v48  }
0x1b2: {  	v34 =	vbroadcast v34, $0x0  }
0x1b3: {  	v49, _, _ =	vpop (xrf0)  }
0x1b4: {  	v34 =	vadd.s32 v49, v34;
	(v2sf) =	vpush v49, $0xF  }
0x1b5: {  	v34 =	vnsel vm1, $0x200, v34;
	_ =	sdelay $0x4  }
0x1b6: {  	[tilespmem:v34+s26+$0x0] =	vst.idx.msk $0xffff, v26  }
0x1b7: {  	v34 =	vld [tilespmem:$0x190];
	_ =	sdelay $0x4  }
0x1b8: {  	vm1 =	vne.s32 v34, $0x0  }
0x1b9: {  	v34 =	vsel vm1, $0x1, v2  }
0x1ba: {  	(xrf0) =	vadd.scan.msk.s32 $0xffff, v34  }
0x1bb: {  	s30 =	spop (v2sf)  }
0x1bc: {  	s28 =	sadd.s32 s28, s30  }
0x1bd: {  	v50 =	vmov s28  }
0x1be: {  	v34 =	vadd.s32 $0xFFFFFFFF, v50  }
0x1bf: {  	v34 =	vbroadcast v34, $0x0  }
0x1c0: {  	v51, _, _ =	vpop (xrf0)  }
0x1c1: {  	v34 =	vadd.s32 v51, v34;
	(v2sf) =	vpush v51, $0xF  }
0x1c2: {  	v34 =	vnsel vm1, $0x200, v34;
	_ =	sdelay $0x4  }
0x1c3: {  	[tilespmem:v34+s26+$0x0] =	vst.idx.msk $0xffff, v27  }
0x1c4: {  	v34 =	vld [tilespmem:$0x1A0];
	_ =	sdelay $0x4  }
0x1c5: {  	vm1 =	vne.s32 v34, $0x0  }
0x1c6: {  	v34 =	vsel vm1, $0x1, v2  }
0x1c7: {  	(xrf0) =	vadd.scan.msk.s32 $0xffff, v34  }
0x1c8: {  	s31 =	spop (v2sf)  }
0x1c9: {  	s28 =	sadd.s32 s28, s31  }
0x1ca: {  	v52 =	vmov s28  }
0x1cb: {  	v34 =	vadd.s32 $0xFFFFFFFF, v52  }
0x1cc: {  	v34 =	vbroadcast v34, $0x0  }
0x1cd: {  	v53, _, _ =	vpop (xrf0)  }
0x1ce: {  	v34 =	vadd.s32 v53, v34;
	(v2sf) =	vpush v53, $0xF  }
0x1cf: {  	v34 =	vnsel vm1, $0x200, v34;
	_ =	sdelay $0x4  }
0x1d0: {  	[tilespmem:v34+s26+$0x0] =	vst.idx.msk $0xffff, v28  }
0x1d1: {  	v34 =	vld [tilespmem:$0x1B0];
	_ =	sdelay $0x4  }
0x1d2: {  	vm1 =	vne.s32 v34, $0x0  }
0x1d3: {  	v34 =	vsel vm1, $0x1, v2  }
0x1d4: {  	(xrf0) =	vadd.scan.msk.s32 $0xffff, v34  }
0x1d5: {  	s0 =	spop (v2sf)  }
0x1d6: {  	s28 =	sadd.s32 s28, s0  }
0x1d7: {  	v54 =	vmov s28  }
0x1d8: {  	v34 =	vadd.s32 $0xFFFFFFFF, v54  }
0x1d9: {  	v34 =	vbroadcast v34, $0x0  }
0x1da: {  	v55, _, _ =	vpop (xrf0)  }
0x1db: {  	v34 =	vadd.s32 v55, v34;
	(v2sf) =	vpush v55, $0xF  }
0x1dc: {  	v34 =	vnsel vm1, $0x200, v34;
	_ =	sdelay $0x4  }
0x1dd: {  	[tilespmem:v34+s26+$0x0] =	vst.idx.msk $0xffff, v29  }
0x1de: {  	v34 =	vld [tilespmem:$0x1C0];
	_ =	sdelay $0x4  }
0x1df: {  	vm1 =	vne.s32 v34, $0x0  }
0x1e0: {  	v34 =	vsel vm1, $0x1, v2  }
0x1e1: {  	(xrf0) =	vadd.scan.msk.s32 $0xffff, v34  }
0x1e2: {  	s1 =	spop (v2sf)  }
0x1e3: {  	s28 =	sadd.s32 s28, s1  }
0x1e4: {  	v56 =	vmov s28  }
0x1e5: {  	v34 =	vadd.s32 $0xFFFFFFFF, v56  }
0x1e6: {  	v34 =	vbroadcast v34, $0x0  }
0x1e7: {  	v57, _, _ =	vpop (xrf0)  }
0x1e8: {  	v34 =	vadd.s32 v57, v34;
	(v2sf) =	vpush v57, $0xF  }
0x1e9: {  	v34 =	vnsel vm1, $0x200, v34;
	_ =	sdelay $0x4  }
0x1ea: {  	[tilespmem:v34+s26+$0x0] =	vst.idx.msk $0xffff, v30  }
0x1eb: {  	v34 =	vld [tilespmem:$0x1D0];
	_ =	sdelay $0x4  }
0x1ec: {  	vm1 =	vne.s32 v34, $0x0  }
0x1ed: {  	v34 =	vsel vm1, $0x1, v2  }
0x1ee: {  	(xrf0) =	vadd.scan.msk.s32 $0xffff, v34  }
0x1ef: {  	s13 =	spop (v2sf)  }
0x1f0: {  	s28 =	sadd.s32 s28, s13  }
0x1f1: {  	v58 =	vmov s28  }
0x1f2: {  	v34 =	vadd.s32 $0xFFFFFFFF, v58  }
0x1f3: {  	v34 =	vbroadcast v34, $0x0  }
0x1f4: {  	v59, _, _ =	vpop (xrf0)  }
0x1f5: {  	v34 =	vadd.s32 v59, v34;
	(v2sf) =	vpush v59, $0xF  }
0x1f6: {  	v34 =	vnsel vm1, $0x200, v34;
	_ =	sdelay $0x4  }
0x1f7: {  	[tilespmem:v34+s26+$0x0] =	vst.idx.msk $0xffff, v31  }
0x1f8: {  	v34 =	vld [tilespmem:$0x1E0];
	_ =	sdelay $0x4  }
0x1f9: {  	vm1 =	vne.s32 v34, $0x0  }
0x1fa: {  	v34 =	vsel vm1, $0x1, v2  }
0x1fb: {  	(xrf0) =	vadd.scan.msk.s32 $0xffff, v34  }
0x1fc: {  	s15 =	spop (v2sf)  }
0x1fd: {  	s28 =	sadd.s32 s28, s15  }
0x1fe: {  	v60 =	vmov s28  }
0x1ff: {  	v34 =	vadd.s32 $0xFFFFFFFF, v60  }
0x200: {  	v34 =	vbroadcast v34, $0x0  }
0x201: {  	v61, _, _ =	vpop (xrf0)  }
0x202: {  	v34 =	vadd.s32 v61, v34  }
0x203: {  	v34 =	vnsel vm1, $0x200, v34;
	_ =	sdelay $0x4  }
0x204: {  	[tilespmem:v34+s26+$0x0] =	vst.idx.msk $0xffff, v32  }
0x205: {  	v34 =	vld [tilespmem:$0x1F0];
	_ =	sdelay $0x4  }
0x206: {  	(v2sf) =	vpush v61, $0xF;
	vm1 =	vne.s32 v34, $0x0  }
0x207: {  	v34 =	vsel vm1, $0x1, v2  }
0x208: {  	(xrf0) =	vadd.scan.msk.s32 $0xffff, v34;
	_ =	sdelay $0x5  }
0x209: {  	v34, _, _ =	vpop (xrf0)  }
0x20a: {  	(v2sf) =	vpush v34, $0xF;
	_ =	sdelay $0x5  }
0x20b: {  	s30 =	spop (v2sf)  }
0x20c: {  	s28 =	sadd.s32 s28, s30  }
0x20d: {  	v62 =	vmov s28  }
0x20e: {  	v35 =	vadd.s32 $0xFFFFFFFF, v62  }
0x20f: {  	v35 =	vbroadcast v35, $0x0;
	_ =	sdelay $0x1  }
0x210: {  	v34 =	vadd.s32 v34, v35  }
0x211: {  	v35 =	vnsel vm1, $0x200, v34;
	_ =	sdelay $0x1  }
0x212: {  	s31 =	spop (v2sf)  }
0x213: {  	s28 =	sadd.s32 s28, s31  }
0x214: {  	v34 =	vmov s28  }
0x215: {  	[tilespmem:v35+s26+$0x0] =	vst.idx.msk $0xffff, v33;
	p1 =	slt.s32 s28, $0x1;
	v63 =	vnsel vm0, $0x0, v34  }
.Ltmp2:
0x216: {  	s0 =	simm.s32 $0x4410;
	[tilespmem:$0x4410] =	vst v63;
	(pc) =	sbr.rel @p1 .LBB2_5-.Ltmp2, $4  }
0x217: {  	[hbm4b:s7+s2] =	stream.linear.scatter [tilespmem:s0], [sflag:$0x2], $0x10, $0x38;
	[tilespmem:$0x46A0] =	vst v63  }
0x218: {  	_ =	swait.ge [sflag:s11], $0x10  }
0x219: {  	[sflag:s11] =	ssyncset.done $0x0  }
0x21a: {  	[sflag:s11] =	ssyncadd.s32 $0xFFFFFFF0  }
0x21b: {  	v35 =	vld [tilespmem:s26+$0x0];
	_ =	sdelay $0x4  }
0x21c: {  	v35 =	vshll.u32 v35, $0x4  }
0x21d: {  	v35 =	vbroadcast v35, $0x0;
	_ =	sdelay $0x1  }
0x21e: {  	v35 =	vor.u32 v1, v35;
	_ =	sdelay $0x3  }
0x21f: {  	p1 =	sgt.s32 s28, $0x1;
	s30 =	simm.s32 $0x0  }
.Ltmp3:
0x220: {  	v36 =	vor.u32 s30, v1;
	v35 =	vld.idx.msk [tilespmem:v35+s12+$0x0], $0xffff;
	(pc) =	sbr.rel @!p1 .LBB2_4-.Ltmp3, $2  }
0x221: {  	_ =	sdelay $0x2  }
0x222: {  	s29 =	simm.s32 $0x1  }
.LBB2_3:
0x223: {  	[tilespmem:v36+s14+$0x0] =	vst.idx.msk $0xffff, v35;
	s26 =	sadd.s32 $0x1, s26;
	s30 =	smov.u32 s29;
	s29 =	sadd.s32 $0x1, s29  }
0x224: {  	v35 =	vld [tilespmem:s26+$0x0];
	p1 =	slt.s32 s29, s28;
	_ =	sdelay $0x4  }
0x225: {  	v35 =	vshll.u32 v35, $0x4  }
0x226: {  	v35 =	vbroadcast v35, $0x0;
	_ =	sdelay $0x1  }
0x227: {  	v35 =	vor.u32 v1, v35;
	_ =	sdelay $0x1  }
.Ltmp4:
0x228: {  	(pc) =	sbr.rel @p1 .LBB2_3-.Ltmp4, $3  }
0x229: {  	_ =	sdelay $0x1  }
0x22a: {  	s30 =	sshll.u32 s30, $0x4;
	v35 =	vld.idx.msk [tilespmem:v35+s12+$0x0], $0xffff  }
0x22b: {  	v36 =	vor.u32 s30, v1  }
.Ltmp5:
0x22c: {  	_ = 	snop;
	(pc) =	sbr.rel .LBB2_4-.Ltmp5, $1  }
0x22d: {  	_ =	sdelay $0x3  }
.LBB2_6:
0x22e: {  	_ =	sfence.sel $0x180000  }
0x22f: {  	[bflag:$0x0] =	sbarrier.arrive $0xFFFF  }
0x230: {  	_ =	strace $0x90000047  }
0x231: {  	s0 =	stileid.u32;
	[bflag:$0x2] =	sbarrier.arrive $0xFFFF  }
0x232: {  	p0 =	sne.s32 s0, $0x0;
	s0 =	rddreg [dreg:$0x2]  }
0x233: {  	s0 =	sadd.s32 @!p0 $0x100000, s0  }
0x234: {  	[sflag:s0] =	ssyncadd.tile.s32 @!p0 $0x1;
	_ =	shalt  }
.Lfunc_end2:
_tile_overlayer_lowered:
.L_overlay_start_2:
0x235: {  	(tag) =	ssettag $0x2  }
0x236: {  	s0 =	rddreg [dreg:$0x0];
	s2 =	stileid.u32  }
0x237: {  	s1 =	rddreg [dreg:$0x1];
	p0 =	sne.s32 s2, $0x0  }
0x238: {  	s3 =	rddreg [dreg:$0x2];
	[bflag:$0x3] =	sbarrier.arrive $0xFFFF;
	s2 =	simm.s32 @!p0 $0x1C02  }
0x239: {  	[timem:s3], [sflag:s2] =	dma.local @!p0 [hbm:s0], s1  }
0x23a: {  	s0 =	simm.s32 @!p0 $0x2  }
0x23b: {  	_ =	swait.ge @!p0 [sflag:s0], s1  }
0x23c: {  	s1 =	ssub.s32 @!p0 $0x0, s1;
	[sflag:s0] =	ssyncset.done @!p0 $0x0  }
0x23d: {  	[sflag:s0] =	ssyncadd.s32 @!p0 s1  }
0x23e: {  	[bflag:$0x3] =	sbarrier.arrive $0xFFFF  }
0x23f: {  	_ =	shalt  }

</sc_bundles>
